<compile_context>
chip_gen: v7x
topology: tpu7x:2x2x1
jax: 0.10.2.dev20260603
libtpu: 0.0.44.dev20260713+nightly
codegen_flags: <defaults>
</compile_context>

<pallas_src>
import functools

import jax
import jax.numpy as jnp
from jax import lax
from jax.experimental import pallas as pl
from jax.experimental.pallas import tpu as pltpu
from jax.experimental.pallas import tpu_sc as plsc

DIM = 64
ROW = 128
LANES = 16
NUM_CORES = 2
NUM_SUBCORES = 16
NUM_WORKERS = NUM_CORES * NUM_SUBCORES


def _sc_dot_kernel(n_total: int, chunk: int):
    per_w = n_total // NUM_WORKERS
    n_chunks = per_w // chunk
    assert n_chunks % 2 == 0
    mesh = plsc.VectorSubcoreMesh(core_axis_name="c", subcore_axis_name="s")

    @functools.partial(
        pl.kernel,
        out_type=jax.ShapeDtypeStruct((n_total,), jnp.float32),
        mesh=mesh,
        scratch_types=[
            pltpu.VMEM((chunk,), jnp.int32),
            pltpu.VMEM((chunk,), jnp.int32),
            pltpu.VMEM((chunk,), jnp.int32),
            pltpu.VMEM((chunk,), jnp.int32),
            pltpu.VMEM((chunk, ROW), jnp.float32),
            pltpu.VMEM((chunk, ROW), jnp.float32),
            pltpu.VMEM((chunk, ROW), jnp.float32),
            pltpu.VMEM((chunk, ROW), jnp.float32),
            pltpu.VMEM((chunk,), jnp.float32),
            pltpu.VMEM((chunk,), jnp.float32),
            pltpu.SemaphoreType.DMA,
            pltpu.SemaphoreType.DMA,
        ],
        compiler_params=pltpu.CompilerParams(
            use_tc_tiling_on_sc=True, needs_layout_passes=False
        ),
    )
    def kern(tgt_hbm, ctx_hbm, tt_hbm, out_hbm,
             idx_t0, idx_t1, idx_c0, idx_c1,
             rows_t0, rows_t1, rows_c0, rows_c1,
             out_v0, out_v1, sem0, sem1):
        idx_t = (idx_t0, idx_t1)
        idx_c = (idx_c0, idx_c1)
        rows_t = (rows_t0, rows_t1)
        rows_c = (rows_c0, rows_c1)
        out_v = (out_v0, out_v1)
        sem = (sem0, sem1)
        wid = lax.axis_index("s") * NUM_CORES + lax.axis_index("c")
        wbase = wid * per_w

        def fire(slot, base):
            pltpu.sync_copy(tgt_hbm.at[pl.ds(base, chunk)], idx_t[slot])
            pltpu.sync_copy(ctx_hbm.at[pl.ds(base, chunk)], idx_c[slot])
            pltpu.async_copy(tt_hbm.at[idx_t[slot]], rows_t[slot], sem[slot])
            pltpu.async_copy(tt_hbm.at[idx_c[slot]], rows_c[slot], sem[slot])

        def drain(slot):
            pltpu.make_async_copy(
                tt_hbm.at[idx_t[slot]], rows_t[slot], sem[slot]).wait()
            pltpu.make_async_copy(
                tt_hbm.at[idx_c[slot]], rows_c[slot], sem[slot]).wait()

        def compute(slot, base):
            rt, rc, ov = rows_t[slot], rows_c[slot], out_v[slot]
            lanes = lax.iota(jnp.int32, LANES)

            def group_body(i, _):
                r0 = i * LANES
                out_acc = jnp.zeros((LANES,), jnp.float32)
                for rr in range(LANES):
                    r = r0 + rr
                    prods = [
                        rt[r, pl.ds(k * LANES, LANES)]
                        * rc[r, pl.ds(DIM + k * LANES, LANES)]
                        for k in range(DIM // LANES)
                    ]
                    s = (prods[0] + prods[1]) + (prods[2] + prods[3])
                    tot = jnp.sum(s)
                    out_acc = jnp.where(lanes == rr,
                                        jnp.full((LANES,), tot), out_acc)
                ov[pl.ds(r0, LANES)] = out_acc
                return 0

            lax.fori_loop(0, chunk // LANES, group_body, 0)
            pltpu.sync_copy(ov, out_hbm.at[pl.ds(base, chunk)])

        fire(0, wbase)

        def body(kk, _):
            c0 = wbase + (2 * kk) * chunk
            c1 = c0 + chunk
            fire(1, c1)
            drain(0)
            compute(0, c0)

            @pl.when(2 * kk + 2 < n_chunks)
            def _():
                fire(0, c1 + chunk)

            drain(1)
            compute(1, c1)
            return 0

        lax.fori_loop(0, n_chunks // 2, body, 0)

    return kern


def kernel(target, context, target_table, context_table):
    b, l = target.shape
    n_total = b * l
    tgt = target.reshape(n_total).astype(jnp.int32)
    ctx = context.reshape(n_total).astype(jnp.int32)
    t2 = jnp.concatenate([target_table, context_table], axis=1)
    sim = _sc_dot_kernel(n_total, chunk=160)(tgt, ctx, t2)
    return sim.reshape(b, l)

# --- scband reference (transcript-rebuilt; emitter-appended) ---
"""Pipeline reference for scband-item2-vec-18820546691789 (READ-ONLY COPY).

The authoritative reference and input builder live on the scoring server;
editing this copy changes nothing except your own understanding.
"""

import jax, jax.numpy as jnp
import numpy as np

VOCAB = 1000000
DIM = 64
B = 16384
L = 20

def setup_inputs(seed: int = 0) -> dict:
    key = jax.random.key(seed)
    k1, k2, k3, k4 = jax.random.split(key, 4)
    initrange = 0.5 / DIM
    target = jax.random.randint(k1, (B, L), 0, VOCAB, dtype=jnp.int64 if jax.config.jax_enable_x64 else jnp.int32)
    context = jax.random.randint(k2, (B, L), 0, VOCAB, dtype=jnp.int64 if jax.config.jax_enable_x64 else jnp.int32)
    target_table = jax.random.uniform(k3, (VOCAB, DIM), dtype=jnp.float32, minval=-initrange, maxval=initrange)
    context_table = jax.random.uniform(k4, (VOCAB, DIM), dtype=jnp.float32, minval=-initrange, maxval=initrange)
    return {"target": target, "context": context, "target_table": target_table, "context_table": context_table}

def reference(target, context, target_table, context_table):
    target_emb = jnp.take(target_table, target, axis=0)   # [B, L, D]
    context_emb = jnp.take(context_table, context, axis=0)  # [B, L, D]
    similarity = jnp.sum(target_emb * context_emb, axis=2)  # [B, L]
    return similarity

if __name__ == "__main__":
    import jax
    _d = setup_inputs()
    print(jax.jit(kernel)(*tuple(_d.values())))

</pallas_src>

<mosaic_0001>
#map = affine_map<(d0, d1) -> (0)>
#map1 = affine_map<(d0, d1) -> (0, 0)>
module attributes {stable_mosaic.version = 14 : i64} {
  func.func @kern(%arg0: i32, %arg1: i32, %arg2: memref<327680xi32, #tpu.memory_space<hbm>>, %arg3: memref<327680xi32, #tpu.memory_space<hbm>>, %arg4: memref<1000000x128xf32, #tpu.memory_space<hbm>>, %arg5: memref<327680xf32, #tpu.memory_space<hbm>>, %arg6: memref<160xi32, #tpu.memory_space<vmem>>, %arg7: memref<160xi32, #tpu.memory_space<vmem>>, %arg8: memref<160xi32, #tpu.memory_space<vmem>>, %arg9: memref<160xi32, #tpu.memory_space<vmem>>, %arg10: memref<160x128xf32, #tpu.memory_space<vmem>>, %arg11: memref<160x128xf32, #tpu.memory_space<vmem>>, %arg12: memref<160x128xf32, #tpu.memory_space<vmem>>, %arg13: memref<160x128xf32, #tpu.memory_space<vmem>>, %arg14: memref<160xf32, #tpu.memory_space<vmem>>, %arg15: memref<160xf32, #tpu.memory_space<vmem>>, %arg16: memref<!tpu.dma_semaphore, #tpu.memory_space<semaphore_mem>>, %arg17: memref<!tpu.dma_semaphore, #tpu.memory_space<semaphore_mem>>) attributes {dimension_semantics = [#tpu.dimension_semantics<core_parallel>, #tpu.dimension_semantics<subcore_parallel>], iteration_bounds = array<i64: 2, 16>, scalar_prefetch = 0 : i64, scratch_operands = 12 : i64, tpu.core_type = #tpu.core_type<sc_vector_subcore>, window_params = [{transform_indices = #map}, {transform_indices = #map}, {transform_indices = #map1}, {transform_indices = #map}]} {
    %mul3A = arith.constant 2 : i32
    %mul3A_0 = arith.muli %arg1, %mul3A : i32
    %add3A = arith.addi %mul3A_0, %arg0 : i32
    %mul3A_1 = arith.constant 10240 : i32
    %mul3A_2 = arith.muli %add3A, %mul3A_1 : i32
    "tpu.region"() ({
      %run_scoped3A = tpu.sem_alloc : memref<!tpu.dma_semaphore, #tpu.memory_space<semaphore_mem>>
      %dma_start3A_14 = tpu.memref_slice %arg2[%mul3A_2] : memref<327680xi32, #tpu.memory_space<hbm>> -> memref<160xi32, #tpu.memory_space<hbm>>
      %dma_start3A_15 = tpu.memref_slice %arg2[%mul3A_2] : memref<327680xi32, #tpu.memory_space<hbm>> -> memref<160xi32, #tpu.memory_space<hbm>>
      tpu.enqueue_dma source(%dma_start3A_15 : memref<160xi32, #tpu.memory_space<hbm>>) target(%arg6 : memref<160xi32, #tpu.memory_space<vmem>>) target_semaphore(%run_scoped3A : memref<!tpu.dma_semaphore, #tpu.memory_space<semaphore_mem>>)
      %dma_wait3A = tpu.memref_slice %arg2[%mul3A_2] : memref<327680xi32, #tpu.memory_space<hbm>> -> memref<160xi32, #tpu.memory_space<hbm>>
      %dma_wait3A_16 = tpu.memref_slice %arg2[%mul3A_2] : memref<327680xi32, #tpu.memory_space<hbm>> -> memref<160xi32, #tpu.memory_space<hbm>>
      tpu.wait_dma2 semaphore(%run_scoped3A : memref<!tpu.dma_semaphore, #tpu.memory_space<semaphore_mem>>) src(%dma_wait3A_16 : memref<160xi32, #tpu.memory_space<hbm>>) dst(%arg6 : memref<160xi32, #tpu.memory_space<vmem>>)
      tpu.yield
    }) : () -> ()
    "tpu.region"() ({
      %run_scoped3A = tpu.sem_alloc : memref<!tpu.dma_semaphore, #tpu.memory_space<semaphore_mem>>
      %dma_start3A_14 = tpu.memref_slice %arg3[%mul3A_2] : memref<327680xi32, #tpu.memory_space<hbm>> -> memref<160xi32, #tpu.memory_space<hbm>>
      %dma_start3A_15 = tpu.memref_slice %arg3[%mul3A_2] : memref<327680xi32, #tpu.memory_space<hbm>> -> memref<160xi32, #tpu.memory_space<hbm>>
      tpu.enqueue_dma source(%dma_start3A_15 : memref<160xi32, #tpu.memory_space<hbm>>) target(%arg8 : memref<160xi32, #tpu.memory_space<vmem>>) target_semaphore(%run_scoped3A : memref<!tpu.dma_semaphore, #tpu.memory_space<semaphore_mem>>)
      %dma_wait3A = tpu.memref_slice %arg3[%mul3A_2] : memref<327680xi32, #tpu.memory_space<hbm>> -> memref<160xi32, #tpu.memory_space<hbm>>
      %dma_wait3A_16 = tpu.memref_slice %arg3[%mul3A_2] : memref<327680xi32, #tpu.memory_space<hbm>> -> memref<160xi32, #tpu.memory_space<hbm>>
      tpu.wait_dma2 semaphore(%run_scoped3A : memref<!tpu.dma_semaphore, #tpu.memory_space<semaphore_mem>>) src(%dma_wait3A_16 : memref<160xi32, #tpu.memory_space<hbm>>) dst(%arg8 : memref<160xi32, #tpu.memory_space<vmem>>)
      tpu.yield
    }) : () -> ()
    %dma_start3A = arith.constant 0 : i32
    %dma_start3A_3 = arith.constant 0 : i32
    %dma_start3A_4 = tpu.memref_slice %arg4[%dma_start3A, %dma_start3A_3] : memref<1000000x128xf32, #tpu.memory_space<hbm>> -> memref<1000000x128xf32, #tpu.memory_space<hbm>>
    tpu.enqueue_indirect_dma source(%dma_start3A_4 : memref<1000000x128xf32, #tpu.memory_space<hbm>>) target(%arg10 : memref<160x128xf32, #tpu.memory_space<vmem>>) offsets(%arg6 : memref<160xi32, #tpu.memory_space<vmem>>) semaphore(%arg16 : memref<!tpu.dma_semaphore, #tpu.memory_space<semaphore_mem>>)
    %dma_start3A_5 = arith.constant 0 : i32
    %dma_start3A_6 = arith.constant 0 : i32
    %dma_start3A_7 = tpu.memref_slice %arg4[%dma_start3A_5, %dma_start3A_6] : memref<1000000x128xf32, #tpu.memory_space<hbm>> -> memref<1000000x128xf32, #tpu.memory_space<hbm>>
    tpu.enqueue_indirect_dma source(%dma_start3A_7 : memref<1000000x128xf32, #tpu.memory_space<hbm>>) target(%arg12 : memref<160x128xf32, #tpu.memory_space<vmem>>) offsets(%arg8 : memref<160xi32, #tpu.memory_space<vmem>>) semaphore(%arg16 : memref<!tpu.dma_semaphore, #tpu.memory_space<semaphore_mem>>)
    %scan3A = arith.constant 0 : i32
    %scan3A_8 = arith.constant 0 : i32
    %scan3A_9 = arith.constant 32 : i32
    %scan3A_10 = arith.addi %scan3A_8, %scan3A_9 : i32
    %scan3A_11 = arith.constant 1 : i32
    %scan3A_12 = scf.for %scan3A_14 = %scan3A_8 to %scan3A_10 step %scan3A_11 iter_args(%scan3A_15 = %scan3A) -> (i32)  : i32 {
      %mul3A_16 = arith.constant 2 : i32
      %mul3A_17 = arith.muli %mul3A_16, %scan3A_14 : i32
      %mul3A_18 = arith.constant 160 : i32
      %mul3A_19 = arith.muli %mul3A_17, %mul3A_18 : i32
      %add3A_20 = arith.addi %mul3A_2, %mul3A_19 : i32
      %add3A_21 = arith.constant 160 : i32
      %add3A_22 = arith.addi %add3A_20, %add3A_21 : i32
      "tpu.region"() ({
        %run_scoped3A = tpu.sem_alloc : memref<!tpu.dma_semaphore, #tpu.memory_space<semaphore_mem>>
        %dma_start3A_62 = tpu.memref_slice %arg2[%add3A_22] : memref<327680xi32, #tpu.memory_space<hbm>> -> memref<160xi32, #tpu.memory_space<hbm>>
        %dma_start3A_63 = tpu.memref_slice %arg2[%add3A_22] : memref<327680xi32, #tpu.memory_space<hbm>> -> memref<160xi32, #tpu.memory_space<hbm>>
        tpu.enqueue_dma source(%dma_start3A_63 : memref<160xi32, #tpu.memory_space<hbm>>) target(%arg7 : memref<160xi32, #tpu.memory_space<vmem>>) target_semaphore(%run_scoped3A : memref<!tpu.dma_semaphore, #tpu.memory_space<semaphore_mem>>)
        %dma_wait3A_64 = tpu.memref_slice %arg2[%add3A_22] : memref<327680xi32, #tpu.memory_space<hbm>> -> memref<160xi32, #tpu.memory_space<hbm>>
        %dma_wait3A_65 = tpu.memref_slice %arg2[%add3A_22] : memref<327680xi32, #tpu.memory_space<hbm>> -> memref<160xi32, #tpu.memory_space<hbm>>
        tpu.wait_dma2 semaphore(%run_scoped3A : memref<!tpu.dma_semaphore, #tpu.memory_space<semaphore_mem>>) src(%dma_wait3A_65 : memref<160xi32, #tpu.memory_space<hbm>>) dst(%arg7 : memref<160xi32, #tpu.memory_space<vmem>>)
        tpu.yield
      }) : () -> ()
      "tpu.region"() ({
        %run_scoped3A = tpu.sem_alloc : memref<!tpu.dma_semaphore, #tpu.memory_space<semaphore_mem>>
        %dma_start3A_62 = tpu.memref_slice %arg3[%add3A_22] : memref<327680xi32, #tpu.memory_space<hbm>> -> memref<160xi32, #tpu.memory_space<hbm>>
        %dma_start3A_63 = tpu.memref_slice %arg3[%add3A_22] : memref<327680xi32, #tpu.memory_space<hbm>> -> memref<160xi32, #tpu.memory_space<hbm>>
        tpu.enqueue_dma source(%dma_start3A_63 : memref<160xi32, #tpu.memory_space<hbm>>) target(%arg9 : memref<160xi32, #tpu.memory_space<vmem>>) target_semaphore(%run_scoped3A : memref<!tpu.dma_semaphore, #tpu.memory_space<semaphore_mem>>)
        %dma_wait3A_64 = tpu.memref_slice %arg3[%add3A_22] : memref<327680xi32, #tpu.memory_space<hbm>> -> memref<160xi32, #tpu.memory_space<hbm>>
        %dma_wait3A_65 = tpu.memref_slice %arg3[%add3A_22] : memref<327680xi32, #tpu.memory_space<hbm>> -> memref<160xi32, #tpu.memory_space<hbm>>
        tpu.wait_dma2 semaphore(%run_scoped3A : memref<!tpu.dma_semaphore, #tpu.memory_space<semaphore_mem>>) src(%dma_wait3A_65 : memref<160xi32, #tpu.memory_space<hbm>>) dst(%arg9 : memref<160xi32, #tpu.memory_space<vmem>>)
        tpu.yield
      }) : () -> ()
      %dma_start3A_23 = arith.constant 0 : i32
      %dma_start3A_24 = arith.constant 0 : i32
      %dma_start3A_25 = tpu.memref_slice %arg4[%dma_start3A_23, %dma_start3A_24] : memref<1000000x128xf32, #tpu.memory_space<hbm>> -> memref<1000000x128xf32, #tpu.memory_space<hbm>>
      tpu.enqueue_indirect_dma source(%dma_start3A_25 : memref<1000000x128xf32, #tpu.memory_space<hbm>>) target(%arg11 : memref<160x128xf32, #tpu.memory_space<vmem>>) offsets(%arg7 : memref<160xi32, #tpu.memory_space<vmem>>) semaphore(%arg17 : memref<!tpu.dma_semaphore, #tpu.memory_space<semaphore_mem>>)
      %dma_start3A_26 = arith.constant 0 : i32
      %dma_start3A_27 = arith.constant 0 : i32
      %dma_start3A_28 = tpu.memref_slice %arg4[%dma_start3A_26, %dma_start3A_27] : memref<1000000x128xf32, #tpu.memory_space<hbm>> -> memref<1000000x128xf32, #tpu.memory_space<hbm>>
      tpu.enqueue_indirect_dma source(%dma_start3A_28 : memref<1000000x128xf32, #tpu.memory_space<hbm>>) target(%arg13 : memref<160x128xf32, #tpu.memory_space<vmem>>) offsets(%arg9 : memref<160xi32, #tpu.memory_space<vmem>>) semaphore(%arg17 : memref<!tpu.dma_semaphore, #tpu.memory_space<semaphore_mem>>)
      %dma_wait3A = arith.constant 0 : i32
      %dma_wait3A_29 = arith.constant 0 : i32
      %dma_wait3A_30 = tpu.memref_slice %arg4[%dma_wait3A, %dma_wait3A_29] : memref<1000000x128xf32, #tpu.memory_space<hbm>> -> memref<1000000x128xf32, #tpu.memory_space<hbm>>
      tpu.wait_indirect_dma semaphore(%arg16 : memref<!tpu.dma_semaphore, #tpu.memory_space<semaphore_mem>>) src(%dma_wait3A_30 : memref<1000000x128xf32, #tpu.memory_space<hbm>>) dst(%arg10 : memref<160x128xf32, #tpu.memory_space<vmem>>)
      %dma_wait3A_31 = arith.constant 0 : i32
      %dma_wait3A_32 = arith.constant 0 : i32
      %dma_wait3A_33 = tpu.memref_slice %arg4[%dma_wait3A_31, %dma_wait3A_32] : memref<1000000x128xf32, #tpu.memory_space<hbm>> -> memref<1000000x128xf32, #tpu.memory_space<hbm>>
      tpu.wait_indirect_dma semaphore(%arg16 : memref<!tpu.dma_semaphore, #tpu.memory_space<semaphore_mem>>) src(%dma_wait3A_33 : memref<1000000x128xf32, #tpu.memory_space<hbm>>) dst(%arg12 : memref<160x128xf32, #tpu.memory_space<vmem>>)
      %iota3A = tpu.iota {dimensions = array<i32: 0>} : vector<16xi32>
      %scan3A_34 = arith.constant 0 : i32
      %scan3A_35 = arith.constant 0 : i32
      %scan3A_36 = arith.constant 10 : i32
      %scan3A_37 = arith.addi %scan3A_35, %scan3A_36 : i32
      %scan3A_38 = arith.constant 1 : i32
      %scan3A_39 = scf.for %scan3A_62 = %scan3A_35 to %scan3A_37 step %scan3A_38 iter_args(%scan3A_63 = %scan3A_34) -> (i32)  : i32 {
        %mul3A_64 = arith.constant 16 : i32
        %mul3A_65 = arith.muli %scan3A_62, %mul3A_64 : i32
        %broadcast_in_dim3A = arith.constant 0.000000e+00 : f32
        %broadcast_in_dim3A_66 = vector.broadcast %broadcast_in_dim3A : f32 to vector<16xf32>
        %add3A_67 = arith.constant 0 : i32
        %add3A_68 = arith.addi %mul3A_65, %add3A_67 : i32
        %get3A = arith.index_cast %add3A_68 : i32 to index
        %get3A_69 = arith.constant 0 : index
        %get3A_70 = tpu.vector_load %arg10[%get3A, %get3A_69] {strides = array<i32>} : memref<160x128xf32, #tpu.memory_space<vmem>>, vector<16xf32>,
        %get3A_71 = arith.index_cast %add3A_68 : i32 to index
        %get3A_72 = arith.constant 64 : index
        %get3A_73 = tpu.vector_load %arg12[%get3A_71, %get3A_72] {strides = array<i32>} : memref<160x128xf32, #tpu.memory_space<vmem>>, vector<16xf32>,
        %mul3A_74 = arith.mulf %get3A_70, %get3A_73 : vector<16xf32>
        %get3A_75 = arith.index_cast %add3A_68 : i32 to index
        %get3A_76 = arith.constant 16 : index
        %get3A_77 = tpu.vector_load %arg10[%get3A_75, %get3A_76] {strides = array<i32>} : memref<160x128xf32, #tpu.memory_space<vmem>>, vector<16xf32>,
        %get3A_78 = arith.index_cast %add3A_68 : i32 to index
        %get3A_79 = arith.constant 80 : index
        %get3A_80 = tpu.vector_load %arg12[%get3A_78, %get3A_79] {strides = array<i32>} : memref<160x128xf32, #tpu.memory_space<vmem>>, vector<16xf32>,
        %mul3A_81 = arith.mulf %get3A_77, %get3A_80 : vector<16xf32>
        %get3A_82 = arith.index_cast %add3A_68 : i32 to index
        %get3A_83 = arith.constant 32 : index
        %get3A_84 = tpu.vector_load %arg10[%get3A_82, %get3A_83] {strides = array<i32>} : memref<160x128xf32, #tpu.memory_space<vmem>>, vector<16xf32>,
        %get3A_85 = arith.index_cast %add3A_68 : i32 to index
        %get3A_86 = arith.constant 96 : index
        %get3A_87 = tpu.vector_load %arg12[%get3A_85, %get3A_86] {strides = array<i32>} : memref<160x128xf32, #tpu.memory_space<vmem>>, vector<16xf32>,
        %mul3A_88 = arith.mulf %get3A_84, %get3A_87 : vector<16xf32>
        %get3A_89 = arith.index_cast %add3A_68 : i32 to index
        %get3A_90 = arith.constant 48 : index
        %get3A_91 = tpu.vector_load %arg10[%get3A_89, %get3A_90] {strides = array<i32>} : memref<160x128xf32, #tpu.memory_space<vmem>>, vector<16xf32>,
        %get3A_92 = arith.index_cast %add3A_68 : i32 to index
        %get3A_93 = arith.constant 112 : index
        %get3A_94 = tpu.vector_load %arg12[%get3A_92, %get3A_93] {strides = array<i32>} : memref<160x128xf32, #tpu.memory_space<vmem>>, vector<16xf32>,
        %mul3A_95 = arith.mulf %get3A_91, %get3A_94 : vector<16xf32>
        %add3A_96 = arith.addf %mul3A_74, %mul3A_81 : vector<16xf32>
        %add3A_97 = arith.addf %mul3A_88, %mul3A_95 : vector<16xf32>
        %add3A_98 = arith.addf %add3A_96, %add3A_97 : vector<16xf32>
        %reduce_sum3A = arith.constant true
        %reduce_sum3A_99 = vector.broadcast %reduce_sum3A : i1 to vector<16xi1>
        %reduce_sum3A_100 = tpu.scan <sum>, %add3A_98 masked %reduce_sum3A_99 : vector<16xf32>, vector<16xi1> -> vector<16xf32>
        %reduce_sum3A_101 = vector.extract %reduce_sum3A_100[15] : f32 from vector<16xf32>
        %eq3A = arith.constant 0 : i32
        %eq3A_102 = vector.broadcast %eq3A : i32 to vector<16xi32>
        %eq3A_103 = arith.cmpi eq, %iota3A, %eq3A_102 : vector<16xi32>
        %broadcast_in_dim3A_104 = vector.broadcast %reduce_sum3A_101 : f32 to vector<16xf32>
        %select_n3A = arith.select %eq3A_103, %broadcast_in_dim3A_104, %broadcast_in_dim3A_66 : vector<16xi1>, vector<16xf32>
        %add3A_105 = arith.constant 1 : i32
        %add3A_106 = arith.addi %mul3A_65, %add3A_105 : i32
        %get3A_107 = arith.index_cast %add3A_106 : i32 to index
        %get3A_108 = arith.constant 0 : index
        %get3A_109 = tpu.vector_load %arg10[%get3A_107, %get3A_108] {strides = array<i32>} : memref<160x128xf32, #tpu.memory_space<vmem>>, vector<16xf32>,
        %get3A_110 = arith.index_cast %add3A_106 : i32 to index
        %get3A_111 = arith.constant 64 : index
        %get3A_112 = tpu.vector_load %arg12[%get3A_110, %get3A_111] {strides = array<i32>} : memref<160x128xf32, #tpu.memory_space<vmem>>, vector<16xf32>,
        %mul3A_113 = arith.mulf %get3A_109, %get3A_112 : vector<16xf32>
        %get3A_114 = arith.index_cast %add3A_106 : i32 to index
        %get3A_115 = arith.constant 16 : index
        %get3A_116 = tpu.vector_load %arg10[%get3A_114, %get3A_115] {strides = array<i32>} : memref<160x128xf32, #tpu.memory_space<vmem>>, vector<16xf32>,
        %get3A_117 = arith.index_cast %add3A_106 : i32 to index
        %get3A_118 = arith.constant 80 : index
        %get3A_119 = tpu.vector_load %arg12[%get3A_117, %get3A_118] {strides = array<i32>} : memref<160x128xf32, #tpu.memory_space<vmem>>, vector<16xf32>,
        %mul3A_120 = arith.mulf %get3A_116, %get3A_119 : vector<16xf32>
        %get3A_121 = arith.index_cast %add3A_106 : i32 to index
        %get3A_122 = arith.constant 32 : index
        %get3A_123 = tpu.vector_load %arg10[%get3A_121, %get3A_122] {strides = array<i32>} : memref<160x128xf32, #tpu.memory_space<vmem>>, vector<16xf32>,
        %get3A_124 = arith.index_cast %add3A_106 : i32 to index
        %get3A_125 = arith.constant 96 : index
        %get3A_126 = tpu.vector_load %arg12[%get3A_124, %get3A_125] {strides = array<i32>} : memref<160x128xf32, #tpu.memory_space<vmem>>, vector<16xf32>,
        %mul3A_127 = arith.mulf %get3A_123, %get3A_126 : vector<16xf32>
        %get3A_128 = arith.index_cast %add3A_106 : i32 to index
        %get3A_129 = arith.constant 48 : index
        %get3A_130 = tpu.vector_load %arg10[%get3A_128, %get3A_129] {strides = array<i32>} : memref<160x128xf32, #tpu.memory_space<vmem>>, vector<16xf32>,
        %get3A_131 = arith.index_cast %add3A_106 : i32 to index
        %get3A_132 = arith.constant 112 : index
        %get3A_133 = tpu.vector_load %arg12[%get3A_131, %get3A_132] {strides = array<i32>} : memref<160x128xf32, #tpu.memory_space<vmem>>, vector<16xf32>,
        %mul3A_134 = arith.mulf %get3A_130, %get3A_133 : vector<16xf32>
        %add3A_135 = arith.addf %mul3A_113, %mul3A_120 : vector<16xf32>
        %add3A_136 = arith.addf %mul3A_127, %mul3A_134 : vector<16xf32>
        %add3A_137 = arith.addf %add3A_135, %add3A_136 : vector<16xf32>
        %reduce_sum3A_138 = arith.constant true
        %reduce_sum3A_139 = vector.broadcast %reduce_sum3A_138 : i1 to vector<16xi1>
        %reduce_sum3A_140 = tpu.scan <sum>, %add3A_137 masked %reduce_sum3A_139 : vector<16xf32>, vector<16xi1> -> vector<16xf32>
        %reduce_sum3A_141 = vector.extract %reduce_sum3A_140[15] : f32 from vector<16xf32>
        %eq3A_142 = arith.constant 1 : i32
        %eq3A_143 = vector.broadcast %eq3A_142 : i32 to vector<16xi32>
        %eq3A_144 = arith.cmpi eq, %iota3A, %eq3A_143 : vector<16xi32>
        %broadcast_in_dim3A_145 = vector.broadcast %reduce_sum3A_141 : f32 to vector<16xf32>
        %select_n3A_146 = arith.select %eq3A_144, %broadcast_in_dim3A_145, %select_n3A : vector<16xi1>, vector<16xf32>
        %add3A_147 = arith.constant 2 : i32
        %add3A_148 = arith.addi %mul3A_65, %add3A_147 : i32
        %get3A_149 = arith.index_cast %add3A_148 : i32 to index
        %get3A_150 = arith.constant 0 : index
        %get3A_151 = tpu.vector_load %arg10[%get3A_149, %get3A_150] {strides = array<i32>} : memref<160x128xf32, #tpu.memory_space<vmem>>, vector<16xf32>,
        %get3A_152 = arith.index_cast %add3A_148 : i32 to index
        %get3A_153 = arith.constant 64 : index
        %get3A_154 = tpu.vector_load %arg12[%get3A_152, %get3A_153] {strides = array<i32>} : memref<160x128xf32, #tpu.memory_space<vmem>>, vector<16xf32>,
        %mul3A_155 = arith.mulf %get3A_151, %get3A_154 : vector<16xf32>
        %get3A_156 = arith.index_cast %add3A_148 : i32 to index
        %get3A_157 = arith.constant 16 : index
        %get3A_158 = tpu.vector_load %arg10[%get3A_156, %get3A_157] {strides = array<i32>} : memref<160x128xf32, #tpu.memory_space<vmem>>, vector<16xf32>,
        %get3A_159 = arith.index_cast %add3A_148 : i32 to index
        %get3A_160 = arith.constant 80 : index
        %get3A_161 = tpu.vector_load %arg12[%get3A_159, %get3A_160] {strides = array<i32>} : memref<160x128xf32, #tpu.memory_space<vmem>>, vector<16xf32>,
        %mul3A_162 = arith.mulf %get3A_158, %get3A_161 : vector<16xf32>
        %get3A_163 = arith.index_cast %add3A_148 : i32 to index
        %get3A_164 = arith.constant 32 : index
        %get3A_165 = tpu.vector_load %arg10[%get3A_163, %get3A_164] {strides = array<i32>} : memref<160x128xf32, #tpu.memory_space<vmem>>, vector<16xf32>,
        %get3A_166 = arith.index_cast %add3A_148 : i32 to index
        %get3A_167 = arith.constant 96 : index
        %get3A_168 = tpu.vector_load %arg12[%get3A_166, %get3A_167] {strides = array<i32>} : memref<160x128xf32, #tpu.memory_space<vmem>>, vector<16xf32>,
        %mul3A_169 = arith.mulf %get3A_165, %get3A_168 : vector<16xf32>
        %get3A_170 = arith.index_cast %add3A_148 : i32 to index
        %get3A_171 = arith.constant 48 : index
        %get3A_172 = tpu.vector_load %arg10[%get3A_170, %get3A_171] {strides = array<i32>} : memref<160x128xf32, #tpu.memory_space<vmem>>, vector<16xf32>,
        %get3A_173 = arith.index_cast %add3A_148 : i32 to index
        %get3A_174 = arith.constant 112 : index
        %get3A_175 = tpu.vector_load %arg12[%get3A_173, %get3A_174] {strides = array<i32>} : memref<160x128xf32, #tpu.memory_space<vmem>>, vector<16xf32>,
        %mul3A_176 = arith.mulf %get3A_172, %get3A_175 : vector<16xf32>
        %add3A_177 = arith.addf %mul3A_155, %mul3A_162 : vector<16xf32>
        %add3A_178 = arith.addf %mul3A_169, %mul3A_176 : vector<16xf32>
        %add3A_179 = arith.addf %add3A_177, %add3A_178 : vector<16xf32>
        %reduce_sum3A_180 = arith.constant true
        %reduce_sum3A_181 = vector.broadcast %reduce_sum3A_180 : i1 to vector<16xi1>
        %reduce_sum3A_182 = tpu.scan <sum>, %add3A_179 masked %reduce_sum3A_181 : vector<16xf32>, vector<16xi1> -> vector<16xf32>
        %reduce_sum3A_183 = vector.extract %reduce_sum3A_182[15] : f32 from vector<16xf32>
        %eq3A_184 = arith.constant 2 : i32
        %eq3A_185 = vector.broadcast %eq3A_184 : i32 to vector<16xi32>
        %eq3A_186 = arith.cmpi eq, %iota3A, %eq3A_185 : vector<16xi32>
        %broadcast_in_dim3A_187 = vector.broadcast %reduce_sum3A_183 : f32 to vector<16xf32>
        %select_n3A_188 = arith.select %eq3A_186, %broadcast_in_dim3A_187, %select_n3A_146 : vector<16xi1>, vector<16xf32>
        %add3A_189 = arith.constant 3 : i32
        %add3A_190 = arith.addi %mul3A_65, %add3A_189 : i32
        %get3A_191 = arith.index_cast %add3A_190 : i32 to index
        %get3A_192 = arith.constant 0 : index
        %get3A_193 = tpu.vector_load %arg10[%get3A_191, %get3A_192] {strides = array<i32>} : memref<160x128xf32, #tpu.memory_space<vmem>>, vector<16xf32>,
        %get3A_194 = arith.index_cast %add3A_190 : i32 to index
        %get3A_195 = arith.constant 64 : index
        %get3A_196 = tpu.vector_load %arg12[%get3A_194, %get3A_195] {strides = array<i32>} : memref<160x128xf32, #tpu.memory_space<vmem>>, vector<16xf32>,
        %mul3A_197 = arith.mulf %get3A_193, %get3A_196 : vector<16xf32>
        %get3A_198 = arith.index_cast %add3A_190 : i32 to index
        %get3A_199 = arith.constant 16 : index
        %get3A_200 = tpu.vector_load %arg10[%get3A_198, %get3A_199] {strides = array<i32>} : memref<160x128xf32, #tpu.memory_space<vmem>>, vector<16xf32>,
        %get3A_201 = arith.index_cast %add3A_190 : i32 to index
        %get3A_202 = arith.constant 80 : index
        %get3A_203 = tpu.vector_load %arg12[%get3A_201, %get3A_202] {strides = array<i32>} : memref<160x128xf32, #tpu.memory_space<vmem>>, vector<16xf32>,
        %mul3A_204 = arith.mulf %get3A_200, %get3A_203 : vector<16xf32>
        %get3A_205 = arith.index_cast %add3A_190 : i32 to index
        %get3A_206 = arith.constant 32 : index
        %get3A_207 = tpu.vector_load %arg10[%get3A_205, %get3A_206] {strides = array<i32>} : memref<160x128xf32, #tpu.memory_space<vmem>>, vector<16xf32>,
        %get3A_208 = arith.index_cast %add3A_190 : i32 to index
        %get3A_209 = arith.constant 96 : index
        %get3A_210 = tpu.vector_load %arg12[%get3A_208, %get3A_209] {strides = array<i32>} : memref<160x128xf32, #tpu.memory_space<vmem>>, vector<16xf32>,
        %mul3A_211 = arith.mulf %get3A_207, %get3A_210 : vector<16xf32>
        %get3A_212 = arith.index_cast %add3A_190 : i32 to index
        %get3A_213 = arith.constant 48 : index
        %get3A_214 = tpu.vector_load %arg10[%get3A_212, %get3A_213] {strides = array<i32>} : memref<160x128xf32, #tpu.memory_space<vmem>>, vector<16xf32>,
        %get3A_215 = arith.index_cast %add3A_190 : i32 to index
        %get3A_216 = arith.constant 112 : index
        %get3A_217 = tpu.vector_load %arg12[%get3A_215, %get3A_216] {strides = array<i32>} : memref<160x128xf32, #tpu.memory_space<vmem>>, vector<16xf32>,
        %mul3A_218 = arith.mulf %get3A_214, %get3A_217 : vector<16xf32>
        %add3A_219 = arith.addf %mul3A_197, %mul3A_204 : vector<16xf32>
        %add3A_220 = arith.addf %mul3A_211, %mul3A_218 : vector<16xf32>
        %add3A_221 = arith.addf %add3A_219, %add3A_220 : vector<16xf32>
        %reduce_sum3A_222 = arith.constant true
        %reduce_sum3A_223 = vector.broadcast %reduce_sum3A_222 : i1 to vector<16xi1>
        %reduce_sum3A_224 = tpu.scan <sum>, %add3A_221 masked %reduce_sum3A_223 : vector<16xf32>, vector<16xi1> -> vector<16xf32>
        %reduce_sum3A_225 = vector.extract %reduce_sum3A_224[15] : f32 from vector<16xf32>
        %eq3A_226 = arith.constant 3 : i32
        %eq3A_227 = vector.broadcast %eq3A_226 : i32 to vector<16xi32>
        %eq3A_228 = arith.cmpi eq, %iota3A, %eq3A_227 : vector<16xi32>
        %broadcast_in_dim3A_229 = vector.broadcast %reduce_sum3A_225 : f32 to vector<16xf32>
        %select_n3A_230 = arith.select %eq3A_228, %broadcast_in_dim3A_229, %select_n3A_188 : vector<16xi1>, vector<16xf32>
        %add3A_231 = arith.constant 4 : i32
        %add3A_232 = arith.addi %mul3A_65, %add3A_231 : i32
        %get3A_233 = arith.index_cast %add3A_232 : i32 to index
        %get3A_234 = arith.constant 0 : index
        %get3A_235 = tpu.vector_load %arg10[%get3A_233, %get3A_234] {strides = array<i32>} : memref<160x128xf32, #tpu.memory_space<vmem>>, vector<16xf32>,
        %get3A_236 = arith.index_cast %add3A_232 : i32 to index
        %get3A_237 = arith.constant 64 : index
        %get3A_238 = tpu.vector_load %arg12[%get3A_236, %get3A_237] {strides = array<i32>} : memref<160x128xf32, #tpu.memory_space<vmem>>, vector<16xf32>,
        %mul3A_239 = arith.mulf %get3A_235, %get3A_238 : vector<16xf32>
        %get3A_240 = arith.index_cast %add3A_232 : i32 to index
        %get3A_241 = arith.constant 16 : index
        %get3A_242 = tpu.vector_load %arg10[%get3A_240, %get3A_241] {strides = array<i32>} : memref<160x128xf32, #tpu.memory_space<vmem>>, vector<16xf32>,
        %get3A_243 = arith.index_cast %add3A_232 : i32 to index
        %get3A_244 = arith.constant 80 : index
        %get3A_245 = tpu.vector_load %arg12[%get3A_243, %get3A_244] {strides = array<i32>} : memref<160x128xf32, #tpu.memory_space<vmem>>, vector<16xf32>,
        %mul3A_246 = arith.mulf %get3A_242, %get3A_245 : vector<16xf32>
        %get3A_247 = arith.index_cast %add3A_232 : i32 to index
        %get3A_248 = arith.constant 32 : index
        %get3A_249 = tpu.vector_load %arg10[%get3A_247, %get3A_248] {strides = array<i32>} : memref<160x128xf32, #tpu.memory_space<vmem>>, vector<16xf32>,
        %get3A_250 = arith.index_cast %add3A_232 : i32 to index
        %get3A_251 = arith.constant 96 : index
        %get3A_252 = tpu.vector_load %arg12[%get3A_250, %get3A_251] {strides = array<i32>} : memref<160x128xf32, #tpu.memory_space<vmem>>, vector<16xf32>,
        %mul3A_253 = arith.mulf %get3A_249, %get3A_252 : vector<16xf32>
        %get3A_254 = arith.index_cast %add3A_232 : i32 to index
        %get3A_255 = arith.constant 48 : index
        %get3A_256 = tpu.vector_load %arg10[%get3A_254, %get3A_255] {strides = array<i32>} : memref<160x128xf32, #tpu.memory_space<vmem>>, vector<16xf32>,
        %get3A_257 = arith.index_cast %add3A_232 : i32 to index
        %get3A_258 = arith.constant 112 : index
        %get3A_259 = tpu.vector_load %arg12[%get3A_257, %get3A_258] {strides = array<i32>} : memref<160x128xf32, #tpu.memory_space<vmem>>, vector<16xf32>,
        %mul3A_260 = arith.mulf %get3A_256, %get3A_259 : vector<16xf32>
        %add3A_261 = arith.addf %mul3A_239, %mul3A_246 : vector<16xf32>
        %add3A_262 = arith.addf %mul3A_253, %mul3A_260 : vector<16xf32>
        %add3A_263 = arith.addf %add3A_261, %add3A_262 : vector<16xf32>
        %reduce_sum3A_264 = arith.constant true
        %reduce_sum3A_265 = vector.broadcast %reduce_sum3A_264 : i1 to vector<16xi1>
        %reduce_sum3A_266 = tpu.scan <sum>, %add3A_263 masked %reduce_sum3A_265 : vector<16xf32>, vector<16xi1> -> vector<16xf32>
        %reduce_sum3A_267 = vector.extract %reduce_sum3A_266[15] : f32 from vector<16xf32>
        %eq3A_268 = arith.constant 4 : i32
        %eq3A_269 = vector.broadcast %eq3A_268 : i32 to vector<16xi32>
        %eq3A_270 = arith.cmpi eq, %iota3A, %eq3A_269 : vector<16xi32>
        %broadcast_in_dim3A_271 = vector.broadcast %reduce_sum3A_267 : f32 to vector<16xf32>
        %select_n3A_272 = arith.select %eq3A_270, %broadcast_in_dim3A_271, %select_n3A_230 : vector<16xi1>, vector<16xf32>
        %add3A_273 = arith.constant 5 : i32
        %add3A_274 = arith.addi %mul3A_65, %add3A_273 : i32
        %get3A_275 = arith.index_cast %add3A_274 : i32 to index
        %get3A_276 = arith.constant 0 : index
        %get3A_277 = tpu.vector_load %arg10[%get3A_275, %get3A_276] {strides = array<i32>} : memref<160x128xf32, #tpu.memory_space<vmem>>, vector<16xf32>,
        %get3A_278 = arith.index_cast %add3A_274 : i32 to index
        %get3A_279 = arith.constant 64 : index
        %get3A_280 = tpu.vector_load %arg12[%get3A_278, %get3A_279] {strides = array<i32>} : memref<160x128xf32, #tpu.memory_space<vmem>>, vector<16xf32>,
        %mul3A_281 = arith.mulf %get3A_277, %get3A_280 : vector<16xf32>
        %get3A_282 = arith.index_cast %add3A_274 : i32 to index
        %get3A_283 = arith.constant 16 : index
        %get3A_284 = tpu.vector_load %arg10[%get3A_282, %get3A_283] {strides = array<i32>} : memref<160x128xf32, #tpu.memory_space<vmem>>, vector<16xf32>,
        %get3A_285 = arith.index_cast %add3A_274 : i32 to index
        %get3A_286 = arith.constant 80 : index
        %get3A_287 = tpu.vector_load %arg12[%get3A_285, %get3A_286] {strides = array<i32>} : memref<160x128xf32, #tpu.memory_space<vmem>>, vector<16xf32>,
        %mul3A_288 = arith.mulf %get3A_284, %get3A_287 : vector<16xf32>
        %get3A_289 = arith.index_cast %add3A_274 : i32 to index
        %get3A_290 = arith.constant 32 : index
        %get3A_291 = tpu.vector_load %arg10[%get3A_289, %get3A_290] {strides = array<i32>} : memref<160x128xf32, #tpu.memory_space<vmem>>, vector<16xf32>,
        %get3A_292 = arith.index_cast %add3A_274 : i32 to index
        %get3A_293 = arith.constant 96 : index
        %get3A_294 = tpu.vector_load %arg12[%get3A_292, %get3A_293] {strides = array<i32>} : memref<160x128xf32, #tpu.memory_space<vmem>>, vector<16xf32>,
        %mul3A_295 = arith.mulf %get3A_291, %get3A_294 : vector<16xf32>
        %get3A_296 = arith.index_cast %add3A_274 : i32 to index
        %get3A_297 = arith.constant 48 : index
        %get3A_298 = tpu.vector_load %arg10[%get3A_296, %get3A_297] {strides = array<i32>} : memref<160x128xf32, #tpu.memory_space<vmem>>, vector<16xf32>,
        %get3A_299 = arith.index_cast %add3A_274 : i32 to index
        %get3A_300 = arith.constant 112 : index
        %get3A_301 = tpu.vector_load %arg12[%get3A_299, %get3A_300] {strides = array<i32>} : memref<160x128xf32, #tpu.memory_space<vmem>>, vector<16xf32>,
        %mul3A_302 = arith.mulf %get3A_298, %get3A_301 : vector<16xf32>
        %add3A_303 = arith.addf %mul3A_281, %mul3A_288 : vector<16xf32>
        %add3A_304 = arith.addf %mul3A_295, %mul3A_302 : vector<16xf32>
        %add3A_305 = arith.addf %add3A_303, %add3A_304 : vector<16xf32>
        %reduce_sum3A_306 = arith.constant true
        %reduce_sum3A_307 = vector.broadcast %reduce_sum3A_306 : i1 to vector<16xi1>
        %reduce_sum3A_308 = tpu.scan <sum>, %add3A_305 masked %reduce_sum3A_307 : vector<16xf32>, vector<16xi1> -> vector<16xf32>
        %reduce_sum3A_309 = vector.extract %reduce_sum3A_308[15] : f32 from vector<16xf32>
        %eq3A_310 = arith.constant 5 : i32
        %eq3A_311 = vector.broadcast %eq3A_310 : i32 to vector<16xi32>
        %eq3A_312 = arith.cmpi eq, %iota3A, %eq3A_311 : vector<16xi32>
        %broadcast_in_dim3A_313 = vector.broadcast %reduce_sum3A_309 : f32 to vector<16xf32>
        %select_n3A_314 = arith.select %eq3A_312, %broadcast_in_dim3A_313, %select_n3A_272 : vector<16xi1>, vector<16xf32>
        %add3A_315 = arith.constant 6 : i32
        %add3A_316 = arith.addi %mul3A_65, %add3A_315 : i32
        %get3A_317 = arith.index_cast %add3A_316 : i32 to index
        %get3A_318 = arith.constant 0 : index
        %get3A_319 = tpu.vector_load %arg10[%get3A_317, %get3A_318] {strides = array<i32>} : memref<160x128xf32, #tpu.memory_space<vmem>>, vector<16xf32>,
        %get3A_320 = arith.index_cast %add3A_316 : i32 to index
        %get3A_321 = arith.constant 64 : index
        %get3A_322 = tpu.vector_load %arg12[%get3A_320, %get3A_321] {strides = array<i32>} : memref<160x128xf32, #tpu.memory_space<vmem>>, vector<16xf32>,
        %mul3A_323 = arith.mulf %get3A_319, %get3A_322 : vector<16xf32>
        %get3A_324 = arith.index_cast %add3A_316 : i32 to index
        %get3A_325 = arith.constant 16 : index
        %get3A_326 = tpu.vector_load %arg10[%get3A_324, %get3A_325] {strides = array<i32>} : memref<160x128xf32, #tpu.memory_space<vmem>>, vector<16xf32>,
        %get3A_327 = arith.index_cast %add3A_316 : i32 to index
        %get3A_328 = arith.constant 80 : index
        %get3A_329 = tpu.vector_load %arg12[%get3A_327, %get3A_328] {strides = array<i32>} : memref<160x128xf32, #tpu.memory_space<vmem>>, vector<16xf32>,
        %mul3A_330 = arith.mulf %get3A_326, %get3A_329 : vector<16xf32>
        %get3A_331 = arith.index_cast %add3A_316 : i32 to index
        %get3A_332 = arith.constant 32 : index
        %get3A_333 = tpu.vector_load %arg10[%get3A_331, %get3A_332] {strides = array<i32>} : memref<160x128xf32, #tpu.memory_space<vmem>>, vector<16xf32>,
        %get3A_334 = arith.index_cast %add3A_316 : i32 to index
        %get3A_335 = arith.constant 96 : index
        %get3A_336 = tpu.vector_load %arg12[%get3A_334, %get3A_335] {strides = array<i32>} : memref<160x128xf32, #tpu.memory_space<vmem>>, vector<16xf32>,
        %mul3A_337 = arith.mulf %get3A_333, %get3A_336 : vector<16xf32>
        %get3A_338 = arith.index_cast %add3A_316 : i32 to index
        %get3A_339 = arith.constant 48 : index
        %get3A_340 = tpu.vector_load %arg10[%get3A_338, %get3A_339] {strides = array<i32>} : memref<160x128xf32, #tpu.memory_space<vmem>>, vector<16xf32>,
        %get3A_341 = arith.index_cast %add3A_316 : i32 to index
        %get3A_342 = arith.constant 112 : index
        %get3A_343 = tpu.vector_load %arg12[%get3A_341, %get3A_342] {strides = array<i32>} : memref<160x128xf32, #tpu.memory_space<vmem>>, vector<16xf32>,
        %mul3A_344 = arith.mulf %get3A_340, %get3A_343 : vector<16xf32>
        %add3A_345 = arith.addf %mul3A_323, %mul3A_330 : vector<16xf32>
        %add3A_346 = arith.addf %mul3A_337, %mul3A_344 : vector<16xf32>
        %add3A_347 = arith.addf %add3A_345, %add3A_346 : vector<16xf32>
        %reduce_sum3A_348 = arith.constant true
        %reduce_sum3A_349 = vector.broadcast %reduce_sum3A_348 : i1 to vector<16xi1>
        %reduce_sum3A_350 = tpu.scan <sum>, %add3A_347 masked %reduce_sum3A_349 : vector<16xf32>, vector<16xi1> -> vector<16xf32>
        %reduce_sum3A_351 = vector.extract %reduce_sum3A_350[15] : f32 from vector<16xf32>
        %eq3A_352 = arith.constant 6 : i32
        %eq3A_353 = vector.broadcast %eq3A_352 : i32 to vector<16xi32>
        %eq3A_354 = arith.cmpi eq, %iota3A, %eq3A_353 : vector<16xi32>
        %broadcast_in_dim3A_355 = vector.broadcast %reduce_sum3A_351 : f32 to vector<16xf32>
        %select_n3A_356 = arith.select %eq3A_354, %broadcast_in_dim3A_355, %select_n3A_314 : vector<16xi1>, vector<16xf32>
        %add3A_357 = arith.constant 7 : i32
        %add3A_358 = arith.addi %mul3A_65, %add3A_357 : i32
        %get3A_359 = arith.index_cast %add3A_358 : i32 to index
        %get3A_360 = arith.constant 0 : index
        %get3A_361 = tpu.vector_load %arg10[%get3A_359, %get3A_360] {strides = array<i32>} : memref<160x128xf32, #tpu.memory_space<vmem>>, vector<16xf32>,
        %get3A_362 = arith.index_cast %add3A_358 : i32 to index
        %get3A_363 = arith.constant 64 : index
        %get3A_364 = tpu.vector_load %arg12[%get3A_362, %get3A_363] {strides = array<i32>} : memref<160x128xf32, #tpu.memory_space<vmem>>, vector<16xf32>,
        %mul3A_365 = arith.mulf %get3A_361, %get3A_364 : vector<16xf32>
        %get3A_366 = arith.index_cast %add3A_358 : i32 to index
        %get3A_367 = arith.constant 16 : index
        %get3A_368 = tpu.vector_load %arg10[%get3A_366, %get3A_367] {strides = array<i32>} : memref<160x128xf32, #tpu.memory_space<vmem>>, vector<16xf32>,
        %get3A_369 = arith.index_cast %add3A_358 : i32 to index
        %get3A_370 = arith.constant 80 : index
        %get3A_371 = tpu.vector_load %arg12[%get3A_369, %get3A_370] {strides = array<i32>} : memref<160x128xf32, #tpu.memory_space<vmem>>, vector<16xf32>,
        %mul3A_372 = arith.mulf %get3A_368, %get3A_371 : vector<16xf32>
        %get3A_373 = arith.index_cast %add3A_358 : i32 to index
        %get3A_374 = arith.constant 32 : index
        %get3A_375 = tpu.vector_load %arg10[%get3A_373, %get3A_374] {strides = array<i32>} : memref<160x128xf32, #tpu.memory_space<vmem>>, vector<16xf32>,
        %get3A_376 = arith.index_cast %add3A_358 : i32 to index
        %get3A_377 = arith.constant 96 : index
        %get3A_378 = tpu.vector_load %arg12[%get3A_376, %get3A_377] {strides = array<i32>} : memref<160x128xf32, #tpu.memory_space<vmem>>, vector<16xf32>,
        %mul3A_379 = arith.mulf %get3A_375, %get3A_378 : vector<16xf32>
        %get3A_380 = arith.index_cast %add3A_358 : i32 to index
        %get3A_381 = arith.constant 48 : index
        %get3A_382 = tpu.vector_load %arg10[%get3A_380, %get3A_381] {strides = array<i32>} : memref<160x128xf32, #tpu.memory_space<vmem>>, vector<16xf32>,
        %get3A_383 = arith.index_cast %add3A_358 : i32 to index
        %get3A_384 = arith.constant 112 : index
        %get3A_385 = tpu.vector_load %arg12[%get3A_383, %get3A_384] {strides = array<i32>} : memref<160x128xf32, #tpu.memory_space<vmem>>, vector<16xf32>,
        %mul3A_386 = arith.mulf %get3A_382, %get3A_385 : vector<16xf32>
        %add3A_387 = arith.addf %mul3A_365, %mul3A_372 : vector<16xf32>
        %add3A_388 = arith.addf %mul3A_379, %mul3A_386 : vector<16xf32>
        %add3A_389 = arith.addf %add3A_387, %add3A_388 : vector<16xf32>
        %reduce_sum3A_390 = arith.constant true
        %reduce_sum3A_391 = vector.broadcast %reduce_sum3A_390 : i1 to vector<16xi1>
        %reduce_sum3A_392 = tpu.scan <sum>, %add3A_389 masked %reduce_sum3A_391 : vector<16xf32>, vector<16xi1> -> vector<16xf32>
        %reduce_sum3A_393 = vector.extract %reduce_sum3A_392[15] : f32 from vector<16xf32>
        %eq3A_394 = arith.constant 7 : i32
        %eq3A_395 = vector.broadcast %eq3A_394 : i32 to vector<16xi32>
        %eq3A_396 = arith.cmpi eq, %iota3A, %eq3A_395 : vector<16xi32>
        %broadcast_in_dim3A_397 = vector.broadcast %reduce_sum3A_393 : f32 to vector<16xf32>
        %select_n3A_398 = arith.select %eq3A_396, %broadcast_in_dim3A_397, %select_n3A_356 : vector<16xi1>, vector<16xf32>
        %add3A_399 = arith.constant 8 : i32
        %add3A_400 = arith.addi %mul3A_65, %add3A_399 : i32
        %get3A_401 = arith.index_cast %add3A_400 : i32 to index
        %get3A_402 = arith.constant 0 : index
        %get3A_403 = tpu.vector_load %arg10[%get3A_401, %get3A_402] {strides = array<i32>} : memref<160x128xf32, #tpu.memory_space<vmem>>, vector<16xf32>,
        %get3A_404 = arith.index_cast %add3A_400 : i32 to index
        %get3A_405 = arith.constant 64 : index
        %get3A_406 = tpu.vector_load %arg12[%get3A_404, %get3A_405] {strides = array<i32>} : memref<160x128xf32, #tpu.memory_space<vmem>>, vector<16xf32>,
        %mul3A_407 = arith.mulf %get3A_403, %get3A_406 : vector<16xf32>
        %get3A_408 = arith.index_cast %add3A_400 : i32 to index
        %get3A_409 = arith.constant 16 : index
        %get3A_410 = tpu.vector_load %arg10[%get3A_408, %get3A_409] {strides = array<i32>} : memref<160x128xf32, #tpu.memory_space<vmem>>, vector<16xf32>,
        %get3A_411 = arith.index_cast %add3A_400 : i32 to index
        %get3A_412 = arith.constant 80 : index
        %get3A_413 = tpu.vector_load %arg12[%get3A_411, %get3A_412] {strides = array<i32>} : memref<160x128xf32, #tpu.memory_space<vmem>>, vector<16xf32>,
        %mul3A_414 = arith.mulf %get3A_410, %get3A_413 : vector<16xf32>
        %get3A_415 = arith.index_cast %add3A_400 : i32 to index
        %get3A_416 = arith.constant 32 : index
        %get3A_417 = tpu.vector_load %arg10[%get3A_415, %get3A_416] {strides = array<i32>} : memref<160x128xf32, #tpu.memory_space<vmem>>, vector<16xf32>,
        %get3A_418 = arith.index_cast %add3A_400 : i32 to index
        %get3A_419 = arith.constant 96 : index
        %get3A_420 = tpu.vector_load %arg12[%get3A_418, %get3A_419] {strides = array<i32>} : memref<160x128xf32, #tpu.memory_space<vmem>>, vector<16xf32>,
        %mul3A_421 = arith.mulf %get3A_417, %get3A_420 : vector<16xf32>
        %get3A_422 = arith.index_cast %add3A_400 : i32 to index
        %get3A_423 = arith.constant 48 : index
        %get3A_424 = tpu.vector_load %arg10[%get3A_422, %get3A_423] {strides = array<i32>} : memref<160x128xf32, #tpu.memory_space<vmem>>, vector<16xf32>,
        %get3A_425 = arith.index_cast %add3A_400 : i32 to index
        %get3A_426 = arith.constant 112 : index
        %get3A_427 = tpu.vector_load %arg12[%get3A_425, %get3A_426] {strides = array<i32>} : memref<160x128xf32, #tpu.memory_space<vmem>>, vector<16xf32>,
        %mul3A_428 = arith.mulf %get3A_424, %get3A_427 : vector<16xf32>
        %add3A_429 = arith.addf %mul3A_407, %mul3A_414 : vector<16xf32>
        %add3A_430 = arith.addf %mul3A_421, %mul3A_428 : vector<16xf32>
        %add3A_431 = arith.addf %add3A_429, %add3A_430 : vector<16xf32>
        %reduce_sum3A_432 = arith.constant true
        %reduce_sum3A_433 = vector.broadcast %reduce_sum3A_432 : i1 to vector<16xi1>
        %reduce_sum3A_434 = tpu.scan <sum>, %add3A_431 masked %reduce_sum3A_433 : vector<16xf32>, vector<16xi1> -> vector<16xf32>
        %reduce_sum3A_435 = vector.extract %reduce_sum3A_434[15] : f32 from vector<16xf32>
        %eq3A_436 = arith.constant 8 : i32
        %eq3A_437 = vector.broadcast %eq3A_436 : i32 to vector<16xi32>
        %eq3A_438 = arith.cmpi eq, %iota3A, %eq3A_437 : vector<16xi32>
        %broadcast_in_dim3A_439 = vector.broadcast %reduce_sum3A_435 : f32 to vector<16xf32>
        %select_n3A_440 = arith.select %eq3A_438, %broadcast_in_dim3A_439, %select_n3A_398 : vector<16xi1>, vector<16xf32>
        %add3A_441 = arith.constant 9 : i32
        %add3A_442 = arith.addi %mul3A_65, %add3A_441 : i32
        %get3A_443 = arith.index_cast %add3A_442 : i32 to index
        %get3A_444 = arith.constant 0 : index
        %get3A_445 = tpu.vector_load %arg10[%get3A_443, %get3A_444] {strides = array<i32>} : memref<160x128xf32, #tpu.memory_space<vmem>>, vector<16xf32>,
        %get3A_446 = arith.index_cast %add3A_442 : i32 to index
        %get3A_447 = arith.constant 64 : index
        %get3A_448 = tpu.vector_load %arg12[%get3A_446, %get3A_447] {strides = array<i32>} : memref<160x128xf32, #tpu.memory_space<vmem>>, vector<16xf32>,
        %mul3A_449 = arith.mulf %get3A_445, %get3A_448 : vector<16xf32>
        %get3A_450 = arith.index_cast %add3A_442 : i32 to index
        %get3A_451 = arith.constant 16 : index
        %get3A_452 = tpu.vector_load %arg10[%get3A_450, %get3A_451] {strides = array<i32>} : memref<160x128xf32, #tpu.memory_space<vmem>>, vector<16xf32>,
        %get3A_453 = arith.index_cast %add3A_442 : i32 to index
        %get3A_454 = arith.constant 80 : index
        %get3A_455 = tpu.vector_load %arg12[%get3A_453, %get3A_454] {strides = array<i32>} : memref<160x128xf32, #tpu.memory_space<vmem>>, vector<16xf32>,
        %mul3A_456 = arith.mulf %get3A_452, %get3A_455 : vector<16xf32>
        %get3A_457 = arith.index_cast %add3A_442 : i32 to index
        %get3A_458 = arith.constant 32 : index
        %get3A_459 = tpu.vector_load %arg10[%get3A_457, %get3A_458] {strides = array<i32>} : memref<160x128xf32, #tpu.memory_space<vmem>>, vector<16xf32>,
        %get3A_460 = arith.index_cast %add3A_442 : i32 to index
        %get3A_461 = arith.constant 96 : index
        %get3A_462 = tpu.vector_load %arg12[%get3A_460, %get3A_461] {strides = array<i32>} : memref<160x128xf32, #tpu.memory_space<vmem>>, vector<16xf32>,
        %mul3A_463 = arith.mulf %get3A_459, %get3A_462 : vector<16xf32>
        %get3A_464 = arith.index_cast %add3A_442 : i32 to index
        %get3A_465 = arith.constant 48 : index
        %get3A_466 = tpu.vector_load %arg10[%get3A_464, %get3A_465] {strides = array<i32>} : memref<160x128xf32, #tpu.memory_space<vmem>>, vector<16xf32>,
        %get3A_467 = arith.index_cast %add3A_442 : i32 to index
        %get3A_468 = arith.constant 112 : index
        %get3A_469 = tpu.vector_load %arg12[%get3A_467, %get3A_468] {strides = array<i32>} : memref<160x128xf32, #tpu.memory_space<vmem>>, vector<16xf32>,
        %mul3A_470 = arith.mulf %get3A_466, %get3A_469 : vector<16xf32>
        %add3A_471 = arith.addf %mul3A_449, %mul3A_456 : vector<16xf32>
        %add3A_472 = arith.addf %mul3A_463, %mul3A_470 : vector<16xf32>
        %add3A_473 = arith.addf %add3A_471, %add3A_472 : vector<16xf32>
        %reduce_sum3A_474 = arith.constant true
        %reduce_sum3A_475 = vector.broadcast %reduce_sum3A_474 : i1 to vector<16xi1>
        %reduce_sum3A_476 = tpu.scan <sum>, %add3A_473 masked %reduce_sum3A_475 : vector<16xf32>, vector<16xi1> -> vector<16xf32>
        %reduce_sum3A_477 = vector.extract %reduce_sum3A_476[15] : f32 from vector<16xf32>
        %eq3A_478 = arith.constant 9 : i32
        %eq3A_479 = vector.broadcast %eq3A_478 : i32 to vector<16xi32>
        %eq3A_480 = arith.cmpi eq, %iota3A, %eq3A_479 : vector<16xi32>
        %broadcast_in_dim3A_481 = vector.broadcast %reduce_sum3A_477 : f32 to vector<16xf32>
        %select_n3A_482 = arith.select %eq3A_480, %broadcast_in_dim3A_481, %select_n3A_440 : vector<16xi1>, vector<16xf32>
        %add3A_483 = arith.constant 10 : i32
        %add3A_484 = arith.addi %mul3A_65, %add3A_483 : i32
        %get3A_485 = arith.index_cast %add3A_484 : i32 to index
        %get3A_486 = arith.constant 0 : index
        %get3A_487 = tpu.vector_load %arg10[%get3A_485, %get3A_486] {strides = array<i32>} : memref<160x128xf32, #tpu.memory_space<vmem>>, vector<16xf32>,
        %get3A_488 = arith.index_cast %add3A_484 : i32 to index
        %get3A_489 = arith.constant 64 : index
        %get3A_490 = tpu.vector_load %arg12[%get3A_488, %get3A_489] {strides = array<i32>} : memref<160x128xf32, #tpu.memory_space<vmem>>, vector<16xf32>,
        %mul3A_491 = arith.mulf %get3A_487, %get3A_490 : vector<16xf32>
        %get3A_492 = arith.index_cast %add3A_484 : i32 to index
        %get3A_493 = arith.constant 16 : index
        %get3A_494 = tpu.vector_load %arg10[%get3A_492, %get3A_493] {strides = array<i32>} : memref<160x128xf32, #tpu.memory_space<vmem>>, vector<16xf32>,
        %get3A_495 = arith.index_cast %add3A_484 : i32 to index
        %get3A_496 = arith.constant 80 : index
        %get3A_497 = tpu.vector_load %arg12[%get3A_495, %get3A_496] {strides = array<i32>} : memref<160x128xf32, #tpu.memory_space<vmem>>, vector<16xf32>,
        %mul3A_498 = arith.mulf %get3A_494, %get3A_497 : vector<16xf32>
        %get3A_499 = arith.index_cast %add3A_484 : i32 to index
        %get3A_500 = arith.constant 32 : index
        %get3A_501 = tpu.vector_load %arg10[%get3A_499, %get3A_500] {strides = array<i32>} : memref<160x128xf32, #tpu.memory_space<vmem>>, vector<16xf32>,
        %get3A_502 = arith.index_cast %add3A_484 : i32 to index
        %get3A_503 = arith.constant 96 : index
        %get3A_504 = tpu.vector_load %arg12[%get3A_502, %get3A_503] {strides = array<i32>} : memref<160x128xf32, #tpu.memory_space<vmem>>, vector<16xf32>,
        %mul3A_505 = arith.mulf %get3A_501, %get3A_504 : vector<16xf32>
        %get3A_506 = arith.index_cast %add3A_484 : i32 to index
        %get3A_507 = arith.constant 48 : index
        %get3A_508 = tpu.vector_load %arg10[%get3A_506, %get3A_507] {strides = array<i32>} : memref<160x128xf32, #tpu.memory_space<vmem>>, vector<16xf32>,
        %get3A_509 = arith.index_cast %add3A_484 : i32 to index
        %get3A_510 = arith.constant 112 : index
        %get3A_511 = tpu.vector_load %arg12[%get3A_509, %get3A_510] {strides = array<i32>} : memref<160x128xf32, #tpu.memory_space<vmem>>, vector<16xf32>,
        %mul3A_512 = arith.mulf %get3A_508, %get3A_511 : vector<16xf32>
        %add3A_513 = arith.addf %mul3A_491, %mul3A_498 : vector<16xf32>
        %add3A_514 = arith.addf %mul3A_505, %mul3A_512 : vector<16xf32>
        %add3A_515 = arith.addf %add3A_513, %add3A_514 : vector<16xf32>
        %reduce_sum3A_516 = arith.constant true
        %reduce_sum3A_517 = vector.broadcast %reduce_sum3A_516 : i1 to vector<16xi1>
        %reduce_sum3A_518 = tpu.scan <sum>, %add3A_515 masked %reduce_sum3A_517 : vector<16xf32>, vector<16xi1> -> vector<16xf32>
        %reduce_sum3A_519 = vector.extract %reduce_sum3A_518[15] : f32 from vector<16xf32>
        %eq3A_520 = arith.constant 10 : i32
        %eq3A_521 = vector.broadcast %eq3A_520 : i32 to vector<16xi32>
        %eq3A_522 = arith.cmpi eq, %iota3A, %eq3A_521 : vector<16xi32>
        %broadcast_in_dim3A_523 = vector.broadcast %reduce_sum3A_519 : f32 to vector<16xf32>
        %select_n3A_524 = arith.select %eq3A_522, %broadcast_in_dim3A_523, %select_n3A_482 : vector<16xi1>, vector<16xf32>
        %add3A_525 = arith.constant 11 : i32
        %add3A_526 = arith.addi %mul3A_65, %add3A_525 : i32
        %get3A_527 = arith.index_cast %add3A_526 : i32 to index
        %get3A_528 = arith.constant 0 : index
        %get3A_529 = tpu.vector_load %arg10[%get3A_527, %get3A_528] {strides = array<i32>} : memref<160x128xf32, #tpu.memory_space<vmem>>, vector<16xf32>,
        %get3A_530 = arith.index_cast %add3A_526 : i32 to index
        %get3A_531 = arith.constant 64 : index
        %get3A_532 = tpu.vector_load %arg12[%get3A_530, %get3A_531] {strides = array<i32>} : memref<160x128xf32, #tpu.memory_space<vmem>>, vector<16xf32>,
        %mul3A_533 = arith.mulf %get3A_529, %get3A_532 : vector<16xf32>
        %get3A_534 = arith.index_cast %add3A_526 : i32 to index
        %get3A_535 = arith.constant 16 : index
        %get3A_536 = tpu.vector_load %arg10[%get3A_534, %get3A_535] {strides = array<i32>} : memref<160x128xf32, #tpu.memory_space<vmem>>, vector<16xf32>,
        %get3A_537 = arith.index_cast %add3A_526 : i32 to index
        %get3A_538 = arith.constant 80 : index
        %get3A_539 = tpu.vector_load %arg12[%get3A_537, %get3A_538] {strides = array<i32>} : memref<160x128xf32, #tpu.memory_space<vmem>>, vector<16xf32>,
        %mul3A_540 = arith.mulf %get3A_536, %get3A_539 : vector<16xf32>
        %get3A_541 = arith.index_cast %add3A_526 : i32 to index
        %get3A_542 = arith.constant 32 : index
        %get3A_543 = tpu.vector_load %arg10[%get3A_541, %get3A_542] {strides = array<i32>} : memref<160x128xf32, #tpu.memory_space<vmem>>, vector<16xf32>,
        %get3A_544 = arith.index_cast %add3A_526 : i32 to index
        %get3A_545 = arith.constant 96 : index
        %get3A_546 = tpu.vector_load %arg12[%get3A_544, %get3A_545] {strides = array<i32>} : memref<160x128xf32, #tpu.memory_space<vmem>>, vector<16xf32>,
        %mul3A_547 = arith.mulf %get3A_543, %get3A_546 : vector<16xf32>
        %get3A_548 = arith.index_cast %add3A_526 : i32 to index
        %get3A_549 = arith.constant 48 : index
        %get3A_550 = tpu.vector_load %arg10[%get3A_548, %get3A_549] {strides = array<i32>} : memref<160x128xf32, #tpu.memory_space<vmem>>, vector<16xf32>,
        %get3A_551 = arith.index_cast %add3A_526 : i32 to index
        %get3A_552 = arith.constant 112 : index
        %get3A_553 = tpu.vector_load %arg12[%get3A_551, %get3A_552] {strides = array<i32>} : memref<160x128xf32, #tpu.memory_space<vmem>>, vector<16xf32>,
        %mul3A_554 = arith.mulf %get3A_550, %get3A_553 : vector<16xf32>
        %add3A_555 = arith.addf %mul3A_533, %mul3A_540 : vector<16xf32>
        %add3A_556 = arith.addf %mul3A_547, %mul3A_554 : vector<16xf32>
        %add3A_557 = arith.addf %add3A_555, %add3A_556 : vector<16xf32>
        %reduce_sum3A_558 = arith.constant true
        %reduce_sum3A_559 = vector.broadcast %reduce_sum3A_558 : i1 to vector<16xi1>
        %reduce_sum3A_560 = tpu.scan <sum>, %add3A_557 masked %reduce_sum3A_559 : vector<16xf32>, vector<16xi1> -> vector<16xf32>
        %reduce_sum3A_561 = vector.extract %reduce_sum3A_560[15] : f32 from vector<16xf32>
        %eq3A_562 = arith.constant 11 : i32
        %eq3A_563 = vector.broadcast %eq3A_562 : i32 to vector<16xi32>
        %eq3A_564 = arith.cmpi eq, %iota3A, %eq3A_563 : vector<16xi32>
        %broadcast_in_dim3A_565 = vector.broadcast %reduce_sum3A_561 : f32 to vector<16xf32>
        %select_n3A_566 = arith.select %eq3A_564, %broadcast_in_dim3A_565, %select_n3A_524 : vector<16xi1>, vector<16xf32>
        %add3A_567 = arith.constant 12 : i32
        %add3A_568 = arith.addi %mul3A_65, %add3A_567 : i32
        %get3A_569 = arith.index_cast %add3A_568 : i32 to index
        %get3A_570 = arith.constant 0 : index
        %get3A_571 = tpu.vector_load %arg10[%get3A_569, %get3A_570] {strides = array<i32>} : memref<160x128xf32, #tpu.memory_space<vmem>>, vector<16xf32>,
        %get3A_572 = arith.index_cast %add3A_568 : i32 to index
        %get3A_573 = arith.constant 64 : index
        %get3A_574 = tpu.vector_load %arg12[%get3A_572, %get3A_573] {strides = array<i32>} : memref<160x128xf32, #tpu.memory_space<vmem>>, vector<16xf32>,
        %mul3A_575 = arith.mulf %get3A_571, %get3A_574 : vector<16xf32>
        %get3A_576 = arith.index_cast %add3A_568 : i32 to index
        %get3A_577 = arith.constant 16 : index
        %get3A_578 = tpu.vector_load %arg10[%get3A_576, %get3A_577] {strides = array<i32>} : memref<160x128xf32, #tpu.memory_space<vmem>>, vector<16xf32>,
        %get3A_579 = arith.index_cast %add3A_568 : i32 to index
        %get3A_580 = arith.constant 80 : index
        %get3A_581 = tpu.vector_load %arg12[%get3A_579, %get3A_580] {strides = array<i32>} : memref<160x128xf32, #tpu.memory_space<vmem>>, vector<16xf32>,
        %mul3A_582 = arith.mulf %get3A_578, %get3A_581 : vector<16xf32>
        %get3A_583 = arith.index_cast %add3A_568 : i32 to index
        %get3A_584 = arith.constant 32 : index
        %get3A_585 = tpu.vector_load %arg10[%get3A_583, %get3A_584] {strides = array<i32>} : memref<160x128xf32, #tpu.memory_space<vmem>>, vector<16xf32>,
        %get3A_586 = arith.index_cast %add3A_568 : i32 to index
        %get3A_587 = arith.constant 96 : index
        %get3A_588 = tpu.vector_load %arg12[%get3A_586, %get3A_587] {strides = array<i32>} : memref<160x128xf32, #tpu.memory_space<vmem>>, vector<16xf32>,
        %mul3A_589 = arith.mulf %get3A_585, %get3A_588 : vector<16xf32>
        %get3A_590 = arith.index_cast %add3A_568 : i32 to index
        %get3A_591 = arith.constant 48 : index
        %get3A_592 = tpu.vector_load %arg10[%get3A_590, %get3A_591] {strides = array<i32>} : memref<160x128xf32, #tpu.memory_space<vmem>>, vector<16xf32>,
        %get3A_593 = arith.index_cast %add3A_568 : i32 to index
        %get3A_594 = arith.constant 112 : index
        %get3A_595 = tpu.vector_load %arg12[%get3A_593, %get3A_594] {strides = array<i32>} : memref<160x128xf32, #tpu.memory_space<vmem>>, vector<16xf32>,
        %mul3A_596 = arith.mulf %get3A_592, %get3A_595 : vector<16xf32>
        %add3A_597 = arith.addf %mul3A_575, %mul3A_582 : vector<16xf32>
        %add3A_598 = arith.addf %mul3A_589, %mul3A_596 : vector<16xf32>
        %add3A_599 = arith.addf %add3A_597, %add3A_598 : vector<16xf32>
        %reduce_sum3A_600 = arith.constant true
        %reduce_sum3A_601 = vector.broadcast %reduce_sum3A_600 : i1 to vector<16xi1>
        %reduce_sum3A_602 = tpu.scan <sum>, %add3A_599 masked %reduce_sum3A_601 : vector<16xf32>, vector<16xi1> -> vector<16xf32>
        %reduce_sum3A_603 = vector.extract %reduce_sum3A_602[15] : f32 from vector<16xf32>
        %eq3A_604 = arith.constant 12 : i32
        %eq3A_605 = vector.broadcast %eq3A_604 : i32 to vector<16xi32>
        %eq3A_606 = arith.cmpi eq, %iota3A, %eq3A_605 : vector<16xi32>
        %broadcast_in_dim3A_607 = vector.broadcast %reduce_sum3A_603 : f32 to vector<16xf32>
        %select_n3A_608 = arith.select %eq3A_606, %broadcast_in_dim3A_607, %select_n3A_566 : vector<16xi1>, vector<16xf32>
        %add3A_609 = arith.constant 13 : i32
        %add3A_610 = arith.addi %mul3A_65, %add3A_609 : i32
        %get3A_611 = arith.index_cast %add3A_610 : i32 to index
        %get3A_612 = arith.constant 0 : index
        %get3A_613 = tpu.vector_load %arg10[%get3A_611, %get3A_612] {strides = array<i32>} : memref<160x128xf32, #tpu.memory_space<vmem>>, vector<16xf32>,
        %get3A_614 = arith.index_cast %add3A_610 : i32 to index
        %get3A_615 = arith.constant 64 : index
        %get3A_616 = tpu.vector_load %arg12[%get3A_614, %get3A_615] {strides = array<i32>} : memref<160x128xf32, #tpu.memory_space<vmem>>, vector<16xf32>,
        %mul3A_617 = arith.mulf %get3A_613, %get3A_616 : vector<16xf32>
        %get3A_618 = arith.index_cast %add3A_610 : i32 to index
        %get3A_619 = arith.constant 16 : index
        %get3A_620 = tpu.vector_load %arg10[%get3A_618, %get3A_619] {strides = array<i32>} : memref<160x128xf32, #tpu.memory_space<vmem>>, vector<16xf32>,
        %get3A_621 = arith.index_cast %add3A_610 : i32 to index
        %get3A_622 = arith.constant 80 : index
        %get3A_623 = tpu.vector_load %arg12[%get3A_621, %get3A_622] {strides = array<i32>} : memref<160x128xf32, #tpu.memory_space<vmem>>, vector<16xf32>,
        %mul3A_624 = arith.mulf %get3A_620, %get3A_623 : vector<16xf32>
        %get3A_625 = arith.index_cast %add3A_610 : i32 to index
        %get3A_626 = arith.constant 32 : index
        %get3A_627 = tpu.vector_load %arg10[%get3A_625, %get3A_626] {strides = array<i32>} : memref<160x128xf32, #tpu.memory_space<vmem>>, vector<16xf32>,
        %get3A_628 = arith.index_cast %add3A_610 : i32 to index
        %get3A_629 = arith.constant 96 : index
        %get3A_630 = tpu.vector_load %arg12[%get3A_628, %get3A_629] {strides = array<i32>} : memref<160x128xf32, #tpu.memory_space<vmem>>, vector<16xf32>,
        %mul3A_631 = arith.mulf %get3A_627, %get3A_630 : vector<16xf32>
        %get3A_632 = arith.index_cast %add3A_610 : i32 to index
        %get3A_633 = arith.constant 48 : index
        %get3A_634 = tpu.vector_load %arg10[%get3A_632, %get3A_633] {strides = array<i32>} : memref<160x128xf32, #tpu.memory_space<vmem>>, vector<16xf32>,
        %get3A_635 = arith.index_cast %add3A_610 : i32 to index
        %get3A_636 = arith.constant 112 : index
        %get3A_637 = tpu.vector_load %arg12[%get3A_635, %get3A_636] {strides = array<i32>} : memref<160x128xf32, #tpu.memory_space<vmem>>, vector<16xf32>,
        %mul3A_638 = arith.mulf %get3A_634, %get3A_637 : vector<16xf32>
        %add3A_639 = arith.addf %mul3A_617, %mul3A_624 : vector<16xf32>
        %add3A_640 = arith.addf %mul3A_631, %mul3A_638 : vector<16xf32>
        %add3A_641 = arith.addf %add3A_639, %add3A_640 : vector<16xf32>
        %reduce_sum3A_642 = arith.constant true
        %reduce_sum3A_643 = vector.broadcast %reduce_sum3A_642 : i1 to vector<16xi1>
        %reduce_sum3A_644 = tpu.scan <sum>, %add3A_641 masked %reduce_sum3A_643 : vector<16xf32>, vector<16xi1> -> vector<16xf32>
        %reduce_sum3A_645 = vector.extract %reduce_sum3A_644[15] : f32 from vector<16xf32>
        %eq3A_646 = arith.constant 13 : i32
        %eq3A_647 = vector.broadcast %eq3A_646 : i32 to vector<16xi32>
        %eq3A_648 = arith.cmpi eq, %iota3A, %eq3A_647 : vector<16xi32>
        %broadcast_in_dim3A_649 = vector.broadcast %reduce_sum3A_645 : f32 to vector<16xf32>
        %select_n3A_650 = arith.select %eq3A_648, %broadcast_in_dim3A_649, %select_n3A_608 : vector<16xi1>, vector<16xf32>
        %add3A_651 = arith.constant 14 : i32
        %add3A_652 = arith.addi %mul3A_65, %add3A_651 : i32
        %get3A_653 = arith.index_cast %add3A_652 : i32 to index
        %get3A_654 = arith.constant 0 : index
        %get3A_655 = tpu.vector_load %arg10[%get3A_653, %get3A_654] {strides = array<i32>} : memref<160x128xf32, #tpu.memory_space<vmem>>, vector<16xf32>,
        %get3A_656 = arith.index_cast %add3A_652 : i32 to index
        %get3A_657 = arith.constant 64 : index
        %get3A_658 = tpu.vector_load %arg12[%get3A_656, %get3A_657] {strides = array<i32>} : memref<160x128xf32, #tpu.memory_space<vmem>>, vector<16xf32>,
        %mul3A_659 = arith.mulf %get3A_655, %get3A_658 : vector<16xf32>
        %get3A_660 = arith.index_cast %add3A_652 : i32 to index
        %get3A_661 = arith.constant 16 : index
        %get3A_662 = tpu.vector_load %arg10[%get3A_660, %get3A_661] {strides = array<i32>} : memref<160x128xf32, #tpu.memory_space<vmem>>, vector<16xf32>,
        %get3A_663 = arith.index_cast %add3A_652 : i32 to index
        %get3A_664 = arith.constant 80 : index
        %get3A_665 = tpu.vector_load %arg12[%get3A_663, %get3A_664] {strides = array<i32>} : memref<160x128xf32, #tpu.memory_space<vmem>>, vector<16xf32>,
        %mul3A_666 = arith.mulf %get3A_662, %get3A_665 : vector<16xf32>
        %get3A_667 = arith.index_cast %add3A_652 : i32 to index
        %get3A_668 = arith.constant 32 : index
        %get3A_669 = tpu.vector_load %arg10[%get3A_667, %get3A_668] {strides = array<i32>} : memref<160x128xf32, #tpu.memory_space<vmem>>, vector<16xf32>,
        %get3A_670 = arith.index_cast %add3A_652 : i32 to index
        %get3A_671 = arith.constant 96 : index
        %get3A_672 = tpu.vector_load %arg12[%get3A_670, %get3A_671] {strides = array<i32>} : memref<160x128xf32, #tpu.memory_space<vmem>>, vector<16xf32>,
        %mul3A_673 = arith.mulf %get3A_669, %get3A_672 : vector<16xf32>
        %get3A_674 = arith.index_cast %add3A_652 : i32 to index
        %get3A_675 = arith.constant 48 : index
        %get3A_676 = tpu.vector_load %arg10[%get3A_674, %get3A_675] {strides = array<i32>} : memref<160x128xf32, #tpu.memory_space<vmem>>, vector<16xf32>,
        %get3A_677 = arith.index_cast %add3A_652 : i32 to index
        %get3A_678 = arith.constant 112 : index
        %get3A_679 = tpu.vector_load %arg12[%get3A_677, %get3A_678] {strides = array<i32>} : memref<160x128xf32, #tpu.memory_space<vmem>>, vector<16xf32>,
        %mul3A_680 = arith.mulf %get3A_676, %get3A_679 : vector<16xf32>
        %add3A_681 = arith.addf %mul3A_659, %mul3A_666 : vector<16xf32>
        %add3A_682 = arith.addf %mul3A_673, %mul3A_680 : vector<16xf32>
        %add3A_683 = arith.addf %add3A_681, %add3A_682 : vector<16xf32>
        %reduce_sum3A_684 = arith.constant true
        %reduce_sum3A_685 = vector.broadcast %reduce_sum3A_684 : i1 to vector<16xi1>
        %reduce_sum3A_686 = tpu.scan <sum>, %add3A_683 masked %reduce_sum3A_685 : vector<16xf32>, vector<16xi1> -> vector<16xf32>
        %reduce_sum3A_687 = vector.extract %reduce_sum3A_686[15] : f32 from vector<16xf32>
        %eq3A_688 = arith.constant 14 : i32
        %eq3A_689 = vector.broadcast %eq3A_688 : i32 to vector<16xi32>
        %eq3A_690 = arith.cmpi eq, %iota3A, %eq3A_689 : vector<16xi32>
        %broadcast_in_dim3A_691 = vector.broadcast %reduce_sum3A_687 : f32 to vector<16xf32>
        %select_n3A_692 = arith.select %eq3A_690, %broadcast_in_dim3A_691, %select_n3A_650 : vector<16xi1>, vector<16xf32>
        %add3A_693 = arith.constant 15 : i32
        %add3A_694 = arith.addi %mul3A_65, %add3A_693 : i32
        %get3A_695 = arith.index_cast %add3A_694 : i32 to index
        %get3A_696 = arith.constant 0 : index
        %get3A_697 = tpu.vector_load %arg10[%get3A_695, %get3A_696] {strides = array<i32>} : memref<160x128xf32, #tpu.memory_space<vmem>>, vector<16xf32>,
        %get3A_698 = arith.index_cast %add3A_694 : i32 to index
        %get3A_699 = arith.constant 64 : index
        %get3A_700 = tpu.vector_load %arg12[%get3A_698, %get3A_699] {strides = array<i32>} : memref<160x128xf32, #tpu.memory_space<vmem>>, vector<16xf32>,
        %mul3A_701 = arith.mulf %get3A_697, %get3A_700 : vector<16xf32>
        %get3A_702 = arith.index_cast %add3A_694 : i32 to index
        %get3A_703 = arith.constant 16 : index
        %get3A_704 = tpu.vector_load %arg10[%get3A_702, %get3A_703] {strides = array<i32>} : memref<160x128xf32, #tpu.memory_space<vmem>>, vector<16xf32>,
        %get3A_705 = arith.index_cast %add3A_694 : i32 to index
        %get3A_706 = arith.constant 80 : index
        %get3A_707 = tpu.vector_load %arg12[%get3A_705, %get3A_706] {strides = array<i32>} : memref<160x128xf32, #tpu.memory_space<vmem>>, vector<16xf32>,
        %mul3A_708 = arith.mulf %get3A_704, %get3A_707 : vector<16xf32>
        %get3A_709 = arith.index_cast %add3A_694 : i32 to index
        %get3A_710 = arith.constant 32 : index
        %get3A_711 = tpu.vector_load %arg10[%get3A_709, %get3A_710] {strides = array<i32>} : memref<160x128xf32, #tpu.memory_space<vmem>>, vector<16xf32>,
        %get3A_712 = arith.index_cast %add3A_694 : i32 to index
        %get3A_713 = arith.constant 96 : index
        %get3A_714 = tpu.vector_load %arg12[%get3A_712, %get3A_713] {strides = array<i32>} : memref<160x128xf32, #tpu.memory_space<vmem>>, vector<16xf32>,
        %mul3A_715 = arith.mulf %get3A_711, %get3A_714 : vector<16xf32>
        %get3A_716 = arith.index_cast %add3A_694 : i32 to index
        %get3A_717 = arith.constant 48 : index
        %get3A_718 = tpu.vector_load %arg10[%get3A_716, %get3A_717] {strides = array<i32>} : memref<160x128xf32, #tpu.memory_space<vmem>>, vector<16xf32>,
        %get3A_719 = arith.index_cast %add3A_694 : i32 to index
        %get3A_720 = arith.constant 112 : index
        %get3A_721 = tpu.vector_load %arg12[%get3A_719, %get3A_720] {strides = array<i32>} : memref<160x128xf32, #tpu.memory_space<vmem>>, vector<16xf32>,
        %mul3A_722 = arith.mulf %get3A_718, %get3A_721 : vector<16xf32>
        %add3A_723 = arith.addf %mul3A_701, %mul3A_708 : vector<16xf32>
        %add3A_724 = arith.addf %mul3A_715, %mul3A_722 : vector<16xf32>
        %add3A_725 = arith.addf %add3A_723, %add3A_724 : vector<16xf32>
        %reduce_sum3A_726 = arith.constant true
        %reduce_sum3A_727 = vector.broadcast %reduce_sum3A_726 : i1 to vector<16xi1>
        %reduce_sum3A_728 = tpu.scan <sum>, %add3A_725 masked %reduce_sum3A_727 : vector<16xf32>, vector<16xi1> -> vector<16xf32>
        %reduce_sum3A_729 = vector.extract %reduce_sum3A_728[15] : f32 from vector<16xf32>
        %eq3A_730 = arith.constant 15 : i32
        %eq3A_731 = vector.broadcast %eq3A_730 : i32 to vector<16xi32>
        %eq3A_732 = arith.cmpi eq, %iota3A, %eq3A_731 : vector<16xi32>
        %broadcast_in_dim3A_733 = vector.broadcast %reduce_sum3A_729 : f32 to vector<16xf32>
        %select_n3A_734 = arith.select %eq3A_732, %broadcast_in_dim3A_733, %select_n3A_692 : vector<16xi1>, vector<16xf32>
        %swap3A = arith.index_cast %mul3A_65 : i32 to index
        %swap3A_735 = tpu.vector_load %arg14[%swap3A] {strides = array<i32>} : memref<160xf32, #tpu.memory_space<vmem>>, vector<16xf32>,
        tpu.vector_store %arg14[%swap3A], %select_n3A_734 {strides = array<i32>} : memref<160xf32, #tpu.memory_space<vmem>>, vector<16xf32>,
        %scan3A_736 = arith.constant 0 : i32
        scf.yield %scan3A_736 : i32
      }
      %scan3A_40 = arith.constant 10 : i32
      "tpu.region"() ({
        %run_scoped3A = tpu.sem_alloc : memref<!tpu.dma_semaphore, #tpu.memory_space<semaphore_mem>>
        %dma_start3A_62 = tpu.memref_slice %arg5[%add3A_20] : memref<327680xf32, #tpu.memory_space<hbm>> -> memref<160xf32, #tpu.memory_space<hbm>>
        %dma_start3A_63 = tpu.memref_slice %arg5[%add3A_20] : memref<327680xf32, #tpu.memory_space<hbm>> -> memref<160xf32, #tpu.memory_space<hbm>>
        tpu.enqueue_dma source(%arg14 : memref<160xf32, #tpu.memory_space<vmem>>) target(%dma_start3A_63 : memref<160xf32, #tpu.memory_space<hbm>>) target_semaphore(%run_scoped3A : memref<!tpu.dma_semaphore, #tpu.memory_space<semaphore_mem>>)
        %dma_wait3A_64 = tpu.memref_slice %arg5[%add3A_20] : memref<327680xf32, #tpu.memory_space<hbm>> -> memref<160xf32, #tpu.memory_space<hbm>>
        %dma_wait3A_65 = tpu.memref_slice %arg5[%add3A_20] : memref<327680xf32, #tpu.memory_space<hbm>> -> memref<160xf32, #tpu.memory_space<hbm>>
        tpu.wait_dma2 semaphore(%run_scoped3A : memref<!tpu.dma_semaphore, #tpu.memory_space<semaphore_mem>>) src(%arg14 : memref<160xf32, #tpu.memory_space<vmem>>) dst(%dma_wait3A_65 : memref<160xf32, #tpu.memory_space<hbm>>)
        tpu.yield
      }) : () -> ()
      %mul3A_41 = arith.constant 2 : i32
      %mul3A_42 = arith.muli %mul3A_41, %scan3A_14 : i32
      %add3A_43 = arith.constant 2 : i32
      %add3A_44 = arith.addi %mul3A_42, %add3A_43 : i32
      %lt3A = arith.constant 64 : i32
      %lt3A_45 = arith.cmpi slt, %add3A_44, %lt3A : i32
      %convert_element_type3A = arith.extui %lt3A_45 : i1 to i32
      %cond3A = arith.constant 0 : i32
      %cond3A_46 = arith.cmpi ne, %convert_element_type3A, %cond3A : i32
      scf.if %cond3A_46 {
        %add3A_62 = arith.constant 160 : i32
        %add3A_63 = arith.addi %add3A_22, %add3A_62 : i32
        "tpu.region"() ({
          %run_scoped3A = tpu.sem_alloc : memref<!tpu.dma_semaphore, #tpu.memory_space<semaphore_mem>>
          %dma_start3A_70 = tpu.memref_slice %arg2[%add3A_63] : memref<327680xi32, #tpu.memory_space<hbm>> -> memref<160xi32, #tpu.memory_space<hbm>>
          %dma_start3A_71 = tpu.memref_slice %arg2[%add3A_63] : memref<327680xi32, #tpu.memory_space<hbm>> -> memref<160xi32, #tpu.memory_space<hbm>>
          tpu.enqueue_dma source(%dma_start3A_71 : memref<160xi32, #tpu.memory_space<hbm>>) target(%arg6 : memref<160xi32, #tpu.memory_space<vmem>>) target_semaphore(%run_scoped3A : memref<!tpu.dma_semaphore, #tpu.memory_space<semaphore_mem>>)
          %dma_wait3A_72 = tpu.memref_slice %arg2[%add3A_63] : memref<327680xi32, #tpu.memory_space<hbm>> -> memref<160xi32, #tpu.memory_space<hbm>>
          %dma_wait3A_73 = tpu.memref_slice %arg2[%add3A_63] : memref<327680xi32, #tpu.memory_space<hbm>> -> memref<160xi32, #tpu.memory_space<hbm>>
          tpu.wait_dma2 semaphore(%run_scoped3A : memref<!tpu.dma_semaphore, #tpu.memory_space<semaphore_mem>>) src(%dma_wait3A_73 : memref<160xi32, #tpu.memory_space<hbm>>) dst(%arg6 : memref<160xi32, #tpu.memory_space<vmem>>)
          tpu.yield
        }) : () -> ()
        "tpu.region"() ({
          %run_scoped3A = tpu.sem_alloc : memref<!tpu.dma_semaphore, #tpu.memory_space<semaphore_mem>>
          %dma_start3A_70 = tpu.memref_slice %arg3[%add3A_63] : memref<327680xi32, #tpu.memory_space<hbm>> -> memref<160xi32, #tpu.memory_space<hbm>>
          %dma_start3A_71 = tpu.memref_slice %arg3[%add3A_63] : memref<327680xi32, #tpu.memory_space<hbm>> -> memref<160xi32, #tpu.memory_space<hbm>>
          tpu.enqueue_dma source(%dma_start3A_71 : memref<160xi32, #tpu.memory_space<hbm>>) target(%arg8 : memref<160xi32, #tpu.memory_space<vmem>>) target_semaphore(%run_scoped3A : memref<!tpu.dma_semaphore, #tpu.memory_space<semaphore_mem>>)
          %dma_wait3A_72 = tpu.memref_slice %arg3[%add3A_63] : memref<327680xi32, #tpu.memory_space<hbm>> -> memref<160xi32, #tpu.memory_space<hbm>>
          %dma_wait3A_73 = tpu.memref_slice %arg3[%add3A_63] : memref<327680xi32, #tpu.memory_space<hbm>> -> memref<160xi32, #tpu.memory_space<hbm>>
          tpu.wait_dma2 semaphore(%run_scoped3A : memref<!tpu.dma_semaphore, #tpu.memory_space<semaphore_mem>>) src(%dma_wait3A_73 : memref<160xi32, #tpu.memory_space<hbm>>) dst(%arg8 : memref<160xi32, #tpu.memory_space<vmem>>)
          tpu.yield
        }) : () -> ()
        %dma_start3A_64 = arith.constant 0 : i32
        %dma_start3A_65 = arith.constant 0 : i32
        %dma_start3A_66 = tpu.memref_slice %arg4[%dma_start3A_64, %dma_start3A_65] : memref<1000000x128xf32, #tpu.memory_space<hbm>> -> memref<1000000x128xf32, #tpu.memory_space<hbm>>
        tpu.enqueue_indirect_dma source(%dma_start3A_66 : memref<1000000x128xf32, #tpu.memory_space<hbm>>) target(%arg10 : memref<160x128xf32, #tpu.memory_space<vmem>>) offsets(%arg6 : memref<160xi32, #tpu.memory_space<vmem>>) semaphore(%arg16 : memref<!tpu.dma_semaphore, #tpu.memory_space<semaphore_mem>>)
        %dma_start3A_67 = arith.constant 0 : i32
        %dma_start3A_68 = arith.constant 0 : i32
        %dma_start3A_69 = tpu.memref_slice %arg4[%dma_start3A_67, %dma_start3A_68] : memref<1000000x128xf32, #tpu.memory_space<hbm>> -> memref<1000000x128xf32, #tpu.memory_space<hbm>>
        tpu.enqueue_indirect_dma source(%dma_start3A_69 : memref<1000000x128xf32, #tpu.memory_space<hbm>>) target(%arg12 : memref<160x128xf32, #tpu.memory_space<vmem>>) offsets(%arg8 : memref<160xi32, #tpu.memory_space<vmem>>) semaphore(%arg16 : memref<!tpu.dma_semaphore, #tpu.memory_space<semaphore_mem>>)
      } else {
      }
      %dma_wait3A_47 = arith.constant 0 : i32
      %dma_wait3A_48 = arith.constant 0 : i32
      %dma_wait3A_49 = tpu.memref_slice %arg4[%dma_wait3A_47, %dma_wait3A_48] : memref<1000000x128xf32, #tpu.memory_space<hbm>> -> memref<1000000x128xf32, #tpu.memory_space<hbm>>
      tpu.wait_indirect_dma semaphore(%arg17 : memref<!tpu.dma_semaphore, #tpu.memory_space<semaphore_mem>>) src(%dma_wait3A_49 : memref<1000000x128xf32, #tpu.memory_space<hbm>>) dst(%arg11 : memref<160x128xf32, #tpu.memory_space<vmem>>)
      %dma_wait3A_50 = arith.constant 0 : i32
      %dma_wait3A_51 = arith.constant 0 : i32
      %dma_wait3A_52 = tpu.memref_slice %arg4[%dma_wait3A_50, %dma_wait3A_51] : memref<1000000x128xf32, #tpu.memory_space<hbm>> -> memref<1000000x128xf32, #tpu.memory_space<hbm>>
      tpu.wait_indirect_dma semaphore(%arg17 : memref<!tpu.dma_semaphore, #tpu.memory_space<semaphore_mem>>) src(%dma_wait3A_52 : memref<1000000x128xf32, #tpu.memory_space<hbm>>) dst(%arg13 : memref<160x128xf32, #tpu.memory_space<vmem>>)
      %iota3A_53 = tpu.iota {dimensions = array<i32: 0>} : vector<16xi32>
      %scan3A_54 = arith.constant 0 : i32
      %scan3A_55 = arith.constant 0 : i32
      %scan3A_56 = arith.constant 10 : i32
      %scan3A_57 = arith.addi %scan3A_55, %scan3A_56 : i32
      %scan3A_58 = arith.constant 1 : i32
      %scan3A_59 = scf.for %scan3A_62 = %scan3A_55 to %scan3A_57 step %scan3A_58 iter_args(%scan3A_63 = %scan3A_54) -> (i32)  : i32 {
        %mul3A_64 = arith.constant 16 : i32
        %mul3A_65 = arith.muli %scan3A_62, %mul3A_64 : i32
        %broadcast_in_dim3A = arith.constant 0.000000e+00 : f32
        %broadcast_in_dim3A_66 = vector.broadcast %broadcast_in_dim3A : f32 to vector<16xf32>
        %add3A_67 = arith.constant 0 : i32
        %add3A_68 = arith.addi %mul3A_65, %add3A_67 : i32
        %get3A = arith.index_cast %add3A_68 : i32 to index
        %get3A_69 = arith.constant 0 : index
        %get3A_70 = tpu.vector_load %arg11[%get3A, %get3A_69] {strides = array<i32>} : memref<160x128xf32, #tpu.memory_space<vmem>>, vector<16xf32>,
        %get3A_71 = arith.index_cast %add3A_68 : i32 to index
        %get3A_72 = arith.constant 64 : index
        %get3A_73 = tpu.vector_load %arg13[%get3A_71, %get3A_72] {strides = array<i32>} : memref<160x128xf32, #tpu.memory_space<vmem>>, vector<16xf32>,
        %mul3A_74 = arith.mulf %get3A_70, %get3A_73 : vector<16xf32>
        %get3A_75 = arith.index_cast %add3A_68 : i32 to index
        %get3A_76 = arith.constant 16 : index
        %get3A_77 = tpu.vector_load %arg11[%get3A_75, %get3A_76] {strides = array<i32>} : memref<160x128xf32, #tpu.memory_space<vmem>>, vector<16xf32>,
        %get3A_78 = arith.index_cast %add3A_68 : i32 to index
        %get3A_79 = arith.constant 80 : index
        %get3A_80 = tpu.vector_load %arg13[%get3A_78, %get3A_79] {strides = array<i32>} : memref<160x128xf32, #tpu.memory_space<vmem>>, vector<16xf32>,
        %mul3A_81 = arith.mulf %get3A_77, %get3A_80 : vector<16xf32>
        %get3A_82 = arith.index_cast %add3A_68 : i32 to index
        %get3A_83 = arith.constant 32 : index
        %get3A_84 = tpu.vector_load %arg11[%get3A_82, %get3A_83] {strides = array<i32>} : memref<160x128xf32, #tpu.memory_space<vmem>>, vector<16xf32>,
        %get3A_85 = arith.index_cast %add3A_68 : i32 to index
        %get3A_86 = arith.constant 96 : index
        %get3A_87 = tpu.vector_load %arg13[%get3A_85, %get3A_86] {strides = array<i32>} : memref<160x128xf32, #tpu.memory_space<vmem>>, vector<16xf32>,
        %mul3A_88 = arith.mulf %get3A_84, %get3A_87 : vector<16xf32>
        %get3A_89 = arith.index_cast %add3A_68 : i32 to index
        %get3A_90 = arith.constant 48 : index
        %get3A_91 = tpu.vector_load %arg11[%get3A_89, %get3A_90] {strides = array<i32>} : memref<160x128xf32, #tpu.memory_space<vmem>>, vector<16xf32>,
        %get3A_92 = arith.index_cast %add3A_68 : i32 to index
        %get3A_93 = arith.constant 112 : index
        %get3A_94 = tpu.vector_load %arg13[%get3A_92, %get3A_93] {strides = array<i32>} : memref<160x128xf32, #tpu.memory_space<vmem>>, vector<16xf32>,
        %mul3A_95 = arith.mulf %get3A_91, %get3A_94 : vector<16xf32>
        %add3A_96 = arith.addf %mul3A_74, %mul3A_81 : vector<16xf32>
        %add3A_97 = arith.addf %mul3A_88, %mul3A_95 : vector<16xf32>
        %add3A_98 = arith.addf %add3A_96, %add3A_97 : vector<16xf32>
        %reduce_sum3A = arith.constant true
        %reduce_sum3A_99 = vector.broadcast %reduce_sum3A : i1 to vector<16xi1>
        %reduce_sum3A_100 = tpu.scan <sum>, %add3A_98 masked %reduce_sum3A_99 : vector<16xf32>, vector<16xi1> -> vector<16xf32>
        %reduce_sum3A_101 = vector.extract %reduce_sum3A_100[15] : f32 from vector<16xf32>
        %eq3A = arith.constant 0 : i32
        %eq3A_102 = vector.broadcast %eq3A : i32 to vector<16xi32>
        %eq3A_103 = arith.cmpi eq, %iota3A_53, %eq3A_102 : vector<16xi32>
        %broadcast_in_dim3A_104 = vector.broadcast %reduce_sum3A_101 : f32 to vector<16xf32>
        %select_n3A = arith.select %eq3A_103, %broadcast_in_dim3A_104, %broadcast_in_dim3A_66 : vector<16xi1>, vector<16xf32>
        %add3A_105 = arith.constant 1 : i32
        %add3A_106 = arith.addi %mul3A_65, %add3A_105 : i32
        %get3A_107 = arith.index_cast %add3A_106 : i32 to index
        %get3A_108 = arith.constant 0 : index
        %get3A_109 = tpu.vector_load %arg11[%get3A_107, %get3A_108] {strides = array<i32>} : memref<160x128xf32, #tpu.memory_space<vmem>>, vector<16xf32>,
        %get3A_110 = arith.index_cast %add3A_106 : i32 to index
        %get3A_111 = arith.constant 64 : index
        %get3A_112 = tpu.vector_load %arg13[%get3A_110, %get3A_111] {strides = array<i32>} : memref<160x128xf32, #tpu.memory_space<vmem>>, vector<16xf32>,
        %mul3A_113 = arith.mulf %get3A_109, %get3A_112 : vector<16xf32>
        %get3A_114 = arith.index_cast %add3A_106 : i32 to index
        %get3A_115 = arith.constant 16 : index
        %get3A_116 = tpu.vector_load %arg11[%get3A_114, %get3A_115] {strides = array<i32>} : memref<160x128xf32, #tpu.memory_space<vmem>>, vector<16xf32>,
        %get3A_117 = arith.index_cast %add3A_106 : i32 to index
        %get3A_118 = arith.constant 80 : index
        %get3A_119 = tpu.vector_load %arg13[%get3A_117, %get3A_118] {strides = array<i32>} : memref<160x128xf32, #tpu.memory_space<vmem>>, vector<16xf32>,
        %mul3A_120 = arith.mulf %get3A_116, %get3A_119 : vector<16xf32>
        %get3A_121 = arith.index_cast %add3A_106 : i32 to index
        %get3A_122 = arith.constant 32 : index
        %get3A_123 = tpu.vector_load %arg11[%get3A_121, %get3A_122] {strides = array<i32>} : memref<160x128xf32, #tpu.memory_space<vmem>>, vector<16xf32>,
        %get3A_124 = arith.index_cast %add3A_106 : i32 to index
        %get3A_125 = arith.constant 96 : index
        %get3A_126 = tpu.vector_load %arg13[%get3A_124, %get3A_125] {strides = array<i32>} : memref<160x128xf32, #tpu.memory_space<vmem>>, vector<16xf32>,
        %mul3A_127 = arith.mulf %get3A_123, %get3A_126 : vector<16xf32>
        %get3A_128 = arith.index_cast %add3A_106 : i32 to index
        %get3A_129 = arith.constant 48 : index
        %get3A_130 = tpu.vector_load %arg11[%get3A_128, %get3A_129] {strides = array<i32>} : memref<160x128xf32, #tpu.memory_space<vmem>>, vector<16xf32>,
        %get3A_131 = arith.index_cast %add3A_106 : i32 to index
        %get3A_132 = arith.constant 112 : index
        %get3A_133 = tpu.vector_load %arg13[%get3A_131, %get3A_132] {strides = array<i32>} : memref<160x128xf32, #tpu.memory_space<vmem>>, vector<16xf32>,
        %mul3A_134 = arith.mulf %get3A_130, %get3A_133 : vector<16xf32>
        %add3A_135 = arith.addf %mul3A_113, %mul3A_120 : vector<16xf32>
        %add3A_136 = arith.addf %mul3A_127, %mul3A_134 : vector<16xf32>
        %add3A_137 = arith.addf %add3A_135, %add3A_136 : vector<16xf32>
        %reduce_sum3A_138 = arith.constant true
        %reduce_sum3A_139 = vector.broadcast %reduce_sum3A_138 : i1 to vector<16xi1>
        %reduce_sum3A_140 = tpu.scan <sum>, %add3A_137 masked %reduce_sum3A_139 : vector<16xf32>, vector<16xi1> -> vector<16xf32>
        %reduce_sum3A_141 = vector.extract %reduce_sum3A_140[15] : f32 from vector<16xf32>
        %eq3A_142 = arith.constant 1 : i32
        %eq3A_143 = vector.broadcast %eq3A_142 : i32 to vector<16xi32>
        %eq3A_144 = arith.cmpi eq, %iota3A_53, %eq3A_143 : vector<16xi32>
        %broadcast_in_dim3A_145 = vector.broadcast %reduce_sum3A_141 : f32 to vector<16xf32>
        %select_n3A_146 = arith.select %eq3A_144, %broadcast_in_dim3A_145, %select_n3A : vector<16xi1>, vector<16xf32>
        %add3A_147 = arith.constant 2 : i32
        %add3A_148 = arith.addi %mul3A_65, %add3A_147 : i32
        %get3A_149 = arith.index_cast %add3A_148 : i32 to index
        %get3A_150 = arith.constant 0 : index
        %get3A_151 = tpu.vector_load %arg11[%get3A_149, %get3A_150] {strides = array<i32>} : memref<160x128xf32, #tpu.memory_space<vmem>>, vector<16xf32>,
        %get3A_152 = arith.index_cast %add3A_148 : i32 to index
        %get3A_153 = arith.constant 64 : index
        %get3A_154 = tpu.vector_load %arg13[%get3A_152, %get3A_153] {strides = array<i32>} : memref<160x128xf32, #tpu.memory_space<vmem>>, vector<16xf32>,
        %mul3A_155 = arith.mulf %get3A_151, %get3A_154 : vector<16xf32>
        %get3A_156 = arith.index_cast %add3A_148 : i32 to index
        %get3A_157 = arith.constant 16 : index
        %get3A_158 = tpu.vector_load %arg11[%get3A_156, %get3A_157] {strides = array<i32>} : memref<160x128xf32, #tpu.memory_space<vmem>>, vector<16xf32>,
        %get3A_159 = arith.index_cast %add3A_148 : i32 to index
        %get3A_160 = arith.constant 80 : index
        %get3A_161 = tpu.vector_load %arg13[%get3A_159, %get3A_160] {strides = array<i32>} : memref<160x128xf32, #tpu.memory_space<vmem>>, vector<16xf32>,
        %mul3A_162 = arith.mulf %get3A_158, %get3A_161 : vector<16xf32>
        %get3A_163 = arith.index_cast %add3A_148 : i32 to index
        %get3A_164 = arith.constant 32 : index
        %get3A_165 = tpu.vector_load %arg11[%get3A_163, %get3A_164] {strides = array<i32>} : memref<160x128xf32, #tpu.memory_space<vmem>>, vector<16xf32>,
        %get3A_166 = arith.index_cast %add3A_148 : i32 to index
        %get3A_167 = arith.constant 96 : index
        %get3A_168 = tpu.vector_load %arg13[%get3A_166, %get3A_167] {strides = array<i32>} : memref<160x128xf32, #tpu.memory_space<vmem>>, vector<16xf32>,
        %mul3A_169 = arith.mulf %get3A_165, %get3A_168 : vector<16xf32>
        %get3A_170 = arith.index_cast %add3A_148 : i32 to index
        %get3A_171 = arith.constant 48 : index
        %get3A_172 = tpu.vector_load %arg11[%get3A_170, %get3A_171] {strides = array<i32>} : memref<160x128xf32, #tpu.memory_space<vmem>>, vector<16xf32>,
        %get3A_173 = arith.index_cast %add3A_148 : i32 to index
        %get3A_174 = arith.constant 112 : index
        %get3A_175 = tpu.vector_load %arg13[%get3A_173, %get3A_174] {strides = array<i32>} : memref<160x128xf32, #tpu.memory_space<vmem>>, vector<16xf32>,
        %mul3A_176 = arith.mulf %get3A_172, %get3A_175 : vector<16xf32>
        %add3A_177 = arith.addf %mul3A_155, %mul3A_162 : vector<16xf32>
        %add3A_178 = arith.addf %mul3A_169, %mul3A_176 : vector<16xf32>
        %add3A_179 = arith.addf %add3A_177, %add3A_178 : vector<16xf32>
        %reduce_sum3A_180 = arith.constant true
        %reduce_sum3A_181 = vector.broadcast %reduce_sum3A_180 : i1 to vector<16xi1>
        %reduce_sum3A_182 = tpu.scan <sum>, %add3A_179 masked %reduce_sum3A_181 : vector<16xf32>, vector<16xi1> -> vector<16xf32>
        %reduce_sum3A_183 = vector.extract %reduce_sum3A_182[15] : f32 from vector<16xf32>
        %eq3A_184 = arith.constant 2 : i32
        %eq3A_185 = vector.broadcast %eq3A_184 : i32 to vector<16xi32>
        %eq3A_186 = arith.cmpi eq, %iota3A_53, %eq3A_185 : vector<16xi32>
        %broadcast_in_dim3A_187 = vector.broadcast %reduce_sum3A_183 : f32 to vector<16xf32>
        %select_n3A_188 = arith.select %eq3A_186, %broadcast_in_dim3A_187, %select_n3A_146 : vector<16xi1>, vector<16xf32>
        %add3A_189 = arith.constant 3 : i32
        %add3A_190 = arith.addi %mul3A_65, %add3A_189 : i32
        %get3A_191 = arith.index_cast %add3A_190 : i32 to index
        %get3A_192 = arith.constant 0 : index
        %get3A_193 = tpu.vector_load %arg11[%get3A_191, %get3A_192] {strides = array<i32>} : memref<160x128xf32, #tpu.memory_space<vmem>>, vector<16xf32>,
        %get3A_194 = arith.index_cast %add3A_190 : i32 to index
        %get3A_195 = arith.constant 64 : index
        %get3A_196 = tpu.vector_load %arg13[%get3A_194, %get3A_195] {strides = array<i32>} : memref<160x128xf32, #tpu.memory_space<vmem>>, vector<16xf32>,
        %mul3A_197 = arith.mulf %get3A_193, %get3A_196 : vector<16xf32>
        %get3A_198 = arith.index_cast %add3A_190 : i32 to index
        %get3A_199 = arith.constant 16 : index
        %get3A_200 = tpu.vector_load %arg11[%get3A_198, %get3A_199] {strides = array<i32>} : memref<160x128xf32, #tpu.memory_space<vmem>>, vector<16xf32>,
        %get3A_201 = arith.index_cast %add3A_190 : i32 to index
        %get3A_202 = arith.constant 80 : index
        %get3A_203 = tpu.vector_load %arg13[%get3A_201, %get3A_202] {strides = array<i32>} : memref<160x128xf32, #tpu.memory_space<vmem>>, vector<16xf32>,
        %mul3A_204 = arith.mulf %get3A_200, %get3A_203 : vector<16xf32>
        %get3A_205 = arith.index_cast %add3A_190 : i32 to index
        %get3A_206 = arith.constant 32 : index
        %get3A_207 = tpu.vector_load %arg11[%get3A_205, %get3A_206] {strides = array<i32>} : memref<160x128xf32, #tpu.memory_space<vmem>>, vector<16xf32>,
        %get3A_208 = arith.index_cast %add3A_190 : i32 to index
        %get3A_209 = arith.constant 96 : index
        %get3A_210 = tpu.vector_load %arg13[%get3A_208, %get3A_209] {strides = array<i32>} : memref<160x128xf32, #tpu.memory_space<vmem>>, vector<16xf32>,
        %mul3A_211 = arith.mulf %get3A_207, %get3A_210 : vector<16xf32>
        %get3A_212 = arith.index_cast %add3A_190 : i32 to index
        %get3A_213 = arith.constant 48 : index
        %get3A_214 = tpu.vector_load %arg11[%get3A_212, %get3A_213] {strides = array<i32>} : memref<160x128xf32, #tpu.memory_space<vmem>>, vector<16xf32>,
        %get3A_215 = arith.index_cast %add3A_190 : i32 to index
        %get3A_216 = arith.constant 112 : index
        %get3A_217 = tpu.vector_load %arg13[%get3A_215, %get3A_216] {strides = array<i32>} : memref<160x128xf32, #tpu.memory_space<vmem>>, vector<16xf32>,
        %mul3A_218 = arith.mulf %get3A_214, %get3A_217 : vector<16xf32>
        %add3A_219 = arith.addf %mul3A_197, %mul3A_204 : vector<16xf32>
        %add3A_220 = arith.addf %mul3A_211, %mul3A_218 : vector<16xf32>
        %add3A_221 = arith.addf %add3A_219, %add3A_220 : vector<16xf32>
        %reduce_sum3A_222 = arith.constant true
        %reduce_sum3A_223 = vector.broadcast %reduce_sum3A_222 : i1 to vector<16xi1>
        %reduce_sum3A_224 = tpu.scan <sum>, %add3A_221 masked %reduce_sum3A_223 : vector<16xf32>, vector<16xi1> -> vector<16xf32>
        %reduce_sum3A_225 = vector.extract %reduce_sum3A_224[15] : f32 from vector<16xf32>
        %eq3A_226 = arith.constant 3 : i32
        %eq3A_227 = vector.broadcast %eq3A_226 : i32 to vector<16xi32>
        %eq3A_228 = arith.cmpi eq, %iota3A_53, %eq3A_227 : vector<16xi32>
        %broadcast_in_dim3A_229 = vector.broadcast %reduce_sum3A_225 : f32 to vector<16xf32>
        %select_n3A_230 = arith.select %eq3A_228, %broadcast_in_dim3A_229, %select_n3A_188 : vector<16xi1>, vector<16xf32>
        %add3A_231 = arith.constant 4 : i32
        %add3A_232 = arith.addi %mul3A_65, %add3A_231 : i32
        %get3A_233 = arith.index_cast %add3A_232 : i32 to index
        %get3A_234 = arith.constant 0 : index
        %get3A_235 = tpu.vector_load %arg11[%get3A_233, %get3A_234] {strides = array<i32>} : memref<160x128xf32, #tpu.memory_space<vmem>>, vector<16xf32>,
        %get3A_236 = arith.index_cast %add3A_232 : i32 to index
        %get3A_237 = arith.constant 64 : index
        %get3A_238 = tpu.vector_load %arg13[%get3A_236, %get3A_237] {strides = array<i32>} : memref<160x128xf32, #tpu.memory_space<vmem>>, vector<16xf32>,
        %mul3A_239 = arith.mulf %get3A_235, %get3A_238 : vector<16xf32>
        %get3A_240 = arith.index_cast %add3A_232 : i32 to index
        %get3A_241 = arith.constant 16 : index
        %get3A_242 = tpu.vector_load %arg11[%get3A_240, %get3A_241] {strides = array<i32>} : memref<160x128xf32, #tpu.memory_space<vmem>>, vector<16xf32>,
        %get3A_243 = arith.index_cast %add3A_232 : i32 to index
        %get3A_244 = arith.constant 80 : index
        %get3A_245 = tpu.vector_load %arg13[%get3A_243, %get3A_244] {strides = array<i32>} : memref<160x128xf32, #tpu.memory_space<vmem>>, vector<16xf32>,
        %mul3A_246 = arith.mulf %get3A_242, %get3A_245 : vector<16xf32>
        %get3A_247 = arith.index_cast %add3A_232 : i32 to index
        %get3A_248 = arith.constant 32 : index
        %get3A_249 = tpu.vector_load %arg11[%get3A_247, %get3A_248] {strides = array<i32>} : memref<160x128xf32, #tpu.memory_space<vmem>>, vector<16xf32>,
        %get3A_250 = arith.index_cast %add3A_232 : i32 to index
        %get3A_251 = arith.constant 96 : index
        %get3A_252 = tpu.vector_load %arg13[%get3A_250, %get3A_251] {strides = array<i32>} : memref<160x128xf32, #tpu.memory_space<vmem>>, vector<16xf32>,
        %mul3A_253 = arith.mulf %get3A_249, %get3A_252 : vector<16xf32>
        %get3A_254 = arith.index_cast %add3A_232 : i32 to index
        %get3A_255 = arith.constant 48 : index
        %get3A_256 = tpu.vector_load %arg11[%get3A_254, %get3A_255] {strides = array<i32>} : memref<160x128xf32, #tpu.memory_space<vmem>>, vector<16xf32>,
        %get3A_257 = arith.index_cast %add3A_232 : i32 to index
        %get3A_258 = arith.constant 112 : index
        %get3A_259 = tpu.vector_load %arg13[%get3A_257, %get3A_258] {strides = array<i32>} : memref<160x128xf32, #tpu.memory_space<vmem>>, vector<16xf32>,
        %mul3A_260 = arith.mulf %get3A_256, %get3A_259 : vector<16xf32>
        %add3A_261 = arith.addf %mul3A_239, %mul3A_246 : vector<16xf32>
        %add3A_262 = arith.addf %mul3A_253, %mul3A_260 : vector<16xf32>
        %add3A_263 = arith.addf %add3A_261, %add3A_262 : vector<16xf32>
        %reduce_sum3A_264 = arith.constant true
        %reduce_sum3A_265 = vector.broadcast %reduce_sum3A_264 : i1 to vector<16xi1>
        %reduce_sum3A_266 = tpu.scan <sum>, %add3A_263 masked %reduce_sum3A_265 : vector<16xf32>, vector<16xi1> -> vector<16xf32>
        %reduce_sum3A_267 = vector.extract %reduce_sum3A_266[15] : f32 from vector<16xf32>
        %eq3A_268 = arith.constant 4 : i32
        %eq3A_269 = vector.broadcast %eq3A_268 : i32 to vector<16xi32>
        %eq3A_270 = arith.cmpi eq, %iota3A_53, %eq3A_269 : vector<16xi32>
        %broadcast_in_dim3A_271 = vector.broadcast %reduce_sum3A_267 : f32 to vector<16xf32>
        %select_n3A_272 = arith.select %eq3A_270, %broadcast_in_dim3A_271, %select_n3A_230 : vector<16xi1>, vector<16xf32>
        %add3A_273 = arith.constant 5 : i32
        %add3A_274 = arith.addi %mul3A_65, %add3A_273 : i32
        %get3A_275 = arith.index_cast %add3A_274 : i32 to index
        %get3A_276 = arith.constant 0 : index
        %get3A_277 = tpu.vector_load %arg11[%get3A_275, %get3A_276] {strides = array<i32>} : memref<160x128xf32, #tpu.memory_space<vmem>>, vector<16xf32>,
        %get3A_278 = arith.index_cast %add3A_274 : i32 to index
        %get3A_279 = arith.constant 64 : index
        %get3A_280 = tpu.vector_load %arg13[%get3A_278, %get3A_279] {strides = array<i32>} : memref<160x128xf32, #tpu.memory_space<vmem>>, vector<16xf32>,
        %mul3A_281 = arith.mulf %get3A_277, %get3A_280 : vector<16xf32>
        %get3A_282 = arith.index_cast %add3A_274 : i32 to index
        %get3A_283 = arith.constant 16 : index
        %get3A_284 = tpu.vector_load %arg11[%get3A_282, %get3A_283] {strides = array<i32>} : memref<160x128xf32, #tpu.memory_space<vmem>>, vector<16xf32>,
        %get3A_285 = arith.index_cast %add3A_274 : i32 to index
        %get3A_286 = arith.constant 80 : index
        %get3A_287 = tpu.vector_load %arg13[%get3A_285, %get3A_286] {strides = array<i32>} : memref<160x128xf32, #tpu.memory_space<vmem>>, vector<16xf32>,
        %mul3A_288 = arith.mulf %get3A_284, %get3A_287 : vector<16xf32>
        %get3A_289 = arith.index_cast %add3A_274 : i32 to index
        %get3A_290 = arith.constant 32 : index
        %get3A_291 = tpu.vector_load %arg11[%get3A_289, %get3A_290] {strides = array<i32>} : memref<160x128xf32, #tpu.memory_space<vmem>>, vector<16xf32>,
        %get3A_292 = arith.index_cast %add3A_274 : i32 to index
        %get3A_293 = arith.constant 96 : index
        %get3A_294 = tpu.vector_load %arg13[%get3A_292, %get3A_293] {strides = array<i32>} : memref<160x128xf32, #tpu.memory_space<vmem>>, vector<16xf32>,
        %mul3A_295 = arith.mulf %get3A_291, %get3A_294 : vector<16xf32>
        %get3A_296 = arith.index_cast %add3A_274 : i32 to index
        %get3A_297 = arith.constant 48 : index
        %get3A_298 = tpu.vector_load %arg11[%get3A_296, %get3A_297] {strides = array<i32>} : memref<160x128xf32, #tpu.memory_space<vmem>>, vector<16xf32>,
        %get3A_299 = arith.index_cast %add3A_274 : i32 to index
        %get3A_300 = arith.constant 112 : index
        %get3A_301 = tpu.vector_load %arg13[%get3A_299, %get3A_300] {strides = array<i32>} : memref<160x128xf32, #tpu.memory_space<vmem>>, vector<16xf32>,
        %mul3A_302 = arith.mulf %get3A_298, %get3A_301 : vector<16xf32>
        %add3A_303 = arith.addf %mul3A_281, %mul3A_288 : vector<16xf32>
        %add3A_304 = arith.addf %mul3A_295, %mul3A_302 : vector<16xf32>
        %add3A_305 = arith.addf %add3A_303, %add3A_304 : vector<16xf32>
        %reduce_sum3A_306 = arith.constant true
        %reduce_sum3A_307 = vector.broadcast %reduce_sum3A_306 : i1 to vector<16xi1>
        %reduce_sum3A_308 = tpu.scan <sum>, %add3A_305 masked %reduce_sum3A_307 : vector<16xf32>, vector<16xi1> -> vector<16xf32>
        %reduce_sum3A_309 = vector.extract %reduce_sum3A_308[15] : f32 from vector<16xf32>
        %eq3A_310 = arith.constant 5 : i32
        %eq3A_311 = vector.broadcast %eq3A_310 : i32 to vector<16xi32>
        %eq3A_312 = arith.cmpi eq, %iota3A_53, %eq3A_311 : vector<16xi32>
        %broadcast_in_dim3A_313 = vector.broadcast %reduce_sum3A_309 : f32 to vector<16xf32>
        %select_n3A_314 = arith.select %eq3A_312, %broadcast_in_dim3A_313, %select_n3A_272 : vector<16xi1>, vector<16xf32>
        %add3A_315 = arith.constant 6 : i32
        %add3A_316 = arith.addi %mul3A_65, %add3A_315 : i32
        %get3A_317 = arith.index_cast %add3A_316 : i32 to index
        %get3A_318 = arith.constant 0 : index
        %get3A_319 = tpu.vector_load %arg11[%get3A_317, %get3A_318] {strides = array<i32>} : memref<160x128xf32, #tpu.memory_space<vmem>>, vector<16xf32>,
        %get3A_320 = arith.index_cast %add3A_316 : i32 to index
        %get3A_321 = arith.constant 64 : index
        %get3A_322 = tpu.vector_load %arg13[%get3A_320, %get3A_321] {strides = array<i32>} : memref<160x128xf32, #tpu.memory_space<vmem>>, vector<16xf32>,
        %mul3A_323 = arith.mulf %get3A_319, %get3A_322 : vector<16xf32>
        %get3A_324 = arith.index_cast %add3A_316 : i32 to index
        %get3A_325 = arith.constant 16 : index
        %get3A_326 = tpu.vector_load %arg11[%get3A_324, %get3A_325] {strides = array<i32>} : memref<160x128xf32, #tpu.memory_space<vmem>>, vector<16xf32>,
        %get3A_327 = arith.index_cast %add3A_316 : i32 to index
        %get3A_328 = arith.constant 80 : index
        %get3A_329 = tpu.vector_load %arg13[%get3A_327, %get3A_328] {strides = array<i32>} : memref<160x128xf32, #tpu.memory_space<vmem>>, vector<16xf32>,
        %mul3A_330 = arith.mulf %get3A_326, %get3A_329 : vector<16xf32>
        %get3A_331 = arith.index_cast %add3A_316 : i32 to index
        %get3A_332 = arith.constant 32 : index
        %get3A_333 = tpu.vector_load %arg11[%get3A_331, %get3A_332] {strides = array<i32>} : memref<160x128xf32, #tpu.memory_space<vmem>>, vector<16xf32>,
        %get3A_334 = arith.index_cast %add3A_316 : i32 to index
        %get3A_335 = arith.constant 96 : index
        %get3A_336 = tpu.vector_load %arg13[%get3A_334, %get3A_335] {strides = array<i32>} : memref<160x128xf32, #tpu.memory_space<vmem>>, vector<16xf32>,
        %mul3A_337 = arith.mulf %get3A_333, %get3A_336 : vector<16xf32>
        %get3A_338 = arith.index_cast %add3A_316 : i32 to index
        %get3A_339 = arith.constant 48 : index
        %get3A_340 = tpu.vector_load %arg11[%get3A_338, %get3A_339] {strides = array<i32>} : memref<160x128xf32, #tpu.memory_space<vmem>>, vector<16xf32>,
        %get3A_341 = arith.index_cast %add3A_316 : i32 to index
        %get3A_342 = arith.constant 112 : index
        %get3A_343 = tpu.vector_load %arg13[%get3A_341, %get3A_342] {strides = array<i32>} : memref<160x128xf32, #tpu.memory_space<vmem>>, vector<16xf32>,
        %mul3A_344 = arith.mulf %get3A_340, %get3A_343 : vector<16xf32>
        %add3A_345 = arith.addf %mul3A_323, %mul3A_330 : vector<16xf32>
        %add3A_346 = arith.addf %mul3A_337, %mul3A_344 : vector<16xf32>
        %add3A_347 = arith.addf %add3A_345, %add3A_346 : vector<16xf32>
        %reduce_sum3A_348 = arith.constant true
        %reduce_sum3A_349 = vector.broadcast %reduce_sum3A_348 : i1 to vector<16xi1>
        %reduce_sum3A_350 = tpu.scan <sum>, %add3A_347 masked %reduce_sum3A_349 : vector<16xf32>, vector<16xi1> -> vector<16xf32>
        %reduce_sum3A_351 = vector.extract %reduce_sum3A_350[15] : f32 from vector<16xf32>
        %eq3A_352 = arith.constant 6 : i32
        %eq3A_353 = vector.broadcast %eq3A_352 : i32 to vector<16xi32>
        %eq3A_354 = arith.cmpi eq, %iota3A_53, %eq3A_353 : vector<16xi32>
        %broadcast_in_dim3A_355 = vector.broadcast %reduce_sum3A_351 : f32 to vector<16xf32>
        %select_n3A_356 = arith.select %eq3A_354, %broadcast_in_dim3A_355, %select_n3A_314 : vector<16xi1>, vector<16xf32>
        %add3A_357 = arith.constant 7 : i32
        %add3A_358 = arith.addi %mul3A_65, %add3A_357 : i32
        %get3A_359 = arith.index_cast %add3A_358 : i32 to index
        %get3A_360 = arith.constant 0 : index
        %get3A_361 = tpu.vector_load %arg11[%get3A_359, %get3A_360] {strides = array<i32>} : memref<160x128xf32, #tpu.memory_space<vmem>>, vector<16xf32>,
        %get3A_362 = arith.index_cast %add3A_358 : i32 to index
        %get3A_363 = arith.constant 64 : index
        %get3A_364 = tpu.vector_load %arg13[%get3A_362, %get3A_363] {strides = array<i32>} : memref<160x128xf32, #tpu.memory_space<vmem>>, vector<16xf32>,
        %mul3A_365 = arith.mulf %get3A_361, %get3A_364 : vector<16xf32>
        %get3A_366 = arith.index_cast %add3A_358 : i32 to index
        %get3A_367 = arith.constant 16 : index
        %get3A_368 = tpu.vector_load %arg11[%get3A_366, %get3A_367] {strides = array<i32>} : memref<160x128xf32, #tpu.memory_space<vmem>>, vector<16xf32>,
        %get3A_369 = arith.index_cast %add3A_358 : i32 to index
        %get3A_370 = arith.constant 80 : index
        %get3A_371 = tpu.vector_load %arg13[%get3A_369, %get3A_370] {strides = array<i32>} : memref<160x128xf32, #tpu.memory_space<vmem>>, vector<16xf32>,
        %mul3A_372 = arith.mulf %get3A_368, %get3A_371 : vector<16xf32>
        %get3A_373 = arith.index_cast %add3A_358 : i32 to index
        %get3A_374 = arith.constant 32 : index
        %get3A_375 = tpu.vector_load %arg11[%get3A_373, %get3A_374] {strides = array<i32>} : memref<160x128xf32, #tpu.memory_space<vmem>>, vector<16xf32>,
        %get3A_376 = arith.index_cast %add3A_358 : i32 to index
        %get3A_377 = arith.constant 96 : index
        %get3A_378 = tpu.vector_load %arg13[%get3A_376, %get3A_377] {strides = array<i32>} : memref<160x128xf32, #tpu.memory_space<vmem>>, vector<16xf32>,
        %mul3A_379 = arith.mulf %get3A_375, %get3A_378 : vector<16xf32>
        %get3A_380 = arith.index_cast %add3A_358 : i32 to index
        %get3A_381 = arith.constant 48 : index
        %get3A_382 = tpu.vector_load %arg11[%get3A_380, %get3A_381] {strides = array<i32>} : memref<160x128xf32, #tpu.memory_space<vmem>>, vector<16xf32>,
        %get3A_383 = arith.index_cast %add3A_358 : i32 to index
        %get3A_384 = arith.constant 112 : index
        %get3A_385 = tpu.vector_load %arg13[%get3A_383, %get3A_384] {strides = array<i32>} : memref<160x128xf32, #tpu.memory_space<vmem>>, vector<16xf32>,
        %mul3A_386 = arith.mulf %get3A_382, %get3A_385 : vector<16xf32>
        %add3A_387 = arith.addf %mul3A_365, %mul3A_372 : vector<16xf32>
        %add3A_388 = arith.addf %mul3A_379, %mul3A_386 : vector<16xf32>
        %add3A_389 = arith.addf %add3A_387, %add3A_388 : vector<16xf32>
        %reduce_sum3A_390 = arith.constant true
        %reduce_sum3A_391 = vector.broadcast %reduce_sum3A_390 : i1 to vector<16xi1>
        %reduce_sum3A_392 = tpu.scan <sum>, %add3A_389 masked %reduce_sum3A_391 : vector<16xf32>, vector<16xi1> -> vector<16xf32>
        %reduce_sum3A_393 = vector.extract %reduce_sum3A_392[15] : f32 from vector<16xf32>
        %eq3A_394 = arith.constant 7 : i32
        %eq3A_395 = vector.broadcast %eq3A_394 : i32 to vector<16xi32>
        %eq3A_396 = arith.cmpi eq, %iota3A_53, %eq3A_395 : vector<16xi32>
        %broadcast_in_dim3A_397 = vector.broadcast %reduce_sum3A_393 : f32 to vector<16xf32>
        %select_n3A_398 = arith.select %eq3A_396, %broadcast_in_dim3A_397, %select_n3A_356 : vector<16xi1>, vector<16xf32>
        %add3A_399 = arith.constant 8 : i32
        %add3A_400 = arith.addi %mul3A_65, %add3A_399 : i32
        %get3A_401 = arith.index_cast %add3A_400 : i32 to index
        %get3A_402 = arith.constant 0 : index
        %get3A_403 = tpu.vector_load %arg11[%get3A_401, %get3A_402] {strides = array<i32>} : memref<160x128xf32, #tpu.memory_space<vmem>>, vector<16xf32>,
        %get3A_404 = arith.index_cast %add3A_400 : i32 to index
        %get3A_405 = arith.constant 64 : index
        %get3A_406 = tpu.vector_load %arg13[%get3A_404, %get3A_405] {strides = array<i32>} : memref<160x128xf32, #tpu.memory_space<vmem>>, vector<16xf32>,
        %mul3A_407 = arith.mulf %get3A_403, %get3A_406 : vector<16xf32>
        %get3A_408 = arith.index_cast %add3A_400 : i32 to index
        %get3A_409 = arith.constant 16 : index
        %get3A_410 = tpu.vector_load %arg11[%get3A_408, %get3A_409] {strides = array<i32>} : memref<160x128xf32, #tpu.memory_space<vmem>>, vector<16xf32>,
        %get3A_411 = arith.index_cast %add3A_400 : i32 to index
        %get3A_412 = arith.constant 80 : index
        %get3A_413 = tpu.vector_load %arg13[%get3A_411, %get3A_412] {strides = array<i32>} : memref<160x128xf32, #tpu.memory_space<vmem>>, vector<16xf32>,
        %mul3A_414 = arith.mulf %get3A_410, %get3A_413 : vector<16xf32>
        %get3A_415 = arith.index_cast %add3A_400 : i32 to index
        %get3A_416 = arith.constant 32 : index
        %get3A_417 = tpu.vector_load %arg11[%get3A_415, %get3A_416] {strides = array<i32>} : memref<160x128xf32, #tpu.memory_space<vmem>>, vector<16xf32>,
        %get3A_418 = arith.index_cast %add3A_400 : i32 to index
        %get3A_419 = arith.constant 96 : index
        %get3A_420 = tpu.vector_load %arg13[%get3A_418, %get3A_419] {strides = array<i32>} : memref<160x128xf32, #tpu.memory_space<vmem>>, vector<16xf32>,
        %mul3A_421 = arith.mulf %get3A_417, %get3A_420 : vector<16xf32>
        %get3A_422 = arith.index_cast %add3A_400 : i32 to index
        %get3A_423 = arith.constant 48 : index
        %get3A_424 = tpu.vector_load %arg11[%get3A_422, %get3A_423] {strides = array<i32>} : memref<160x128xf32, #tpu.memory_space<vmem>>, vector<16xf32>,
        %get3A_425 = arith.index_cast %add3A_400 : i32 to index
        %get3A_426 = arith.constant 112 : index
        %get3A_427 = tpu.vector_load %arg13[%get3A_425, %get3A_426] {strides = array<i32>} : memref<160x128xf32, #tpu.memory_space<vmem>>, vector<16xf32>,
        %mul3A_428 = arith.mulf %get3A_424, %get3A_427 : vector<16xf32>
        %add3A_429 = arith.addf %mul3A_407, %mul3A_414 : vector<16xf32>
        %add3A_430 = arith.addf %mul3A_421, %mul3A_428 : vector<16xf32>
        %add3A_431 = arith.addf %add3A_429, %add3A_430 : vector<16xf32>
        %reduce_sum3A_432 = arith.constant true
        %reduce_sum3A_433 = vector.broadcast %reduce_sum3A_432 : i1 to vector<16xi1>
        %reduce_sum3A_434 = tpu.scan <sum>, %add3A_431 masked %reduce_sum3A_433 : vector<16xf32>, vector<16xi1> -> vector<16xf32>
        %reduce_sum3A_435 = vector.extract %reduce_sum3A_434[15] : f32 from vector<16xf32>
        %eq3A_436 = arith.constant 8 : i32
        %eq3A_437 = vector.broadcast %eq3A_436 : i32 to vector<16xi32>
        %eq3A_438 = arith.cmpi eq, %iota3A_53, %eq3A_437 : vector<16xi32>
        %broadcast_in_dim3A_439 = vector.broadcast %reduce_sum3A_435 : f32 to vector<16xf32>
        %select_n3A_440 = arith.select %eq3A_438, %broadcast_in_dim3A_439, %select_n3A_398 : vector<16xi1>, vector<16xf32>
        %add3A_441 = arith.constant 9 : i32
        %add3A_442 = arith.addi %mul3A_65, %add3A_441 : i32
        %get3A_443 = arith.index_cast %add3A_442 : i32 to index
        %get3A_444 = arith.constant 0 : index
        %get3A_445 = tpu.vector_load %arg11[%get3A_443, %get3A_444] {strides = array<i32>} : memref<160x128xf32, #tpu.memory_space<vmem>>, vector<16xf32>,
        %get3A_446 = arith.index_cast %add3A_442 : i32 to index
        %get3A_447 = arith.constant 64 : index
        %get3A_448 = tpu.vector_load %arg13[%get3A_446, %get3A_447] {strides = array<i32>} : memref<160x128xf32, #tpu.memory_space<vmem>>, vector<16xf32>,
        %mul3A_449 = arith.mulf %get3A_445, %get3A_448 : vector<16xf32>
        %get3A_450 = arith.index_cast %add3A_442 : i32 to index
        %get3A_451 = arith.constant 16 : index
        %get3A_452 = tpu.vector_load %arg11[%get3A_450, %get3A_451] {strides = array<i32>} : memref<160x128xf32, #tpu.memory_space<vmem>>, vector<16xf32>,
        %get3A_453 = arith.index_cast %add3A_442 : i32 to index
        %get3A_454 = arith.constant 80 : index
        %get3A_455 = tpu.vector_load %arg13[%get3A_453, %get3A_454] {strides = array<i32>} : memref<160x128xf32, #tpu.memory_space<vmem>>, vector<16xf32>,
        %mul3A_456 = arith.mulf %get3A_452, %get3A_455 : vector<16xf32>
        %get3A_457 = arith.index_cast %add3A_442 : i32 to index
        %get3A_458 = arith.constant 32 : index
        %get3A_459 = tpu.vector_load %arg11[%get3A_457, %get3A_458] {strides = array<i32>} : memref<160x128xf32, #tpu.memory_space<vmem>>, vector<16xf32>,
        %get3A_460 = arith.index_cast %add3A_442 : i32 to index
        %get3A_461 = arith.constant 96 : index
        %get3A_462 = tpu.vector_load %arg13[%get3A_460, %get3A_461] {strides = array<i32>} : memref<160x128xf32, #tpu.memory_space<vmem>>, vector<16xf32>,
        %mul3A_463 = arith.mulf %get3A_459, %get3A_462 : vector<16xf32>
        %get3A_464 = arith.index_cast %add3A_442 : i32 to index
        %get3A_465 = arith.constant 48 : index
        %get3A_466 = tpu.vector_load %arg11[%get3A_464, %get3A_465] {strides = array<i32>} : memref<160x128xf32, #tpu.memory_space<vmem>>, vector<16xf32>,
        %get3A_467 = arith.index_cast %add3A_442 : i32 to index
        %get3A_468 = arith.constant 112 : index
        %get3A_469 = tpu.vector_load %arg13[%get3A_467, %get3A_468] {strides = array<i32>} : memref<160x128xf32, #tpu.memory_space<vmem>>, vector<16xf32>,
        %mul3A_470 = arith.mulf %get3A_466, %get3A_469 : vector<16xf32>
        %add3A_471 = arith.addf %mul3A_449, %mul3A_456 : vector<16xf32>
        %add3A_472 = arith.addf %mul3A_463, %mul3A_470 : vector<16xf32>
        %add3A_473 = arith.addf %add3A_471, %add3A_472 : vector<16xf32>
        %reduce_sum3A_474 = arith.constant true
        %reduce_sum3A_475 = vector.broadcast %reduce_sum3A_474 : i1 to vector<16xi1>
        %reduce_sum3A_476 = tpu.scan <sum>, %add3A_473 masked %reduce_sum3A_475 : vector<16xf32>, vector<16xi1> -> vector<16xf32>
        %reduce_sum3A_477 = vector.extract %reduce_sum3A_476[15] : f32 from vector<16xf32>
        %eq3A_478 = arith.constant 9 : i32
        %eq3A_479 = vector.broadcast %eq3A_478 : i32 to vector<16xi32>
        %eq3A_480 = arith.cmpi eq, %iota3A_53, %eq3A_479 : vector<16xi32>
        %broadcast_in_dim3A_481 = vector.broadcast %reduce_sum3A_477 : f32 to vector<16xf32>
        %select_n3A_482 = arith.select %eq3A_480, %broadcast_in_dim3A_481, %select_n3A_440 : vector<16xi1>, vector<16xf32>
        %add3A_483 = arith.constant 10 : i32
        %add3A_484 = arith.addi %mul3A_65, %add3A_483 : i32
        %get3A_485 = arith.index_cast %add3A_484 : i32 to index
        %get3A_486 = arith.constant 0 : index
        %get3A_487 = tpu.vector_load %arg11[%get3A_485, %get3A_486] {strides = array<i32>} : memref<160x128xf32, #tpu.memory_space<vmem>>, vector<16xf32>,
        %get3A_488 = arith.index_cast %add3A_484 : i32 to index
        %get3A_489 = arith.constant 64 : index
        %get3A_490 = tpu.vector_load %arg13[%get3A_488, %get3A_489] {strides = array<i32>} : memref<160x128xf32, #tpu.memory_space<vmem>>, vector<16xf32>,
        %mul3A_491 = arith.mulf %get3A_487, %get3A_490 : vector<16xf32>
        %get3A_492 = arith.index_cast %add3A_484 : i32 to index
        %get3A_493 = arith.constant 16 : index
        %get3A_494 = tpu.vector_load %arg11[%get3A_492, %get3A_493] {strides = array<i32>} : memref<160x128xf32, #tpu.memory_space<vmem>>, vector<16xf32>,
        %get3A_495 = arith.index_cast %add3A_484 : i32 to index
        %get3A_496 = arith.constant 80 : index
        %get3A_497 = tpu.vector_load %arg13[%get3A_495, %get3A_496] {strides = array<i32>} : memref<160x128xf32, #tpu.memory_space<vmem>>, vector<16xf32>,
        %mul3A_498 = arith.mulf %get3A_494, %get3A_497 : vector<16xf32>
        %get3A_499 = arith.index_cast %add3A_484 : i32 to index
        %get3A_500 = arith.constant 32 : index
        %get3A_501 = tpu.vector_load %arg11[%get3A_499, %get3A_500] {strides = array<i32>} : memref<160x128xf32, #tpu.memory_space<vmem>>, vector<16xf32>,
        %get3A_502 = arith.index_cast %add3A_484 : i32 to index
        %get3A_503 = arith.constant 96 : index
        %get3A_504 = tpu.vector_load %arg13[%get3A_502, %get3A_503] {strides = array<i32>} : memref<160x128xf32, #tpu.memory_space<vmem>>, vector<16xf32>,
        %mul3A_505 = arith.mulf %get3A_501, %get3A_504 : vector<16xf32>
        %get3A_506 = arith.index_cast %add3A_484 : i32 to index
        %get3A_507 = arith.constant 48 : index
        %get3A_508 = tpu.vector_load %arg11[%get3A_506, %get3A_507] {strides = array<i32>} : memref<160x128xf32, #tpu.memory_space<vmem>>, vector<16xf32>,
        %get3A_509 = arith.index_cast %add3A_484 : i32 to index
        %get3A_510 = arith.constant 112 : index
        %get3A_511 = tpu.vector_load %arg13[%get3A_509, %get3A_510] {strides = array<i32>} : memref<160x128xf32, #tpu.memory_space<vmem>>, vector<16xf32>,
        %mul3A_512 = arith.mulf %get3A_508, %get3A_511 : vector<16xf32>
        %add3A_513 = arith.addf %mul3A_491, %mul3A_498 : vector<16xf32>
        %add3A_514 = arith.addf %mul3A_505, %mul3A_512 : vector<16xf32>
        %add3A_515 = arith.addf %add3A_513, %add3A_514 : vector<16xf32>
        %reduce_sum3A_516 = arith.constant true
        %reduce_sum3A_517 = vector.broadcast %reduce_sum3A_516 : i1 to vector<16xi1>
        %reduce_sum3A_518 = tpu.scan <sum>, %add3A_515 masked %reduce_sum3A_517 : vector<16xf32>, vector<16xi1> -> vector<16xf32>
        %reduce_sum3A_519 = vector.extract %reduce_sum3A_518[15] : f32 from vector<16xf32>
        %eq3A_520 = arith.constant 10 : i32
        %eq3A_521 = vector.broadcast %eq3A_520 : i32 to vector<16xi32>
        %eq3A_522 = arith.cmpi eq, %iota3A_53, %eq3A_521 : vector<16xi32>
        %broadcast_in_dim3A_523 = vector.broadcast %reduce_sum3A_519 : f32 to vector<16xf32>
        %select_n3A_524 = arith.select %eq3A_522, %broadcast_in_dim3A_523, %select_n3A_482 : vector<16xi1>, vector<16xf32>
        %add3A_525 = arith.constant 11 : i32
        %add3A_526 = arith.addi %mul3A_65, %add3A_525 : i32
        %get3A_527 = arith.index_cast %add3A_526 : i32 to index
        %get3A_528 = arith.constant 0 : index
        %get3A_529 = tpu.vector_load %arg11[%get3A_527, %get3A_528] {strides = array<i32>} : memref<160x128xf32, #tpu.memory_space<vmem>>, vector<16xf32>,
        %get3A_530 = arith.index_cast %add3A_526 : i32 to index
        %get3A_531 = arith.constant 64 : index
        %get3A_532 = tpu.vector_load %arg13[%get3A_530, %get3A_531] {strides = array<i32>} : memref<160x128xf32, #tpu.memory_space<vmem>>, vector<16xf32>,
        %mul3A_533 = arith.mulf %get3A_529, %get3A_532 : vector<16xf32>
        %get3A_534 = arith.index_cast %add3A_526 : i32 to index
        %get3A_535 = arith.constant 16 : index
        %get3A_536 = tpu.vector_load %arg11[%get3A_534, %get3A_535] {strides = array<i32>} : memref<160x128xf32, #tpu.memory_space<vmem>>, vector<16xf32>,
        %get3A_537 = arith.index_cast %add3A_526 : i32 to index
        %get3A_538 = arith.constant 80 : index
        %get3A_539 = tpu.vector_load %arg13[%get3A_537, %get3A_538] {strides = array<i32>} : memref<160x128xf32, #tpu.memory_space<vmem>>, vector<16xf32>,
        %mul3A_540 = arith.mulf %get3A_536, %get3A_539 : vector<16xf32>
        %get3A_541 = arith.index_cast %add3A_526 : i32 to index
        %get3A_542 = arith.constant 32 : index
        %get3A_543 = tpu.vector_load %arg11[%get3A_541, %get3A_542] {strides = array<i32>} : memref<160x128xf32, #tpu.memory_space<vmem>>, vector<16xf32>,
        %get3A_544 = arith.index_cast %add3A_526 : i32 to index
        %get3A_545 = arith.constant 96 : index
        %get3A_546 = tpu.vector_load %arg13[%get3A_544, %get3A_545] {strides = array<i32>} : memref<160x128xf32, #tpu.memory_space<vmem>>, vector<16xf32>,
        %mul3A_547 = arith.mulf %get3A_543, %get3A_546 : vector<16xf32>
        %get3A_548 = arith.index_cast %add3A_526 : i32 to index
        %get3A_549 = arith.constant 48 : index
        %get3A_550 = tpu.vector_load %arg11[%get3A_548, %get3A_549] {strides = array<i32>} : memref<160x128xf32, #tpu.memory_space<vmem>>, vector<16xf32>,
        %get3A_551 = arith.index_cast %add3A_526 : i32 to index
        %get3A_552 = arith.constant 112 : index
        %get3A_553 = tpu.vector_load %arg13[%get3A_551, %get3A_552] {strides = array<i32>} : memref<160x128xf32, #tpu.memory_space<vmem>>, vector<16xf32>,
        %mul3A_554 = arith.mulf %get3A_550, %get3A_553 : vector<16xf32>
        %add3A_555 = arith.addf %mul3A_533, %mul3A_540 : vector<16xf32>
        %add3A_556 = arith.addf %mul3A_547, %mul3A_554 : vector<16xf32>
        %add3A_557 = arith.addf %add3A_555, %add3A_556 : vector<16xf32>
        %reduce_sum3A_558 = arith.constant true
        %reduce_sum3A_559 = vector.broadcast %reduce_sum3A_558 : i1 to vector<16xi1>
        %reduce_sum3A_560 = tpu.scan <sum>, %add3A_557 masked %reduce_sum3A_559 : vector<16xf32>, vector<16xi1> -> vector<16xf32>
        %reduce_sum3A_561 = vector.extract %reduce_sum3A_560[15] : f32 from vector<16xf32>
        %eq3A_562 = arith.constant 11 : i32
        %eq3A_563 = vector.broadcast %eq3A_562 : i32 to vector<16xi32>
        %eq3A_564 = arith.cmpi eq, %iota3A_53, %eq3A_563 : vector<16xi32>
        %broadcast_in_dim3A_565 = vector.broadcast %reduce_sum3A_561 : f32 to vector<16xf32>
        %select_n3A_566 = arith.select %eq3A_564, %broadcast_in_dim3A_565, %select_n3A_524 : vector<16xi1>, vector<16xf32>
        %add3A_567 = arith.constant 12 : i32
        %add3A_568 = arith.addi %mul3A_65, %add3A_567 : i32
        %get3A_569 = arith.index_cast %add3A_568 : i32 to index
        %get3A_570 = arith.constant 0 : index
        %get3A_571 = tpu.vector_load %arg11[%get3A_569, %get3A_570] {strides = array<i32>} : memref<160x128xf32, #tpu.memory_space<vmem>>, vector<16xf32>,
        %get3A_572 = arith.index_cast %add3A_568 : i32 to index
        %get3A_573 = arith.constant 64 : index
        %get3A_574 = tpu.vector_load %arg13[%get3A_572, %get3A_573] {strides = array<i32>} : memref<160x128xf32, #tpu.memory_space<vmem>>, vector<16xf32>,
        %mul3A_575 = arith.mulf %get3A_571, %get3A_574 : vector<16xf32>
        %get3A_576 = arith.index_cast %add3A_568 : i32 to index
        %get3A_577 = arith.constant 16 : index
        %get3A_578 = tpu.vector_load %arg11[%get3A_576, %get3A_577] {strides = array<i32>} : memref<160x128xf32, #tpu.memory_space<vmem>>, vector<16xf32>,
        %get3A_579 = arith.index_cast %add3A_568 : i32 to index
        %get3A_580 = arith.constant 80 : index
        %get3A_581 = tpu.vector_load %arg13[%get3A_579, %get3A_580] {strides = array<i32>} : memref<160x128xf32, #tpu.memory_space<vmem>>, vector<16xf32>,
        %mul3A_582 = arith.mulf %get3A_578, %get3A_581 : vector<16xf32>
        %get3A_583 = arith.index_cast %add3A_568 : i32 to index
        %get3A_584 = arith.constant 32 : index
        %get3A_585 = tpu.vector_load %arg11[%get3A_583, %get3A_584] {strides = array<i32>} : memref<160x128xf32, #tpu.memory_space<vmem>>, vector<16xf32>,
        %get3A_586 = arith.index_cast %add3A_568 : i32 to index
        %get3A_587 = arith.constant 96 : index
        %get3A_588 = tpu.vector_load %arg13[%get3A_586, %get3A_587] {strides = array<i32>} : memref<160x128xf32, #tpu.memory_space<vmem>>, vector<16xf32>,
        %mul3A_589 = arith.mulf %get3A_585, %get3A_588 : vector<16xf32>
        %get3A_590 = arith.index_cast %add3A_568 : i32 to index
        %get3A_591 = arith.constant 48 : index
        %get3A_592 = tpu.vector_load %arg11[%get3A_590, %get3A_591] {strides = array<i32>} : memref<160x128xf32, #tpu.memory_space<vmem>>, vector<16xf32>,
        %get3A_593 = arith.index_cast %add3A_568 : i32 to index
        %get3A_594 = arith.constant 112 : index
        %get3A_595 = tpu.vector_load %arg13[%get3A_593, %get3A_594] {strides = array<i32>} : memref<160x128xf32, #tpu.memory_space<vmem>>, vector<16xf32>,
        %mul3A_596 = arith.mulf %get3A_592, %get3A_595 : vector<16xf32>
        %add3A_597 = arith.addf %mul3A_575, %mul3A_582 : vector<16xf32>
        %add3A_598 = arith.addf %mul3A_589, %mul3A_596 : vector<16xf32>
        %add3A_599 = arith.addf %add3A_597, %add3A_598 : vector<16xf32>
        %reduce_sum3A_600 = arith.constant true
        %reduce_sum3A_601 = vector.broadcast %reduce_sum3A_600 : i1 to vector<16xi1>
        %reduce_sum3A_602 = tpu.scan <sum>, %add3A_599 masked %reduce_sum3A_601 : vector<16xf32>, vector<16xi1> -> vector<16xf32>
        %reduce_sum3A_603 = vector.extract %reduce_sum3A_602[15] : f32 from vector<16xf32>
        %eq3A_604 = arith.constant 12 : i32
        %eq3A_605 = vector.broadcast %eq3A_604 : i32 to vector<16xi32>
        %eq3A_606 = arith.cmpi eq, %iota3A_53, %eq3A_605 : vector<16xi32>
        %broadcast_in_dim3A_607 = vector.broadcast %reduce_sum3A_603 : f32 to vector<16xf32>
        %select_n3A_608 = arith.select %eq3A_606, %broadcast_in_dim3A_607, %select_n3A_566 : vector<16xi1>, vector<16xf32>
        %add3A_609 = arith.constant 13 : i32
        %add3A_610 = arith.addi %mul3A_65, %add3A_609 : i32
        %get3A_611 = arith.index_cast %add3A_610 : i32 to index
        %get3A_612 = arith.constant 0 : index
        %get3A_613 = tpu.vector_load %arg11[%get3A_611, %get3A_612] {strides = array<i32>} : memref<160x128xf32, #tpu.memory_space<vmem>>, vector<16xf32>,
        %get3A_614 = arith.index_cast %add3A_610 : i32 to index
        %get3A_615 = arith.constant 64 : index
        %get3A_616 = tpu.vector_load %arg13[%get3A_614, %get3A_615] {strides = array<i32>} : memref<160x128xf32, #tpu.memory_space<vmem>>, vector<16xf32>,
        %mul3A_617 = arith.mulf %get3A_613, %get3A_616 : vector<16xf32>
        %get3A_618 = arith.index_cast %add3A_610 : i32 to index
        %get3A_619 = arith.constant 16 : index
        %get3A_620 = tpu.vector_load %arg11[%get3A_618, %get3A_619] {strides = array<i32>} : memref<160x128xf32, #tpu.memory_space<vmem>>, vector<16xf32>,
        %get3A_621 = arith.index_cast %add3A_610 : i32 to index
        %get3A_622 = arith.constant 80 : index
        %get3A_623 = tpu.vector_load %arg13[%get3A_621, %get3A_622] {strides = array<i32>} : memref<160x128xf32, #tpu.memory_space<vmem>>, vector<16xf32>,
        %mul3A_624 = arith.mulf %get3A_620, %get3A_623 : vector<16xf32>
        %get3A_625 = arith.index_cast %add3A_610 : i32 to index
        %get3A_626 = arith.constant 32 : index
        %get3A_627 = tpu.vector_load %arg11[%get3A_625, %get3A_626] {strides = array<i32>} : memref<160x128xf32, #tpu.memory_space<vmem>>, vector<16xf32>,
        %get3A_628 = arith.index_cast %add3A_610 : i32 to index
        %get3A_629 = arith.constant 96 : index
        %get3A_630 = tpu.vector_load %arg13[%get3A_628, %get3A_629] {strides = array<i32>} : memref<160x128xf32, #tpu.memory_space<vmem>>, vector<16xf32>,
        %mul3A_631 = arith.mulf %get3A_627, %get3A_630 : vector<16xf32>
        %get3A_632 = arith.index_cast %add3A_610 : i32 to index
        %get3A_633 = arith.constant 48 : index
        %get3A_634 = tpu.vector_load %arg11[%get3A_632, %get3A_633] {strides = array<i32>} : memref<160x128xf32, #tpu.memory_space<vmem>>, vector<16xf32>,
        %get3A_635 = arith.index_cast %add3A_610 : i32 to index
        %get3A_636 = arith.constant 112 : index
        %get3A_637 = tpu.vector_load %arg13[%get3A_635, %get3A_636] {strides = array<i32>} : memref<160x128xf32, #tpu.memory_space<vmem>>, vector<16xf32>,
        %mul3A_638 = arith.mulf %get3A_634, %get3A_637 : vector<16xf32>
        %add3A_639 = arith.addf %mul3A_617, %mul3A_624 : vector<16xf32>
        %add3A_640 = arith.addf %mul3A_631, %mul3A_638 : vector<16xf32>
        %add3A_641 = arith.addf %add3A_639, %add3A_640 : vector<16xf32>
        %reduce_sum3A_642 = arith.constant true
        %reduce_sum3A_643 = vector.broadcast %reduce_sum3A_642 : i1 to vector<16xi1>
        %reduce_sum3A_644 = tpu.scan <sum>, %add3A_641 masked %reduce_sum3A_643 : vector<16xf32>, vector<16xi1> -> vector<16xf32>
        %reduce_sum3A_645 = vector.extract %reduce_sum3A_644[15] : f32 from vector<16xf32>
        %eq3A_646 = arith.constant 13 : i32
        %eq3A_647 = vector.broadcast %eq3A_646 : i32 to vector<16xi32>
        %eq3A_648 = arith.cmpi eq, %iota3A_53, %eq3A_647 : vector<16xi32>
        %broadcast_in_dim3A_649 = vector.broadcast %reduce_sum3A_645 : f32 to vector<16xf32>
        %select_n3A_650 = arith.select %eq3A_648, %broadcast_in_dim3A_649, %select_n3A_608 : vector<16xi1>, vector<16xf32>
        %add3A_651 = arith.constant 14 : i32
        %add3A_652 = arith.addi %mul3A_65, %add3A_651 : i32
        %get3A_653 = arith.index_cast %add3A_652 : i32 to index
        %get3A_654 = arith.constant 0 : index
        %get3A_655 = tpu.vector_load %arg11[%get3A_653, %get3A_654] {strides = array<i32>} : memref<160x128xf32, #tpu.memory_space<vmem>>, vector<16xf32>,
        %get3A_656 = arith.index_cast %add3A_652 : i32 to index
        %get3A_657 = arith.constant 64 : index
        %get3A_658 = tpu.vector_load %arg13[%get3A_656, %get3A_657] {strides = array<i32>} : memref<160x128xf32, #tpu.memory_space<vmem>>, vector<16xf32>,
        %mul3A_659 = arith.mulf %get3A_655, %get3A_658 : vector<16xf32>
        %get3A_660 = arith.index_cast %add3A_652 : i32 to index
        %get3A_661 = arith.constant 16 : index
        %get3A_662 = tpu.vector_load %arg11[%get3A_660, %get3A_661] {strides = array<i32>} : memref<160x128xf32, #tpu.memory_space<vmem>>, vector<16xf32>,
        %get3A_663 = arith.index_cast %add3A_652 : i32 to index
        %get3A_664 = arith.constant 80 : index
        %get3A_665 = tpu.vector_load %arg13[%get3A_663, %get3A_664] {strides = array<i32>} : memref<160x128xf32, #tpu.memory_space<vmem>>, vector<16xf32>,
        %mul3A_666 = arith.mulf %get3A_662, %get3A_665 : vector<16xf32>
        %get3A_667 = arith.index_cast %add3A_652 : i32 to index
        %get3A_668 = arith.constant 32 : index
        %get3A_669 = tpu.vector_load %arg11[%get3A_667, %get3A_668] {strides = array<i32>} : memref<160x128xf32, #tpu.memory_space<vmem>>, vector<16xf32>,
        %get3A_670 = arith.index_cast %add3A_652 : i32 to index
        %get3A_671 = arith.constant 96 : index
        %get3A_672 = tpu.vector_load %arg13[%get3A_670, %get3A_671] {strides = array<i32>} : memref<160x128xf32, #tpu.memory_space<vmem>>, vector<16xf32>,
        %mul3A_673 = arith.mulf %get3A_669, %get3A_672 : vector<16xf32>
        %get3A_674 = arith.index_cast %add3A_652 : i32 to index
        %get3A_675 = arith.constant 48 : index
        %get3A_676 = tpu.vector_load %arg11[%get3A_674, %get3A_675] {strides = array<i32>} : memref<160x128xf32, #tpu.memory_space<vmem>>, vector<16xf32>,
        %get3A_677 = arith.index_cast %add3A_652 : i32 to index
        %get3A_678 = arith.constant 112 : index
        %get3A_679 = tpu.vector_load %arg13[%get3A_677, %get3A_678] {strides = array<i32>} : memref<160x128xf32, #tpu.memory_space<vmem>>, vector<16xf32>,
        %mul3A_680 = arith.mulf %get3A_676, %get3A_679 : vector<16xf32>
        %add3A_681 = arith.addf %mul3A_659, %mul3A_666 : vector<16xf32>
        %add3A_682 = arith.addf %mul3A_673, %mul3A_680 : vector<16xf32>
        %add3A_683 = arith.addf %add3A_681, %add3A_682 : vector<16xf32>
        %reduce_sum3A_684 = arith.constant true
        %reduce_sum3A_685 = vector.broadcast %reduce_sum3A_684 : i1 to vector<16xi1>
        %reduce_sum3A_686 = tpu.scan <sum>, %add3A_683 masked %reduce_sum3A_685 : vector<16xf32>, vector<16xi1> -> vector<16xf32>
        %reduce_sum3A_687 = vector.extract %reduce_sum3A_686[15] : f32 from vector<16xf32>
        %eq3A_688 = arith.constant 14 : i32
        %eq3A_689 = vector.broadcast %eq3A_688 : i32 to vector<16xi32>
        %eq3A_690 = arith.cmpi eq, %iota3A_53, %eq3A_689 : vector<16xi32>
        %broadcast_in_dim3A_691 = vector.broadcast %reduce_sum3A_687 : f32 to vector<16xf32>
        %select_n3A_692 = arith.select %eq3A_690, %broadcast_in_dim3A_691, %select_n3A_650 : vector<16xi1>, vector<16xf32>
        %add3A_693 = arith.constant 15 : i32
        %add3A_694 = arith.addi %mul3A_65, %add3A_693 : i32
        %get3A_695 = arith.index_cast %add3A_694 : i32 to index
        %get3A_696 = arith.constant 0 : index
        %get3A_697 = tpu.vector_load %arg11[%get3A_695, %get3A_696] {strides = array<i32>} : memref<160x128xf32, #tpu.memory_space<vmem>>, vector<16xf32>,
        %get3A_698 = arith.index_cast %add3A_694 : i32 to index
        %get3A_699 = arith.constant 64 : index
        %get3A_700 = tpu.vector_load %arg13[%get3A_698, %get3A_699] {strides = array<i32>} : memref<160x128xf32, #tpu.memory_space<vmem>>, vector<16xf32>,
        %mul3A_701 = arith.mulf %get3A_697, %get3A_700 : vector<16xf32>
        %get3A_702 = arith.index_cast %add3A_694 : i32 to index
        %get3A_703 = arith.constant 16 : index
        %get3A_704 = tpu.vector_load %arg11[%get3A_702, %get3A_703] {strides = array<i32>} : memref<160x128xf32, #tpu.memory_space<vmem>>, vector<16xf32>,
        %get3A_705 = arith.index_cast %add3A_694 : i32 to index
        %get3A_706 = arith.constant 80 : index
        %get3A_707 = tpu.vector_load %arg13[%get3A_705, %get3A_706] {strides = array<i32>} : memref<160x128xf32, #tpu.memory_space<vmem>>, vector<16xf32>,
        %mul3A_708 = arith.mulf %get3A_704, %get3A_707 : vector<16xf32>
        %get3A_709 = arith.index_cast %add3A_694 : i32 to index
        %get3A_710 = arith.constant 32 : index
        %get3A_711 = tpu.vector_load %arg11[%get3A_709, %get3A_710] {strides = array<i32>} : memref<160x128xf32, #tpu.memory_space<vmem>>, vector<16xf32>,
        %get3A_712 = arith.index_cast %add3A_694 : i32 to index
        %get3A_713 = arith.constant 96 : index
        %get3A_714 = tpu.vector_load %arg13[%get3A_712, %get3A_713] {strides = array<i32>} : memref<160x128xf32, #tpu.memory_space<vmem>>, vector<16xf32>,
        %mul3A_715 = arith.mulf %get3A_711, %get3A_714 : vector<16xf32>
        %get3A_716 = arith.index_cast %add3A_694 : i32 to index
        %get3A_717 = arith.constant 48 : index
        %get3A_718 = tpu.vector_load %arg11[%get3A_716, %get3A_717] {strides = array<i32>} : memref<160x128xf32, #tpu.memory_space<vmem>>, vector<16xf32>,
        %get3A_719 = arith.index_cast %add3A_694 : i32 to index
        %get3A_720 = arith.constant 112 : index
        %get3A_721 = tpu.vector_load %arg13[%get3A_719, %get3A_720] {strides = array<i32>} : memref<160x128xf32, #tpu.memory_space<vmem>>, vector<16xf32>,
        %mul3A_722 = arith.mulf %get3A_718, %get3A_721 : vector<16xf32>
        %add3A_723 = arith.addf %mul3A_701, %mul3A_708 : vector<16xf32>
        %add3A_724 = arith.addf %mul3A_715, %mul3A_722 : vector<16xf32>
        %add3A_725 = arith.addf %add3A_723, %add3A_724 : vector<16xf32>
        %reduce_sum3A_726 = arith.constant true
        %reduce_sum3A_727 = vector.broadcast %reduce_sum3A_726 : i1 to vector<16xi1>
        %reduce_sum3A_728 = tpu.scan <sum>, %add3A_725 masked %reduce_sum3A_727 : vector<16xf32>, vector<16xi1> -> vector<16xf32>
        %reduce_sum3A_729 = vector.extract %reduce_sum3A_728[15] : f32 from vector<16xf32>
        %eq3A_730 = arith.constant 15 : i32
        %eq3A_731 = vector.broadcast %eq3A_730 : i32 to vector<16xi32>
        %eq3A_732 = arith.cmpi eq, %iota3A_53, %eq3A_731 : vector<16xi32>
        %broadcast_in_dim3A_733 = vector.broadcast %reduce_sum3A_729 : f32 to vector<16xf32>
        %select_n3A_734 = arith.select %eq3A_732, %broadcast_in_dim3A_733, %select_n3A_692 : vector<16xi1>, vector<16xf32>
        %swap3A = arith.index_cast %mul3A_65 : i32 to index
        %swap3A_735 = tpu.vector_load %arg15[%swap3A] {strides = array<i32>} : memref<160xf32, #tpu.memory_space<vmem>>, vector<16xf32>,
        tpu.vector_store %arg15[%swap3A], %select_n3A_734 {strides = array<i32>} : memref<160xf32, #tpu.memory_space<vmem>>, vector<16xf32>,
        %scan3A_736 = arith.constant 0 : i32
        scf.yield %scan3A_736 : i32
      }
      %scan3A_60 = arith.constant 10 : i32
      "tpu.region"() ({
        %run_scoped3A = tpu.sem_alloc : memref<!tpu.dma_semaphore, #tpu.memory_space<semaphore_mem>>
        %dma_start3A_62 = tpu.memref_slice %arg5[%add3A_22] : memref<327680xf32, #tpu.memory_space<hbm>> -> memref<160xf32, #tpu.memory_space<hbm>>
        %dma_start3A_63 = tpu.memref_slice %arg5[%add3A_22] : memref<327680xf32, #tpu.memory_space<hbm>> -> memref<160xf32, #tpu.memory_space<hbm>>
        tpu.enqueue_dma source(%arg15 : memref<160xf32, #tpu.memory_space<vmem>>) target(%dma_start3A_63 : memref<160xf32, #tpu.memory_space<hbm>>) target_semaphore(%run_scoped3A : memref<!tpu.dma_semaphore, #tpu.memory_space<semaphore_mem>>)
        %dma_wait3A_64 = tpu.memref_slice %arg5[%add3A_22] : memref<327680xf32, #tpu.memory_space<hbm>> -> memref<160xf32, #tpu.memory_space<hbm>>
        %dma_wait3A_65 = tpu.memref_slice %arg5[%add3A_22] : memref<327680xf32, #tpu.memory_space<hbm>> -> memref<160xf32, #tpu.memory_space<hbm>>
        tpu.wait_dma2 semaphore(%run_scoped3A : memref<!tpu.dma_semaphore, #tpu.memory_space<semaphore_mem>>) src(%arg15 : memref<160xf32, #tpu.memory_space<vmem>>) dst(%dma_wait3A_65 : memref<160xf32, #tpu.memory_space<hbm>>)
        tpu.yield
      }) : () -> ()
      %scan3A_61 = arith.constant 0 : i32
      scf.yield %scan3A_61 : i32
    }
    %scan3A_13 = arith.constant 32 : i32
    return
  }
}

</mosaic_0001>

<sc_bundles>
// kernel: kernel.3.cloned.1.call-start
scs
__scs_entry_jumppad:
0x0: {  	(pc) =	sbr.rel $0x88, $3  }
0x1: {  	(tag) =	ssettag $0x0;
	lr =	simm.s32 $0x1  }
0x2: {  	[smem:$0x3F9D] =	sst lr;
	_ =	strace $0xD0000000  }
0x3: {  	_ = 	snop  }
0x4: {  	_ = 	snop  }
0x5: {  	_ = 	snop  }
0x6: {  	_ = 	snop  }
0x7: {  	_ = 	snop  }
__scs_overlays_trampoline_lowered:
0x8: {  	[smem:$0x3FAC] =	sst s0  }
0x9: {  	[smem:$0x3FAD] =	sst s1  }
0xa: {  	[smem:$0x3FAE] =	sst s2  }
0xb: {  	[smem:$0x3FAF] =	sst s3  }
0xc: {  	[smem:$0x3FB0] =	sst s4  }
0xd: {  	[smem:$0x3FB1] =	sst s5  }
0xe: {  	[smem:$0x3FB2] =	sst s6  }
0xf: {  	[smem:$0x3FB3] =	sst s7  }
0x10: {  	[smem:$0x3FB4] =	sst s8  }
0x11: {  	[smem:$0x3FB5] =	sst s9;
	s0 =	simm.s32 @!p0 $0x0  }
0x12: {  	s1 =	sld [smem:$0x3F9B];
	s0 =	simm.s32 @p0 $0x1  }
0x13: {  	[smem:$0x3FB6] =	sst s0;
	s0 =	simm.s32 @!p1 $0x0  }
0x14: {  	s2 =	sld [smem:$0x3F9A];
	s0 =	simm.s32 @p1 $0x1  }
0x15: {  	[smem:$0x3FB7] =	sst s0;
	s0 =	simm.s32 @!p2 $0x0  }
0x16: {  	s3 =	sld [smem:$0x3FDB];
	s0 =	simm.s32 @p2 $0x1  }
0x17: {  	s4 =	simm.s32 $0x1BF5;
	[smem:$0x3FB9] =	sst s0  }
0x18: {  	s0 =	sld [smem:$0x3F9C];
	_ =	swait.ge [sflag:s4], $0x0  }
0x19: {  	s7 =	sld [smem:$0x3F9D]  }
0x1a: {  	s8 =	sadd.s32 $0xFFFFE003, lr  }
0x1b: {  	s9 =	sadd.s32 $0xFFFFFEF7, lr;
	s5 =	simm.s32 $0xFFFFFFFF;
	p2 =	slt.u32 s8, $0xFFFFF086  }
0x1c: {  	p1 =	slt.u32 s9, $0xF7A;
	s5 =	simm.s32 @!p2 $0x0  }
0x1d: {  	s5 =	simm.s32 @p1 $0x1;
	p0 =	seq.s32 s7, s2  }
0x1e: {  	s7 =	smul.u32 @!p0 $0xF7A, s2;
	p2 =	seq.s32 @!p0 s5, $0x0  }
0x1f: {  	s9 =	smul.u32 $0xF7A, s1;
	s8 =	simm.s32 @!p0 $0x1BF5;
	p2 =	por !p2, p0  }
0x20: {  	[sflag:s8] =	ssyncset.s32 @!p0 $0xFFFFF086;
	s6 =	sadd.s32 @!p0 s3, s7;
	s7 =	simm.s32 @!p0 $0x108  }
0x21: {  	s3 =	sadd.s32 s3, s9;
	s6 =	sadd.s32 @!p0 $0x88, s6;
	s7 =	simm.s32 @p2 $0x1082  }
0x22: {  	[simem:s7], [sflag:s8] =	dma.local @!p0 [hbm:s6], $0xF7A  }
0x23: {  	s9 =	sor.u32 $0xD0000000, s2;
	s6 =	simm.s32 $0x108;
	_ =	swait.ge @!p0 [sflag:s8], $0x0  }
0x24: {  	s3 =	sadd.s32 $0x88, s3;
	s6 =	simm.s32 @!p1 $0x1082;
	[sflag:s4] =	ssyncset.s32 $0xFFFFF086  }
0x25: {  	[simem:s6], [sflag:s4] =	dma.local [hbm:s3], $0xF7A  }
0x26: {  	[smem:$0x3F9D] =	sst s1;
	(tag) =	ssettag s2;
	_ =	strace s9  }
0x27: {  	s1 =	sld [smem:$0x3FAD]  }
0x28: {  	s2 =	sld [smem:$0x3FAE]  }
0x29: {  	s4 =	sld [smem:$0x3FB0]  }
0x2a: {  	p0 =	seq.s32 s5, $0x0;
	s5 =	sld [smem:$0x3FB1]  }
0x2b: {  	s6 =	sld [smem:$0x3FB2]  }
0x2c: {  	s7 =	sld [smem:$0x3FB3]  }
0x2d: {  	s3 =	simm.s32 $0x108;
	s8 =	sld [smem:$0x3FB4]  }
0x2e: {  	s3 =	simm.s32 @!p0 $0x1082;
	s9 =	sld [smem:$0x3FB5]  }
0x2f: {  	lr =	sadd.s32 s0, s3;
	s0 =	sld [smem:$0x3FAC]  }
0x30: {  	s3 =	sld [smem:$0x3FAF]  }
0x31: {  	[smem:$0x3FB8] =	sst s10  }
0x32: {  	s10 =	sld [smem:$0x3FB6];
	_ =	sdelay $0x3  }
0x33: {  	p0 =	seq.s32 s10, $0x1;
	s10 =	sld [smem:$0x3FB8];
	_ =	sdelay $0x3  }
0x34: {  	[smem:$0x3FB8] =	sst s10  }
0x35: {  	s10 =	sld [smem:$0x3FB7];
	_ =	sdelay $0x3  }
0x36: {  	p1 =	seq.s32 s10, $0x1;
	s10 =	sld [smem:$0x3FB8];
	_ =	sdelay $0x3  }
0x37: {  	[smem:$0x3FB8] =	sst s10  }
0x38: {  	s10 =	sld [smem:$0x3FB9]  }
0x39: {  	_ = 	snop;
	(pc) =	sbr.ind lr, $3  }
0x3a: {  	_ = 	snop  }
0x3b: {  	_ = 	snop  }
0x3c: {  	p2 =	seq.s32 s10, $0x1;
	s10 =	sld [smem:$0x3FB8]  }
0x3d: {  	_ =	shalt  }
0x3e: {  	_ =	shalt  }
0x3f: {  	_ =	shalt  }
0x40: {  	_ =	shalt  }
0x41: {  	_ =	shalt  }
0x42: {  	_ =	shalt  }
0x43: {  	_ =	shalt  }
0x44: {  	_ =	shalt  }
0x45: {  	_ =	shalt  }
0x46: {  	_ =	shalt  }
0x47: {  	_ =	shalt  }
0x48: {  	_ =	shalt  }
0x49: {  	_ =	shalt  }
0x4a: {  	_ =	shalt  }
0x4b: {  	_ =	shalt  }
0x4c: {  	_ =	shalt  }
0x4d: {  	_ =	shalt  }
0x4e: {  	_ =	shalt  }
0x4f: {  	_ =	shalt  }
0x50: {  	_ =	shalt  }
0x51: {  	_ =	shalt  }
0x52: {  	_ =	shalt  }
0x53: {  	_ =	shalt  }
0x54: {  	_ =	shalt  }
0x55: {  	_ =	shalt  }
0x56: {  	_ =	shalt  }
0x57: {  	_ =	shalt  }
0x58: {  	_ =	shalt  }
0x59: {  	_ =	shalt  }
0x5a: {  	_ =	shalt  }
0x5b: {  	_ =	shalt  }
0x5c: {  	_ =	shalt  }
0x5d: {  	_ =	shalt  }
0x5e: {  	_ =	shalt  }
0x5f: {  	_ =	shalt  }
0x60: {  	_ =	shalt  }
0x61: {  	_ =	shalt  }
0x62: {  	_ =	shalt  }
0x63: {  	_ =	shalt  }
0x64: {  	_ =	shalt  }
0x65: {  	_ =	shalt  }
0x66: {  	_ =	shalt  }
0x67: {  	_ =	shalt  }
0x68: {  	_ =	shalt  }
0x69: {  	_ =	shalt  }
0x6a: {  	_ =	shalt  }
0x6b: {  	_ =	shalt  }
0x6c: {  	_ =	shalt  }
0x6d: {  	_ =	shalt  }
0x6e: {  	_ =	shalt  }
0x6f: {  	_ =	shalt  }
0x70: {  	_ =	shalt  }
0x71: {  	_ =	shalt  }
0x72: {  	_ =	shalt  }
0x73: {  	_ =	shalt  }
0x74: {  	_ =	shalt  }
0x75: {  	_ =	shalt  }
0x76: {  	_ =	shalt  }
0x77: {  	_ =	shalt  }
0x78: {  	_ =	shalt  }
0x79: {  	_ =	shalt  }
0x7a: {  	_ =	shalt  }
0x7b: {  	_ =	shalt  }
0x7c: {  	_ =	shalt  }
0x7d: {  	_ =	shalt  }
0x7e: {  	_ =	shalt  }
0x7f: {  	_ =	shalt  }
0x80: {  	_ =	shalt  }
0x81: {  	_ =	shalt  }
0x82: {  	_ =	shalt  }
0x83: {  	_ =	shalt  }
0x84: {  	_ =	shalt  }
0x85: {  	_ =	shalt  }
0x86: {  	_ =	shalt  }
0x87: {  	_ =	shalt  }
.Lfunc_end0:
.L_simem_size_0:
called_computation_lowered:
.L_overlay_start_0:
0x88: {  	s2 =	sld [smem:$0x3FD9]  }
0x89: {  	s3 =	sld [smem:$0x3FFE];
	_ =	sdelay $0x1  }
0x8a: {  	s1 =	srdreg.scid  }
0x8b: {  	s0 =	sand.u32 $0x1, s1  }
0x8c: {  	s17 =	sshll.u32 s0, $0xA;
	s2 =	sadd.s32 s3, s2  }
0x8d: {  	s2 =	sadd.s32 s2, s17  }
0x8e: {  	[smem:$0x3FC4] =	sst s2  }
0x8f: {  	_ = 	snop  }
0x90: {  	s2 =	sld [smem:$0x3FD0];
	(tm) =	ssettm $0x1  }
0x91: {  	s18 =	sld [smem:$0x3FFB];
	_ =	sdelay $0x3  }
0x92: {  	_ =	strace s18  }
0x93: {  	s3 =	sld [smem:$0x3FFC];
	_ =	sdelay $0x3  }
0x94: {  	_ =	strace s3  }
0x95: {  	s3 =	sld [smem:$0x3FFD];
	_ =	sdelay $0x3  }
0x96: {  	_ =	strace s3  }
0x97: {  	_ =	strace $0x8FFFFFFF  }
0x98: {  	s19 =	sld [smem:$0x3FDB];
	_ =	sdelay $0x1  }
0x99: {  	s4 =	simm.s32 $_scs_section_size  }
0x9a: {  	s5 =	simm.s32 $_size__tile_overlayer_lowered;
	s6 =	simm.s32 $_tile_overlayer_lowered  }
0x9b: {  	s22 =	simm.s32 $0x1BFF;
	s21 =	sshll.u32 s6, $0x1;
	s3 =	sadd.s32 s4, s19  }
0x9c: {  	s7 =	simm.s32 $0x0;
	s20 =	sshll.u32 s5, $0x1;
	s5 =	sadd.s32 s21, s3  }
0x9d: {  	[timem:s7], [sflag:s22] =	dma.local [hbm:s5], s20  }
0x9e: {  	_ =	swait.ge [sflag:s22], s20  }
0x9f: {  	s4 =	ssub.s32 $0x0, s20;
	[sflag:s22] =	ssyncset.done $0x0  }
0xa0: {  	[sflag:s22] =	ssyncadd.s32 s4;
	_ =	sdelay $0x1  }
0xa1: {  	s23 =	simm.s32 $0x1B8B  }
0xa2: {  	_ =	swait.ge [sflag:s23], $0x1  }
0xa3: {  	[sflag:s23] =	ssyncset.done $0x0  }
0xa4: {  	s25 =	simm.s32 $0x1B8E;
	s24 =	sld [smem:$0x3FFE];
	[sflag:s23] =	ssyncadd.s32 $0xFFFFFFFF  }
0xa5: {  	s26 =	simm.s32 $execute0_lowered;
	[smem:$0x3FD2] =	sst s25  }
0xa6: {  	s5 =	sshll.u32 s26, $0x1;
	_ =	strace $0x80000046;
	[dreg:$0x1] =	wrdreg $0xFFFFFFFF  }
0xa7: {  	s28 =	simm.s32 $_size_execute0_lowered;
	s3 =	sadd.s32 s3, s5;
	[dreg:$0x0] =	wrdreg $0x0  }
0xa8: {  	s5 =	sshll.u32 s28, $0x1;
	[dreg:$0x2] =	wrdreg s3  }
0xa9: {  	[dreg:$0x3] =	wrdreg s5  }
0xaa: {  	[dreg:$0x4] =	wrdreg $0xC0  }
0xab: {  	_ =	task [dreg:s7], $0x5FFFF  }
0xac: {  	[dreg:$0x1] =	wrdreg $0xFFFFFFFF  }
0xad: {  	[dreg:$0x0] =	wrdreg $0x60  }
0xae: {  	[dreg:$0x2] =	wrdreg s2  }
0xaf: {  	[dreg:$0x3] =	wrdreg s24  }
0xb0: {  	[dreg:$0x4] =	wrdreg $0x9  }
0xb1: {  	_ =	task.clear_ibuf [dreg:s7], $0x5FFFF;
	_ =	strace $0x90000046  }
0xb2: {  	s29 =	simm.s32 $0x9;
	_ =	strace $0x80000048  }
0xb3: {  	_ =	swait.ge [sflag:s29], $0x1  }
0xb4: {  	[sflag:s29] =	ssyncadd.s32 $0xFFFFFFFF  }
0xb5: {  	_ =	strace $0x90000048  }
0xb6: {  	_ =	sfence  }
0xb7: {  	s30 =	sld [smem:$0x0];
	_ =	sdelay $0x2  }
0xb8: {  	s31 =	sshll.u32 s1, $0xD;
	s1 =	sshrl.u32 s1, $0x2  }
0xb9: {  	s3 =	sand.u32 $0x4000, s31;
	s1 =	sadd.s32 s1, s30  }
0xba: {  	s0 =	sor.u32 s3, s0;
	s1 =	sshll.u32 s1, $0x11  }
0xbb: {  	s0 =	sor.u32 s1, s0  }
0xbc: {  	s0 =	sadd.s32 $0x8F2B, s0  }
0xbd: {  	[sflag:s0] =	ssyncadd.remote.s32 $0x1  }
0xbe: {  	_ =	sfence.sel $0xFFFF  }
0xbf: {  	[dreg:$0x0] =	wrdreg $0xFFFFFFFF;
	(pc) =	sbr.abs _section_cstart, $3  }
0xc0: {  	[dreg:$0x1] =	wrdreg $0xFFFFFFFF  }
0xc1: {  	_ =	task.clear_ibuf [dreg:s7], $0x2FFFF;
	_ =	strace $0x9FFFFFFF  }
0xc2: {  	(tm) =	ssettm $0x7FFFFFFF  }
0xc3: {  	_ =	shalt  }
tec
execute0_lowered:
.L_overlay_start_1:
0x0: {  	(tag) =	ssettag $0x1  }
0x1: {  	s2 =	rddreg [dreg:$0x0]  }
0x2: {  	s0 =	rddreg [dreg:$0x1]  }
0x3: {  	s4 =	srdreg.scid;
	s1 =	stileid.u32;
	s3 =	simm.s32 $0x0  }
0x4: {  	s11 =	simm.s32 $0x3;
	s12 =	simm.s32 $0x200;
	s13 =	simm.s32 $0xA0  }
0x5: {  	s14 =	simm.s32 $0x400;
	s15 =	simm.s32 $0xA400;
	s16 =	simm.s32 $0x100  }
0x6: {  	s17 =	simm.s32 $0x300;
	s18 =	simm.s32 $0x5400;
	s19 =	simm.s32 $0xF400  }
0x7: {  	s20 =	simm.s32 $0x1;
	s21 =	simm.s32 $0x14400;
	s22 =	simm.s32 $0x2  }
0x8: {  	s23 =	simm.s32 $0x14500;
	s7 =	sand.u32 $0x1, s4;
	s30 =	sshll.u32 s1, $0x1  }
0x9: {  	vm0 =	vmmov $0x1;
	vm1 =	vmmov $0x3;
	vm2 =	vmmov $0x7;
	s24 =	simm.s32 $0x0;
	[smem:$0x7FF] =	sst s3;
	s4 =	sor.u32 s7, s30  }
0xa: {  	vm3 =	vmmov $0xf;
	vm4 =	vmmov $0x1f;
	vm5 =	vmmov $0x3f;
	s5 =	sadd.s32 $0x1E85000, s0;
	s8 =	ssub.s32 $0x2, s7;
	s4 =	smul.u32 $0x2800, s4  }
0xb: {  	vm6 =	vmmov $0x7f;
	vm7 =	vmmov $0xff;
	vm8 =	vmmov $0x1ff;
	s6 =	sadd.s32 $0x1E8F000, s0;
	_ =	strace $0x80000047;
	s31 =	sshrl.u32 s8, $0x1  }
0xc: {  	vm9 =	vmmov $0x3ff;
	vm10 =	vmmov $0x7ff;
	vm11 =	vmmov $0xfff;
	s7 =	sadd.s32 $0x800, s0;
	s0 =	ssub.s32 s8, s31;
	s9 =	sshrl.u32 s4, $0x3  }
0xd: {  	vm12 =	vmmov $0x1fff;
	vm13 =	vmmov $0x3fff;
	vm14 =	vmmov $0x7fff;
	s10 =	smax.u32 s0, $0x1;
	s8 =	sadd.s32 s2, s9;
	s9 =	sadd.s32 s5, s9  }
.LBB2_1:
0xe: {  	[tilespmem:s3], [sflag:$0x3] =	stream.linear.gather [hbm4b:s8+s3], $0xA0, $0x38;
	[tilespmem:$0x14600] =	vst v63  }
0xf: {  	_ =	swait.ge [sflag:s11], $0xA0  }
0x10: {  	[sflag:s11] =	ssyncset.done $0x0  }
0x11: {  	[sflag:s11] =	ssyncadd.s32 $0xFFFFFF60  }
0x12: {  	[tilespmem:s12], [sflag:$0x3] =	stream.linear.gather [hbm4b:s9+s3], $0xA0, $0x38;
	[tilespmem:$0x14600] =	vst v63  }
0x13: {  	_ =	swait.ge [sflag:s11], $0xA0  }
0x14: {  	[sflag:s11] =	ssyncset.done $0x0  }
0x15: {  	[sflag:s11] =	ssyncadd.s32 $0xFFFFFF60  }
0x16: {  	[tilespmem:s14], [sflag:$0x1] =	stream.indirect.gather [hbm4b:s6+s13], $0x80, s3, s13, $0xb8;
	[tilespmem:$0x14600] =	vst v63  }
0x17: {  	s25 =	simm.s32 $0x0  }
0x18: {  	[tilespmem:s15], [sflag:$0x1] =	stream.indirect.gather [hbm4b:s6+s13], $0x80, s12, s13, $0xb8;
	[tilespmem:$0x14600] =	vst v63  }
.LBB2_2:
0x19: {  	s0 =	smul.u32 $0x140, s25;
	_ =	sdelay $0x1  }
0x1a: {  	s28 =	sadd.s32 s4, s0  }
0x1b: {  	s29 =	sshrl.u32 s28, $0x3  }
0x1c: {  	s26 =	sadd.s32 $0x14, s29  }
0x1d: {  	s30 =	simm.s32 $0x0;
	s0 =	sadd.s32 s2, s26  }
0x1e: {  	[tilespmem:s16], [sflag:$0x3] =	stream.linear.gather [hbm4b:s0+s30], $0xA0, $0x38;
	[tilespmem:$0x14600] =	vst v63  }
0x1f: {  	_ =	swait.ge [sflag:s11], $0xA0  }
0x20: {  	[sflag:s11] =	ssyncset.done $0x0  }
0x21: {  	s0 =	sadd.s32 s5, s26;
	[sflag:s11] =	ssyncadd.s32 $0xFFFFFF60  }
0x22: {  	[tilespmem:s17], [sflag:$0x3] =	stream.linear.gather [hbm4b:s0+s30], $0xA0, $0x38;
	[tilespmem:$0x14600] =	vst v63  }
0x23: {  	_ =	swait.ge [sflag:s11], $0xA0  }
0x24: {  	[sflag:s11] =	ssyncset.done $0x0  }
0x25: {  	[sflag:s11] =	ssyncadd.s32 $0xFFFFFF60  }
0x26: {  	[tilespmem:s18], [sflag:$0x2] =	stream.indirect.gather [hbm4b:s6+s13], $0x80, s16, s13, $0xb8;
	[tilespmem:$0x14600] =	vst v63  }
0x27: {  	_ = 	snop  }
0x28: {  	[tilespmem:s19], [sflag:$0x2] =	stream.indirect.gather [hbm4b:s6+s13], $0x80, s17, s13, $0xb8;
	[tilespmem:$0x14600] =	vst v63  }
0x29: {  	_ =	swait.ge [sflag:s20], $0x5000  }
0x2a: {  	[sflag:s20] =	ssyncset.done $0x0  }
0x2b: {  	[sflag:s20] =	ssyncadd.s32 $0xFFFFB000  }
0x2c: {  	_ =	swait.ge [sflag:s20], $0x5000  }
0x2d: {  	[sflag:s20] =	ssyncset.done $0x0  }
0x2e: {  	s0 =	simm.s32 $0x0;
	[sflag:s20] =	ssyncadd.s32 $0xFFFFB000  }
0x2f: {  	v0 =	vld [tilespmem:s0+$0xB80]  }
0x30: {  	v43 =	vld [tilespmem:s0+$0xABC0]  }
0x31: {  	v44 =	vld [tilespmem:s0+$0xB90]  }
0x32: {  	v45 =	vld [tilespmem:s0+$0xABD0]  }
0x33: {  	v1 =	vld [tilespmem:s0+$0xB00]  }
0x34: {  	v4 =	vld [tilespmem:s0+$0xAB40]  }
0x35: {  	v8 =	vld [tilespmem:s0+$0xB10]  }
0x36: {  	v23 =	vld [tilespmem:s0+$0xAB50]  }
0x37: {  	v46 =	vld [tilespmem:s0+$0xB20]  }
0x38: {  	v47 =	vld [tilespmem:s0+$0xAB60]  }
0x39: {  	v48 =	vld [tilespmem:s0+$0xB30]  }
0x3a: {  	v26 =	vld [tilespmem:s0+$0xAB70]  }
0x3b: {  	v49 =	vld [tilespmem:s0+$0xA80]  }
0x3c: {  	v50 =	vld [tilespmem:s0+$0xAAC0]  }
0x3d: {  	v51 =	vld [tilespmem:s0+$0xA90]  }
0x3e: {  	v52 =	vld [tilespmem:s0+$0xAAD0]  }
0x3f: {  	v53 =	vld [tilespmem:s0+$0xAA0]  }
0x40: {  	v31 =	vld [tilespmem:s0+$0xA00]  }
0x41: {  	v28 =	vld [tilespmem:s0+$0xAA40]  }
0x42: {  	v29 =	vld [tilespmem:s0+$0xA10]  }
0x43: {  	v30 =	vld [tilespmem:s0+$0xAA50]  }
0x44: {  	v35 =	vld [tilespmem:s0+$0xA20]  }
0x45: {  	v32 =	vld [tilespmem:s0+$0xAA60]  }
0x46: {  	v33 =	vld [tilespmem:s0+$0xA30]  }
0x47: {  	v34 =	vld [tilespmem:s0+$0xAA70]  }
0x48: {  	v54 =	vld [tilespmem:s0+$0x980]  }
0x49: {  	v36 =	vld [tilespmem:s0+$0xA9C0]  }
0x4a: {  	v37 =	vld [tilespmem:s0+$0x990]  }
0x4b: {  	v38 =	vld [tilespmem:s0+$0xA9D0]  }
0x4c: {  	v39 =	vld [tilespmem:s0+$0x9A0]  }
0x4d: {  	v40 =	vld [tilespmem:s0+$0xA9E0]  }
0x4e: {  	v41 =	vld [tilespmem:s0+$0x9B0]  }
0x4f: {  	v42 =	vld [tilespmem:s0+$0xA9F0]  }
0x50: {  	v55 =	vld [tilespmem:s0+$0x900]  }
0x51: {  	v56 =	vld [tilespmem:s0+$0xA940]  }
0x52: {  	v57 =	vld [tilespmem:s0+$0x910]  }
0x53: {  	v58 =	vld [tilespmem:s0+$0xA950]  }
0x54: {  	v59 =	vld [tilespmem:s0+$0x920]  }
0x55: {  	v60 =	vld [tilespmem:s0+$0x780]  }
0x56: {  	v61 =	vld [tilespmem:s0+$0xA7C0]  }
0x57: {  	v62 =	vld [tilespmem:s0+$0x790]  }
0x58: {  	v63 =	vld [tilespmem:s0+$0xA7D0]  }
0x59: {  	v5 =	vld [tilespmem:s0+$0x7A0]  }
0x5a: {  	v15 =	vld [tilespmem:s0+$0xA760]  }
0x5b: {  	v19 =	vld [tilespmem:s0+$0x730]  }
0x5c: {  	v12 =	vld [tilespmem:s0+$0xA770]  }
0x5d: {  	v25 =	vld [tilespmem:s0+$0x680]  }
0x5e: {  	v21 =	vld [tilespmem:s0+$0xA6C0]  }
0x5f: {  	v20 =	vld [tilespmem:s0+$0x690]  }
0x60: {  	v16 =	vld [tilespmem:s0+$0xA6D0]  }
0x61: {  	v27 =	vld [tilespmem:s0+$0x6A0]  }
0x62: {  	v22 =	vld [tilespmem:s0+$0xA6E0]  }
0x63: {  	v24 =	vld [tilespmem:s0+$0x6B0]  }
0x64: {  	v17 =	vld [tilespmem:s0+$0xA6F0]  }
0x65: {  	v6 =	vld [tilespmem:s0+$0x600]  }
0x66: {  	v7 =	vld [tilespmem:s0+$0xA640]  }
0x67: {  	v9 =	vld [tilespmem:s0+$0x610]  }
0x68: {  	v10 =	vld [tilespmem:s0+$0xA650]  }
0x69: {  	v11 =	vld [tilespmem:s0+$0x620]  }
0x6a: {  	v3 =	vld [tilespmem:s0+$0x590]  }
0x6b: {  	v2 =	vld [tilespmem:s0+$0xA5D0]  }
0x6c: {  	v18 =	vld [tilespmem:s0+$0x500]  }
0x6d: {  	v13 =	vld [tilespmem:s0+$0xA540]  }
0x6e: {  	v14 =	vld [tilespmem:s0+$0x510]  }
0x6f: {  	[tilespmem:$0x1FE00] =	vst v43;
	v43 =	vld [tilespmem:s0+$0x880]  }
0x70: {  	[tilespmem:$0x1FE10] =	vst v44;
	v44 =	vld [tilespmem:s0+$0xA8C0]  }
0x71: {  	[tilespmem:$0x1FE20] =	vst v45;
	v45 =	vld [tilespmem:s0+$0x890]  }
0x72: {  	[tilespmem:$0x1FC70] =	vst v46;
	v46 =	vld [tilespmem:s0+$0xA8D0]  }
0x73: {  	[tilespmem:$0x1FC80] =	vst v47;
	v47 =	vld [tilespmem:s0+$0x8A0]  }
0x74: {  	[tilespmem:$0x1FC90] =	vst v48;
	v48 =	vld [tilespmem:s0+$0xA8E0]  }
0x75: {  	[tilespmem:$0x1FDA0] =	vst v49;
	v49 =	vld [tilespmem:s0+$0x8B0]  }
0x76: {  	[tilespmem:$0x1FDB0] =	vst v50;
	v50 =	vld [tilespmem:s0+$0xA8F0]  }
0x77: {  	[tilespmem:$0x1FDC0] =	vst v51;
	v51 =	vld [tilespmem:s0+$0x800]  }
0x78: {  	[tilespmem:$0x1FDD0] =	vst v52;
	v52 =	vld [tilespmem:s0+$0xA840]  }
0x79: {  	[tilespmem:$0x1FDE0] =	vst v53;
	v53 =	vld [tilespmem:s0+$0x810]  }
0x7a: {  	[tilespmem:$0x1FCA0] =	vst v54;
	v54 =	vld [tilespmem:s0+$0xA850]  }
0x7b: {  	[tilespmem:$0x1FD50] =	vst v55;
	v55 =	vld [tilespmem:s0+$0x820]  }
0x7c: {  	[tilespmem:$0x1FD60] =	vst v56;
	v56 =	vld [tilespmem:s0+$0xA860]  }
0x7d: {  	[tilespmem:$0x1FD70] =	vst v57;
	v57 =	vld [tilespmem:s0+$0x830]  }
0x7e: {  	[tilespmem:$0x1FD80] =	vst v58;
	v58 =	vld [tilespmem:s0+$0xA870]  }
0x7f: {  	[tilespmem:$0x1FD90] =	vst v59;
	v59 =	vld [tilespmem:s0+$0x700]  }
0x80: {  	[tilespmem:$0x1FD00] =	vst v60;
	v60 =	vld [tilespmem:s0+$0xA740]  }
0x81: {  	[tilespmem:$0x1FD10] =	vst v61;
	v61 =	vld [tilespmem:s0+$0x710]  }
0x82: {  	[tilespmem:$0x1FD20] =	vst v62;
	v62 =	vld [tilespmem:s0+$0xA750]  }
0x83: {  	[tilespmem:$0x1FD30] =	vst v63;
	v63 =	vld [tilespmem:s0+$0x720]  }
0x84: {  	[tilespmem:$0x1FCC0] =	vst v7;
	v7 =	vld [tilespmem:s0+$0x580]  }
0x85: {  	[tilespmem:$0x1FD40] =	vst v5;
	v5 =	vld [tilespmem:s0+$0xA5C0]  }
0x86: {  	[tilespmem:$0x1FCF0] =	vst v11;
	v11 =	vld [tilespmem:s0+$0x5A0]  }
0x87: {  	[tilespmem:$0x1FCE0] =	vst v10;
	v10 =	vld [tilespmem:s0+$0xA5E0]  }
0x88: {  	[tilespmem:$0x1FCD0] =	vst v9;
	v9 =	vld [tilespmem:s0+$0x5B0]  }
0x89: {  	[tilespmem:$0x1FCB0] =	vst v6;
	v6 =	vld [tilespmem:s0+$0xA5F0]  }
0x8a: {  	v1 =	vmul.f32 v4, v1;
	v4 =	vld [tilespmem:s0+$0xA550]  }
0x8b: {  	v29 =	vmul.f32 v30, v29;
	v30 =	vld [tilespmem:s0+$0xA560]  }
0x8c: {  	v28 =	vmul.f32 v28, v31;
	v31 =	vmul.f32 v34, v33;
	v33 =	vld [tilespmem:s0+$0xA440]  }
0x8d: {  	v38 =	vmul.f32 v38, v37;
	v37 =	vld [tilespmem:s0+$0x410]  }
0x8e: {  	v16 =	vmul.f32 v16, v20;
	v20 =	vld [tilespmem:s0+$0x490]  }
0x8f: {  	[tilespmem:$0x1FDF0] =	vst v0;
	v23 =	vmul.f32 v23, v8;
	v0 =	vld [tilespmem:$0x1FC70]  }
0x90: {  	v8 =	vld [tilespmem:$0x1FC80]  }
0x91: {  	v1 =	vadd.f32 v23, v1;
	v23 =	vld [tilespmem:s0+$0x530]  }
0x92: {  	v28 =	vadd.f32 v29, v28;
	v29 =	vld [tilespmem:s0+$0xA570]  }
0x93: {  	v4 =	vmul.f32 v4, v14;
	v14 =	vld [tilespmem:s0+$0x630]  }
0x94: {  	v46 =	vmul.f32 v46, v45;
	v45 =	vld [tilespmem:$0x1FD00]  }
0x95: {  	v48 =	vmul.f32 v48, v47;
	v50 =	vmul.f32 v50, v49;
	v47 =	vld [tilespmem:s0+$0xA970]  }
0x96: {  	v12 =	vmul.f32 v12, v19;
	v0 =	vmul.f32 v8, v0;
	v8 =	vld [tilespmem:$0x1FC90]  }
0x97: {  	v56 =	vmul.f32 v56, v55;
	v15 =	vmul.f32 v15, v63;
	v34 =	vadd.f32 v50, v48;
	v48 =	vld [tilespmem:s0+$0xA470]  }
0x98: {  	v60 =	vmul.f32 v60, v59;
	v62 =	vmul.f32 v62, v61;
	v50 =	vld [tilespmem:s0+$0x480]  }
0x99: {  	v58 =	vmul.f32 v58, v57;
	v12 =	vadd.f32 v12, v15;
	v15 =	vmul.f32 v22, v27;
	v22 =	vld [tilespmem:s0+$0xA4D0]  }
0x9a: {  	v17 =	vmul.f32 v17, v24;
	v19 =	vadd.f32 v62, v60;
	v60 =	vld [tilespmem:s0+$0xA660]  }
0x9b: {  	v21 =	vmul.f32 v21, v25;
	v49 =	vadd.f32 v58, v56;
	v56 =	vmul.f32 v13, v18;
	v18 =	vld [tilespmem:s0+$0xA7E0]  }
0x9c: {  	v54 =	vmul.f32 v54, v53;
	v53 =	vadd.f32 v12, v19;
	v12 =	vadd.f32 v17, v15;
	v15 =	vld [tilespmem:s0+$0xA4E0]  }
0x9d: {  	v4 =	vadd.f32 v4, v56;
	v56 =	vld [tilespmem:$0x1FD70]  }
0x9e: {  	v16 =	vadd.f32 v16, v21;
	v19 =	vld [tilespmem:$0x1FDE0]  }
0x9f: {  	v26 =	vmul.f32 v26, v8;
	v8 =	vld [tilespmem:s0+$0x520]  }
0xa0: {  	v55 =	vadd.f32 v12, v16;
	v12 =	vld [tilespmem:s0+$0xA4F0]  }
0xa1: {  	v44 =	vmul.f32 v44, v43;
	v16 =	vld [tilespmem:s0+$0xA670]  }
0xa2: {  	v0 =	vadd.f32 v26, v0;
	v26 =	vmul.f32 v32, v35;
	v35 =	vld [tilespmem:$0x1FCA0]  }
0xa3: {  	v32 =	vadd.f32 v46, v44;
	v44 =	vld [tilespmem:s0+$0x930]  }
0xa4: {  	v2 =	vmul.f32 v2, v3;
	v46 =	vld [tilespmem:$0x1FD10]  }
0xa5: {  	v5 =	vmul.f32 v5, v7;
	v26 =	vadd.f32 v31, v26;
	v31 =	vmul.f32 v40, v39;
	v40 =	vld [tilespmem:s0+$0xA460]  }
0xa6: {  	v10 =	vmul.f32 v10, v11;
	v6 =	vmul.f32 v6, v9;
	v32 =	vadd.f32 v34, v32;
	v34 =	vld [tilespmem:$0x1FCB0]  }
0xa7: {  	v42 =	vmul.f32 v42, v41;
	v2 =	vadd.f32 v2, v5;
	v39 =	vld [tilespmem:$0x1FCE0]  }
0xa8: {  	v57 =	vadd.f32 v6, v10;
	v0 =	vadd.f32 v0, v1;
	v43 =	vmul.f32 v16, v14;
	v16 =	vld [tilespmem:$0x1FD90]  }
0xa9: {  	v26 =	vadd.f32 v26, v28;
	v28 =	vadd.f32 v42, v31;
	v31 =	vld [tilespmem:s0+$0xA450]  }
0xaa: {  	v42 =	vld [tilespmem:s0+$0x430]  }
0xab: {  	v59 =	vmul.f32 v29, v23;
	(xrf2) =	vadd.scan.msk.f32 $0xffff, v0;
	v0 =	vadd.f32 v57, v2;
	v57 =	vld [tilespmem:$0x1FD80]  }
0xac: {  	v58 =	vmul.f32 v30, v8;
	v1 =	vmul.f32 v36, v35;
	v35 =	vld [tilespmem:s0+$0x400]  }
0xad: {  	v36 =	vld [tilespmem:s0+$0x420]  }
0xae: {  	v6 =	vadd.f32 v59, v58;
	v58 =	vld [tilespmem:s0+$0xBA0]  }
0xaf: {  	v59 =	vld [tilespmem:s0+$0xABE0];
	v1 =	vadd.f32 v38, v1  }
0xb0: {  	v38 =	vld [tilespmem:$0x1FCD0]  }
0xb1: {  	v1 =	vadd.f32 v28, v1;
	v28 =	vmul.f32 v52, v51;
	v51 =	vld [tilespmem:s0+$0xA4C0]  }
0xb2: {  	v52 =	vld [tilespmem:s0+$0x4A0]  }
0xb3: {  	v28 =	vadd.f32 v54, v28;
	v54 =	vld [tilespmem:s0+$0x4B0]  }
0xb4: {  	v13 =	vmul.f32 v31, v37;
	v63 =	vmul.f32 v48, v42;
	v42 =	vld [tilespmem:$0x1FCF0]  }
0xb5: {  	v61 =	vmul.f32 v33, v35;
	v62 =	vmul.f32 v40, v36;
	v35 =	vld [tilespmem:$0x1FCC0]  }
0xb6: {  	(xrf2) =	vadd.scan.msk.f32 $0xffff, v26;
	v36 =	vld [tilespmem:s0+$0xA7F0]  }
0xb7: {  	(xrf2) =	vadd.scan.msk.f32 $0xffff, v1;
	v11 =	vadd.f32 v13, v61;
	v1 =	vadd.f32 v63, v62;
	v13 =	vld [tilespmem:$0x1FD60]  }
0xb8: {  	v3 =	vmul.f32 v15, v52;
	v5 =	vmul.f32 v12, v54;
	v12 =	vld [tilespmem:s0+$0x7B0]  }
0xb9: {  	v28 =	vadd.f32 v49, v28;
	v41 =	vadd.f32 v1, v11;
	v1 =	vmul.f32 v60, v42;
	v54 =	vld [tilespmem:$0x1FD50]  }
0xba: {  	v40 =	vld [tilespmem:s0+$0xA960];
	(xrf2) =	vadd.scan.msk.f32 $0xffff, v32;
	v2 =	vmul.f32 v35, v34;
	v3 =	vadd.f32 v5, v3;
	v5 =	vmul.f32 v39, v38  }
0xbb: {  	v49 =	vld [tilespmem:$0x1FD20];
	(xrf2) =	vadd.scan.msk.f32 $0xffff, v28  }
0xbc: {  	v33 =	vmul.f32 v51, v50;
	v51 =	vld [tilespmem:s0+$0xAAE0];
	(xrf2) =	vadd.scan.msk.f32 $0xffff, v53;
	v1 =	vadd.f32 v43, v1;
	v48 =	vadd.f32 v5, v2  }
0xbd: {  	v4 =	vadd.f32 v6, v4;
	(xrf2) =	vadd.scan.msk.f32 $0xffff, v55;
	v6 =	vmul.f32 v36, v12;
	v12 =	vld [tilespmem:s0+$0xAB0]  }
0xbe: {  	(xrf2) =	vadd.scan.msk.f32 $0xffff, v0;
	v0 =	vadd.f32 v1, v48;
	v1 =	vmul.f32 v13, v54;
	v13 =	vld [tilespmem:s0+$0xAAF0]  }
0xbf: {  	v17 =	vmul.f32 v22, v20;
	v50 =	vld [tilespmem:$0x1FD30]  }
0xc0: {  	v52 =	vld [tilespmem:$0x1FD40]  }
0xc1: {  	v61 =	vld [tilespmem:$0x1FDA0];
	v37 =	vadd.f32 v17, v33  }
0xc2: {  	v63 =	vld [tilespmem:$0x1FDC0];
	v8 =	vmul.f32 v40, v16  }
0xc3: {  	v16 =	vld [tilespmem:$0x1FDB0];
	(xrf2) =	vadd.scan.msk.f32 $0xffff, v4;
	v3 =	vadd.f32 v3, v37;
	v5 =	vmul.f32 v51, v19;
	v12 =	vmul.f32 v13, v12  }
0xc4: {  	v4 =	vmul.f32 v46, v45;
	(xrf2) =	vadd.scan.msk.f32 $0xffff, v41;
	v13 =	vld [tilespmem:$0x1FE00]  }
0xc5: {  	v9, _, _ =	vpop (xrf2);
	v11 =	vmul.f32 v18, v52;
	v2 =	vmul.f32 v50, v49;
	(xrf2) =	vadd.scan.msk.f32 $0xffff, v3;
	v5 =	vadd.f32 v12, v5;
	v12 =	vld [tilespmem:$0x1FDF0]  }
0xc6: {  	v32 =	vld [tilespmem:$0x1FDD0];
	v53, _, _ =	vpop (xrf2)  }
0xc7: {  	v33 =	vld [tilespmem:s0+$0xABF0];
	v14, _, _ =	vpop (xrf2);
	v2 =	vadd.f32 v2, v4;
	v55 =	vadd.f32 v6, v11  }
0xc8: {  	v7 =	vmul.f32 v47, v44;
	v19 =	vld [tilespmem:$0x1FE20];
	v15, _, _ =	vpop (xrf2);
	v6 =	vmul.f32 v57, v56;
	(xrf2) =	vadd.scan.msk.f32 $0xffff, v0  }
0xc9: {  	v4 =	vmul.f32 v16, v61;
	v16 =	vld [tilespmem:s0+$0xBB0];
	v60, _, _ =	vpop (xrf2);
	v2 =	vadd.f32 v55, v2  }
0xca: {  	v62 =	vadd.f32 v7, v8;
	v1 =	vadd.f32 v6, v1;
	v17, _, _ =	vpop (xrf2);
	v12 =	vmul.f32 v13, v12;
	v13 =	vld [tilespmem:$0x1FE10]  }
0xcb: {  	v7 =	vmul.f32 v32, v63;
	v18, _, _ =	vpop (xrf2);
	(xrf2) =	vadd.scan.msk.f32 $0xffff, v2  }
0xcc: {  	v1 =	vadd.f32 v62, v1;
	v34, _, _ =	vpop (xrf2)  }
0xcd: {  	v4 =	vadd.f32 v7, v4;
	v35, _, _ =	vpop (xrf2)  }
0xce: {  	v38 =	vmul.f32 v59, v58;
	(xrf2) =	vadd.scan.msk.f32 $0xffff, v1;
	v36, _, _ =	vpop (xrf2)  }
0xcf: {  	v39 =	vmul.f32 v33, v16;
	v37 =	vadd.f32 v5, v4;
	v40, _, _ =	vpop (xrf2);
	v13 =	vmul.f32 v19, v13  }
0xd0: {  	v7 =	vbroadcast v36, $0xF;
	v8 =	vbroadcast v40, $0xF  }
0xd1: {  	v6 =	vbroadcast v35, $0xF;
	v4 =	vadd.f32 v39, v38;
	(xrf2) =	vadd.scan.msk.f32 $0xffff, v37;
	v41 =	vadd.f32 v13, v12  }
0xd2: {  	v2 =	vbroadcast v34, $0xF;
	v43, _, _ =	vpop (xrf2);
	v42 =	vsel vm0, v7, v8  }
0xd3: {  	v5 =	vbroadcast v43, $0xF;
	v1 =	vsel vm1, v42, v6;
	v4 =	vadd.f32 v4, v41  }
0xd4: {  	v44 =	vbroadcast v18, $0xF;
	v1 =	vsel vm2, v1, v2  }
0xd5: {  	v45 =	vbroadcast v17, $0xF;
	v46, _, _ =	vpop (xrf2);
	v1 =	vsel vm3, v1, v5;
	(xrf2) =	vadd.scan.msk.f32 $0xffff, v4  }
0xd6: {  	v47 =	vbroadcast v46, $0xF;
	v1 =	vsel vm4, v1, v44  }
0xd7: {  	v0 =	vbroadcast v60, $0xF;
	v1 =	vsel vm5, v1, v45  }
0xd8: {  	v48 =	vbroadcast v15, $0xF;
	v49, _, _ =	vpop (xrf2);
	v1 =	vsel vm6, v1, v47  }
0xd9: {  	v50 =	vbroadcast v49, $0xF;
	v0 =	vsel vm7, v1, v0  }
0xda: {  	v51 =	vbroadcast v14, $0xF;
	v0 =	vsel vm8, v0, v48  }
0xdb: {  	v52 =	vbroadcast v53, $0xF;
	v53, _, _ =	vpop (xrf2);
	v0 =	vsel vm9, v0, v50  }
0xdc: {  	v54 =	vbroadcast v53, $0xF;
	v0 =	vsel vm10, v0, v51  }
0xdd: {  	v55 =	vbroadcast v9, $0xF;
	v0 =	vsel vm11, v0, v52  }
0xde: {  	v0 =	vsel vm12, v0, v54  }
0xdf: {  	v0 =	vsel vm13, v0, v55;
	v56, _, _ =	vpop (xrf2)  }
0xe0: {  	s30 =	simm.s32 $0x14400;
	v0 =	vsel vm14, v0, v56  }
0xe1: {  	s31 =	simm.s32 $0x800;
	[tilespmem:s30+$0x0] =	vst v0  }
0xe2: {  	v19 =	vld [tilespmem:s31+$0xB80]  }
0xe3: {  	v0 =	vld [tilespmem:s31+$0xABC0]  }
0xe4: {  	v57 =	vld [tilespmem:s31+$0xB90]  }
0xe5: {  	v58 =	vld [tilespmem:s31+$0xABD0]  }
0xe6: {  	v1 =	vld [tilespmem:s31+$0xB00]  }
0xe7: {  	v2 =	vld [tilespmem:s31+$0xAB40]  }
0xe8: {  	v3 =	vld [tilespmem:s31+$0xB10]  }
0xe9: {  	v5 =	vld [tilespmem:s31+$0xAB50]  }
0xea: {  	v4 =	vld [tilespmem:s31+$0xB20]  }
0xeb: {  	v6 =	vld [tilespmem:s31+$0xAB60]  }
0xec: {  	v7 =	vld [tilespmem:s31+$0xB30]  }
0xed: {  	v8 =	vld [tilespmem:s31+$0xAB70]  }
0xee: {  	v59 =	vld [tilespmem:s31+$0xA80]  }
0xef: {  	v60 =	vld [tilespmem:s31+$0xAAC0]  }
0xf0: {  	v61 =	vld [tilespmem:s31+$0xA90]  }
0xf1: {  	v62 =	vld [tilespmem:s31+$0xAAD0]  }
0xf2: {  	v63 =	vld [tilespmem:s31+$0xAA0]  }
0xf3: {  	v28 =	vld [tilespmem:s31+$0xAA50]  }
0xf4: {  	v9 =	vld [tilespmem:s31+$0xA20]  }
0xf5: {  	v29 =	vld [tilespmem:s31+$0xAA60]  }
0xf6: {  	v31 =	vld [tilespmem:s31+$0xA30]  }
0xf7: {  	v39 =	vld [tilespmem:s31+$0xAA70]  }
0xf8: {  	v10 =	vld [tilespmem:s31+$0x980]  }
0xf9: {  	v32 =	vld [tilespmem:s31+$0xA9C0]  }
0xfa: {  	v52 =	vld [tilespmem:s31+$0x990]  }
0xfb: {  	v43 =	vld [tilespmem:s31+$0xA9D0]  }
0xfc: {  	v46 =	vld [tilespmem:s31+$0x9B0]  }
0xfd: {  	v47 =	vld [tilespmem:s31+$0xA9F0]  }
0xfe: {  	v11 =	vld [tilespmem:s31+$0x900]  }
0xff: {  	v33 =	vld [tilespmem:s31+$0xA940]  }
0x100: {  	v34 =	vld [tilespmem:s31+$0x910]  }
0x101: {  	v35 =	vld [tilespmem:s31+$0xA950]  }
0x102: {  	v36 =	vld [tilespmem:s31+$0x920]  }
0x103: {  	v37 =	vld [tilespmem:s31+$0x880]  }
0x104: {  	v38 =	vld [tilespmem:s31+$0xA8C0]  }
0x105: {  	v40 =	vld [tilespmem:s31+$0x890]  }
0x106: {  	v51 =	vld [tilespmem:s31+$0xA8D0]  }
0x107: {  	v41 =	vld [tilespmem:s31+$0x8A0]  }
0x108: {  	v42 =	vld [tilespmem:s31+$0xA8E0]  }
0x109: {  	v44 =	vld [tilespmem:s31+$0x8B0]  }
0x10a: {  	v55 =	vld [tilespmem:s31+$0xA8F0]  }
0x10b: {  	v12 =	vld [tilespmem:s31+$0xA840]  }
0x10c: {  	v13 =	vld [tilespmem:s31+$0x810]  }
0x10d: {  	v45 =	vld [tilespmem:s31+$0xA850]  }
0x10e: {  	v14 =	vld [tilespmem:s31+$0xA860]  }
0x10f: {  	v48 =	vld [tilespmem:s31+$0x830]  }
0x110: {  	v49 =	vld [tilespmem:s31+$0xA870]  }
0x111: {  	v17 =	vld [tilespmem:s31+$0x780]  }
0x112: {  	v18 =	vld [tilespmem:s31+$0xA7C0]  }
0x113: {  	v15 =	vld [tilespmem:s31+$0x790]  }
0x114: {  	v16 =	vld [tilespmem:s31+$0xA7D0]  }
0x115: {  	v50 =	vld [tilespmem:s31+$0x7A0]  }
0x116: {  	v56 =	vld [tilespmem:s31+$0x680]  }
0x117: {  	v30 =	vld [tilespmem:s31+$0xA6F0]  }
0x118: {  	v23 =	vld [tilespmem:s31+$0x600]  }
0x119: {  	v24 =	vld [tilespmem:s31+$0xA640]  }
0x11a: {  	v21 =	vld [tilespmem:s31+$0x610]  }
0x11b: {  	v22 =	vld [tilespmem:s31+$0xA650]  }
0x11c: {  	v20 =	vld [tilespmem:s31+$0x620]  }
0x11d: {  	v53 =	vld [tilespmem:s31+$0x580]  }
0x11e: {  	v54 =	vld [tilespmem:s31+$0x5A0]  }
0x11f: {  	[tilespmem:$0x1FE70] =	vst v60;
	v60 =	vld [tilespmem:s31+$0xA00]  }
0x120: {  	[tilespmem:$0x1FE60] =	vst v59;
	v59 =	vld [tilespmem:s31+$0xAA40]  }
0x121: {  	[tilespmem:$0x1FE50] =	vst v58;
	v58 =	vld [tilespmem:s31+$0xA10]  }
0x122: {  	[tilespmem:$0x1FE80] =	vst v61;
	v61 =	vld [tilespmem:s31+$0x9A0]  }
0x123: {  	[tilespmem:$0x1FE40] =	vst v57;
	v57 =	vld [tilespmem:s31+$0xA9E0]  }
0x124: {  	[tilespmem:$0x1FF20] =	vst v10;
	v10 =	vld [tilespmem:s31+$0x800]  }
0x125: {  	[tilespmem:$0x1FEB0] =	vst v11;
	v11 =	vld [tilespmem:s31+$0x820]  }
0x126: {  	[tilespmem:$0x1FF00] =	vst v50;
	v50 =	vld [tilespmem:s31+$0x700]  }
0x127: {  	[tilespmem:$0x1FF40] =	vst v38;
	v38 =	vld [tilespmem:s31+$0xA740]  }
0x128: {  	[tilespmem:$0x1FF80] =	vst v44;
	v44 =	vld [tilespmem:s31+$0x710]  }
0x129: {  	[tilespmem:$0x1FEC0] =	vst v33;
	v33 =	vld [tilespmem:s31+$0xA750]  }
0x12a: {  	[tilespmem:$0x1FFA0] =	vst v48;
	v48 =	vld [tilespmem:s31+$0x720]  }
0x12b: {  	[tilespmem:$0x1FF70] =	vst v42;
	v42 =	vld [tilespmem:s31+$0xA760]  }
0x12c: {  	[tilespmem:$0x1FF90] =	vst v45;
	v45 =	vld [tilespmem:s31+$0x730]  }
0x12d: {  	[tilespmem:$0x1FED0] =	vst v34;
	v34 =	vld [tilespmem:s31+$0xA770]  }
0x12e: {  	[tilespmem:$0x1FEF0] =	vst v36;
	v36 =	vld [tilespmem:s31+$0xA6C0]  }
0x12f: {  	[tilespmem:$0x1FF30] =	vst v37;
	v37 =	vld [tilespmem:s31+$0x690]  }
0x130: {  	[tilespmem:$0x1FEE0] =	vst v35;
	v35 =	vld [tilespmem:s31+$0xA6D0]  }
0x131: {  	[tilespmem:$0x1FFB0] =	vst v49;
	v49 =	vld [tilespmem:s31+$0x6A0]  }
0x132: {  	[tilespmem:$0x1FF50] =	vst v40;
	v40 =	vld [tilespmem:s31+$0xA6E0]  }
0x133: {  	[tilespmem:$0x1FF60] =	vst v41;
	v41 =	vld [tilespmem:s31+$0x6B0]  }
0x134: {  	[tilespmem:$0x1FE90] =	vst v62;
	v62 =	vld [tilespmem:s31+$0xA5C0]  }
0x135: {  	[tilespmem:$0x1FEA0] =	vst v63;
	v63 =	vld [tilespmem:s31+$0x590]  }
0x136: {  	[tilespmem:$0x1FFC0] =	vst v53;
	v53 =	vld [tilespmem:s31+$0xA5D0]  }
0x137: {  	[tilespmem:$0x1FF10] =	vst v9;
	v9 =	vld [tilespmem:s31+$0xA5E0]  }
0x138: {  	[tilespmem:$0x1FFD0] =	vst v54;
	v54 =	vld [tilespmem:s31+$0x5B0]  }
0x139: {  	[tilespmem:$0x1FE30] =	vst v0;
	v0 =	vmul.f32 v5, v3;
	v3 =	vld [tilespmem:s31+$0xA540]  }
0x13a: {  	v27 =	vmul.f32 v6, v4;
	v4 =	vld [tilespmem:s31+$0x510]  }
0x13b: {  	v25 =	vmul.f32 v2, v1;
	v26 =	vmul.f32 v8, v7;
	v8 =	vld [tilespmem:$0x1FF10]  }
0x13c: {  	v6 =	vld [tilespmem:$0x1FF30]  }
0x13d: {  	v7 =	vld [tilespmem:$0x1FF40];
	v0 =	vadd.f32 v0, v25;
	v26 =	vadd.f32 v26, v27  }
0x13e: {  	v5 =	vmul.f32 v47, v46;
	v47 =	vld [tilespmem:$0x1FF50]  }
0x13f: {  	v0 =	vadd.f32 v26, v0;
	v26 =	vld [tilespmem:s31+$0xA570]  }
0x140: {  	[tilespmem:$0x1FFF0] =	vst v54;
	v54 =	vld [tilespmem:s31+$0xA5F0]  }
0x141: {  	[tilespmem:$0x1FFE0] =	vst v9;
	v9 =	vld [tilespmem:s31+$0x500]  }
0x142: {  	v28 =	vmul.f32 v28, v58;
	v58 =	vld [tilespmem:s31+$0xA550]  }
0x143: {  	v59 =	vmul.f32 v59, v60;
	v60 =	vld [tilespmem:s31+$0x520]  }
0x144: {  	v61 =	vmul.f32 v57, v61;
	v57 =	vld [tilespmem:$0x1FF60]  }
0x145: {  	v44 =	vmul.f32 v33, v44;
	v33 =	vld [tilespmem:s31+$0xA460]  }
0x146: {  	v25 =	vmul.f32 v29, v8;
	v29 =	vmul.f32 v39, v31;
	v39 =	vld [tilespmem:$0x1FF20]  }
0x147: {  	v2 =	vmul.f32 v36, v56;
	v36 =	vld [tilespmem:s31+$0xA470]  }
0x148: {  	v56 =	vld [tilespmem:$0x1FFD0]  }
0x149: {  	v30 =	vmul.f32 v30, v41;
	v41 =	vld [tilespmem:s31+$0xA4E0]  }
0x14a: {  	v31 =	vmul.f32 v43, v52;
	v43 =	vld [tilespmem:s31+$0xA560];
	v28 =	vadd.f32 v28, v59;
	v25 =	vadd.f32 v29, v25  }
0x14b: {  	v52 =	vld [tilespmem:s31+$0x530];
	v27 =	vmul.f32 v32, v39  }
0x14c: {  	v38 =	vmul.f32 v38, v50;
	v8 =	vmul.f32 v7, v6;
	v59 =	vld [tilespmem:$0x1FF70];
	v25 =	vadd.f32 v25, v28  }
0x14d: {  	v51 =	vmul.f32 v51, v47;
	v29 =	vadd.f32 v31, v27;
	v31 =	vadd.f32 v5, v61;
	v61 =	vld [tilespmem:$0x1FF80]  }
0x14e: {  	(xrf2) =	vadd.scan.msk.f32 $0xffff, v0;
	v44 =	vadd.f32 v44, v38;
	v38 =	vld [tilespmem:s31+$0x490]  }
0x14f: {  	(xrf2) =	vadd.scan.msk.f32 $0xffff, v25;
	v25 =	vadd.f32 v51, v8;
	v8 =	vld [tilespmem:$0x1FF90]  }
0x150: {  	v28 =	vld [tilespmem:s31+$0x400]  }
0x151: {  	v0 =	vmul.f32 v59, v57;
	v57 =	vld [tilespmem:$0x1FFB0]  }
0x152: {  	v5 =	vmul.f32 v55, v61;
	v55 =	vld [tilespmem:$0x1FFA0]  }
0x153: {  	v32 =	vld [tilespmem:s31+$0x420];
	v6 =	vadd.f32 v31, v29  }
0x154: {  	v7 =	vmul.f32 v12, v10;
	v27 =	vld [tilespmem:s31+$0xA440];
	v10 =	vmul.f32 v8, v13;
	v0 =	vadd.f32 v5, v0  }
0x155: {  	v29 =	vld [tilespmem:s31+$0x410];
	(xrf2) =	vadd.scan.msk.f32 $0xffff, v6;
	v61 =	vmul.f32 v34, v45  }
0x156: {  	v39 =	vadd.f32 v10, v7;
	v10 =	vld [tilespmem:$0x1FFC0];
	v0 =	vadd.f32 v0, v25;
	v25 =	vmul.f32 v42, v48  }
0x157: {  	v11 =	vmul.f32 v14, v11;
	v59 =	vmul.f32 v57, v55;
	v57 =	vld [tilespmem:$0x1FFE0]  }
0x158: {  	v6 =	vmul.f32 v40, v49;
	v25 =	vadd.f32 v61, v25;
	v61 =	vld [tilespmem:$0x1FFF0]  }
0x159: {  	v31 =	vld [tilespmem:s31+$0xA450];
	v5 =	vmul.f32 v35, v37;
	v1 =	vadd.f32 v59, v11  }
0x15a: {  	v40 =	vld [tilespmem:s31+$0x4A0];
	v30 =	vadd.f32 v30, v6;
	v25 =	vadd.f32 v25, v44  }
0x15b: {  	v47 =	vmul.f32 v58, v4;
	v34 =	vld [tilespmem:s31+$0x430];
	v8 =	vadd.f32 v5, v2;
	v7 =	vadd.f32 v1, v39  }
0x15c: {  	v35 =	vld [tilespmem:s31+$0x480];
	v55 =	vmul.f32 v53, v63;
	(xrf2) =	vadd.scan.msk.f32 $0xffff, v0;
	v11 =	vmul.f32 v62, v10  }
0x15d: {  	v50, _, _ =	vpop (xrf2);
	v37 =	vld [tilespmem:s31+$0xA4C0];
	v63 =	vadd.f32 v30, v8;
	v59 =	vmul.f32 v57, v56;
	(xrf2) =	vadd.scan.msk.f32 $0xffff, v7;
	v62 =	vmul.f32 v54, v61  }
0x15e: {  	v43 =	vmul.f32 v43, v60;
	v45 =	vmul.f32 v3, v9;
	v42 =	vld [tilespmem:s31+$0x4B0];
	(xrf2) =	vadd.scan.msk.f32 $0xffff, v25;
	v25, _, _ =	vpop (xrf2)  }
0x15f: {  	s0 =	simm.s32 $0x4000;
	v44 =	vmul.f32 v26, v52;
	v39 =	vld [tilespmem:s31+$0xA4D0];
	v30 =	vadd.f32 v55, v11;
	v46 =	vadd.f32 v62, v59;
	v26, _, _ =	vpop (xrf2);
	(xrf2) =	vadd.scan.msk.f32 $0xffff, v63  }
.LBB2_3:
0x160: {  	v48 =	vld [tilespmem:s31+$0xA4F0]  }
0x161: {  	v4 =	vld [tilespmem:s31+$0x630]  }
0x162: {  	v7 =	vld [tilespmem:s31+$0xA7E0]  }
0x163: {  	v10 =	vld [tilespmem:s31+$0x7B0]  }
0x164: {  	v23 =	vmul.f32 v24, v23;
	v24 =	vld [tilespmem:s31+$0xA7F0]  }
0x165: {  	v21 =	vmul.f32 v22, v21;
	v22 =	vld [tilespmem:s31+$0xA960]  }
0x166: {  	v1 =	vld [tilespmem:$0x1FEC0]  }
0x167: {  	v13 =	vld [tilespmem:s31+$0xAAF0]  }
0x168: {  	v49 =	vld [tilespmem:$0x1FE60]  }
0x169: {  	v51 =	vld [tilespmem:$0x1FE70]  }
0x16a: {  	v53 =	vld [tilespmem:$0x1FE80]  }
0x16b: {  	v54 =	vld [tilespmem:$0x1FE90]  }
0x16c: {  	v55 =	vld [tilespmem:$0x1FEA0]  }
0x16d: {  	v58 =	vld [tilespmem:$0x1FE30]  }
0x16e: {  	v59 =	vld [tilespmem:$0x1FE40];
	v45 =	vadd.f32 v47, v45  }
0x16f: {  	v47 =	vld [tilespmem:$0x1FEE0];
	v27 =	vmul.f32 v27, v28;
	v28 =	vmul.f32 v31, v29;
	v29 =	vadd.f32 v44, v43  }
0x170: {  	v46 =	vadd.f32 v46, v30;
	v31 =	vld [tilespmem:s31+$0xA660];
	v32 =	vmul.f32 v33, v32;
	v63 =	vmul.f32 v36, v34  }
0x171: {  	v5 =	vmul.f32 v37, v35;
	v6 =	vmul.f32 v39, v38;
	v0 =	vadd.f32 v29, v45;
	v29 =	vld [tilespmem:s31+$0xA670]  }
0x172: {  	v8 =	vmul.f32 v41, v40;
	v17 =	vmul.f32 v18, v17;
	v18 =	vld [tilespmem:s31+$0xA970];
	v30, _, _ =	vpop (xrf2);
	(xrf2) =	vadd.scan.msk.f32 $0xffff, v46  }
0x173: {  	v43 =	vld [tilespmem:$0x1FF00];
	v9 =	vmul.f32 v48, v42;
	v27 =	vadd.f32 v28, v27;
	v32 =	vadd.f32 v63, v32  }
0x174: {  	v44 =	vld [tilespmem:$0x1FEB0];
	v11 =	vadd.f32 v6, v5  }
0x175: {  	v48 =	vld [tilespmem:$0x1FEF0];
	v36, _, _ =	vpop (xrf2);
	v41 =	vadd.f32 v9, v8;
	(xrf2) =	vadd.scan.msk.f32 $0xffff, v0;
	v27 =	vadd.f32 v32, v27  }
0x176: {  	v46 =	vld [tilespmem:$0x1FED0];
	v20 =	vmul.f32 v31, v20;
	v29 =	vmul.f32 v29, v4  }
0x177: {  	v28, _, _ =	vpop (xrf2);
	v31 =	vld [tilespmem:s31+$0x930];
	(xrf2) =	vadd.scan.msk.f32 $0xffff, v27;
	v27 =	vadd.f32 v41, v11  }
0x178: {  	v60 =	vld [tilespmem:$0x1FE50];
	v2 =	vadd.f32 v21, v23;
	v14 =	vmul.f32 v16, v15;
	v20 =	vadd.f32 v29, v20  }
0x179: {  	v16 =	vld [tilespmem:s31+$0xAAE0];
	v23 =	vmul.f32 v24, v10;
	v42, _, _ =	vpop (xrf2);
	v15 =	vmul.f32 v7, v43;
	(xrf2) =	vadd.scan.msk.f32 $0xffff, v27  }
0x17a: {  	v24 =	vld [tilespmem:s31+$0xAB0];
	v14 =	vadd.f32 v14, v17;
	v20 =	vadd.f32 v20, v2  }
0x17b: {  	v6 =	vld [tilespmem:s31+$0xABF0];
	v12 =	vmul.f32 v1, v44;
	v10 =	vmul.f32 v22, v48;
	v45 =	vadd.f32 v23, v15  }
0x17c: {  	v8 =	vld [tilespmem:s31+$0xBB0];
	v9 =	vmul.f32 v47, v46;
	v17 =	vmul.f32 v18, v31;
	v21, _, _ =	vpop (xrf2);
	(xrf2) =	vadd.scan.msk.f32 $0xffff, v20  }
0x17d: {  	v7 =	vmul.f32 v51, v49;
	v11 =	vld [tilespmem:s31+$0xBA0];
	v14 =	vadd.f32 v45, v14  }
0x17e: {  	v5 =	vmul.f32 v16, v55;
	v9 =	vadd.f32 v9, v12;
	v18 =	vld [tilespmem:s31+$0xABE0];
	v52 =	vadd.f32 v17, v10  }
0x17f: {  	v4 =	vmul.f32 v54, v53;
	v12 =	vmul.f32 v13, v24;
	v15, _, _ =	vpop (xrf2);
	(xrf2) =	vadd.scan.msk.f32 $0xffff, v14  }
0x180: {  	v9 =	vadd.f32 v52, v9  }
0x181: {  	v4 =	vadd.f32 v4, v7;
	v57 =	vadd.f32 v12, v5  }
0x182: {  	v0 =	vmul.f32 v58, v19;
	v1 =	vmul.f32 v60, v59;
	v56, _, _ =	vpop (xrf2);
	(xrf2) =	vadd.scan.msk.f32 $0xffff, v9  }
0x183: {  	v8 =	vmul.f32 v6, v8;
	v61 =	vadd.f32 v57, v4;
	v3 =	vmul.f32 v18, v11;
	v62, _, _ =	vpop (xrf2)  }
0x184: {  	v63 =	vbroadcast v56, $0xF;
	v5 =	vbroadcast v62, $0xF  }
0x185: {  	v0 =	vadd.f32 v1, v0;
	v9 =	vbroadcast v15, $0xF;
	v10 =	vadd.f32 v8, v3;
	(xrf2) =	vadd.scan.msk.f32 $0xffff, v61  }
0x186: {  	v33 =	vbroadcast v21, $0xF;
	v11 =	vsel vm0, v63, v5;
	v34, _, _ =	vpop (xrf2)  }
0x187: {  	v0 =	vadd.f32 v10, v0;
	v2 =	vsel vm1, v11, v9;
	v35 =	vbroadcast v34, $0xF  }
0x188: {  	v38 =	vbroadcast v42, $0xF;
	v37 =	vsel vm2, v2, v33  }
0x189: {  	v39 =	vbroadcast v28, $0xF;
	v40, _, _ =	vpop (xrf2);
	(xrf2) =	vadd.scan.msk.f32 $0xffff, v0;
	v1 =	vsel vm3, v37, v35  }
0x18a: {  	v42 =	vbroadcast v40, $0xF;
	v41 =	vsel vm4, v1, v38  }
0x18b: {  	v43 =	vbroadcast v36, $0xF;
	v0 =	vsel vm5, v41, v39  }
0x18c: {  	v44 =	vbroadcast v30, $0xF;
	v45, _, _ =	vpop (xrf2);
	v0 =	vsel vm6, v0, v42  }
0x18d: {  	v46 =	vbroadcast v45, $0xF;
	v0 =	vsel vm7, v0, v43  }
0x18e: {  	v47 =	vbroadcast v26, $0xF;
	v0 =	vsel vm8, v0, v44  }
0x18f: {  	v48 =	vbroadcast v25, $0xF;
	v49, _, _ =	vpop (xrf2);
	v0 =	vsel vm9, v0, v46  }
0x190: {  	v3 =	vbroadcast v49, $0xF;
	v0 =	vsel vm10, v0, v47  }
0x191: {  	v51 =	vbroadcast v50, $0xF;
	v0 =	vsel vm11, v0, v48  }
0x192: {  	v0 =	vsel vm12, v0, v3  }
0x193: {  	v52, _, _ =	vpop (xrf2);
	v0 =	vsel vm13, v0, v51  }
0x194: {  	s30 =	sadd.s32 $0x10, s30;
	v0 =	vsel vm14, v0, v52  }
0x195: {  	s31 =	sshra.s32 s0, $0x2;
	[tilespmem:s30+$0x0] =	vst v0  }
0x196: {  	v0 =	vld [tilespmem:s31+$0xB80]  }
0x197: {  	v53 =	vld [tilespmem:s31+$0xABC0]  }
0x198: {  	v54 =	vld [tilespmem:s31+$0xB90]  }
0x199: {  	v55 =	vld [tilespmem:s31+$0xABD0]  }
0x19a: {  	v22 =	vld [tilespmem:s31+$0xB00]  }
0x19b: {  	v25 =	vld [tilespmem:s31+$0xAB40]  }
0x19c: {  	v26 =	vld [tilespmem:s31+$0xB10]  }
0x19d: {  	v28 =	vld [tilespmem:s31+$0xAB50]  }
0x19e: {  	v56 =	vld [tilespmem:s31+$0xB20]  }
0x19f: {  	v27 =	vld [tilespmem:s31+$0xAB60]  }
0x1a0: {  	v30 =	vld [tilespmem:s31+$0xB30]  }
0x1a1: {  	v23 =	vld [tilespmem:s31+$0xAB70]  }
0x1a2: {  	v57 =	vld [tilespmem:s31+$0xA80]  }
0x1a3: {  	v58 =	vld [tilespmem:s31+$0xAAC0]  }
0x1a4: {  	v59 =	vld [tilespmem:s31+$0xA90]  }
0x1a5: {  	v60 =	vld [tilespmem:s31+$0xAAD0]  }
0x1a6: {  	v61 =	vld [tilespmem:s31+$0xAA0]  }
0x1a7: {  	v29 =	vld [tilespmem:s31+$0xA00]  }
0x1a8: {  	v24 =	vld [tilespmem:s31+$0xAA40]  }
0x1a9: {  	v1 =	vld [tilespmem:s31+$0xA10]  }
0x1aa: {  	v38 =	vld [tilespmem:s31+$0xAA50]  }
0x1ab: {  	v62 =	vld [tilespmem:s31+$0xA20]  }
0x1ac: {  	v31 =	vld [tilespmem:s31+$0xAA60]  }
0x1ad: {  	v42 =	vld [tilespmem:s31+$0xA30]  }
0x1ae: {  	v45 =	vld [tilespmem:s31+$0xAA70]  }
0x1af: {  	v63 =	vld [tilespmem:s31+$0x980]  }
0x1b0: {  	v37 =	vld [tilespmem:s31+$0xA9C0]  }
0x1b1: {  	v36 =	vld [tilespmem:s31+$0x990]  }
0x1b2: {  	v43 =	vld [tilespmem:s31+$0xA9D0]  }
0x1b3: {  	v34 =	vld [tilespmem:s31+$0x9A0]  }
0x1b4: {  	v44 =	vld [tilespmem:s31+$0xA9E0]  }
0x1b5: {  	v32 =	vld [tilespmem:s31+$0x9B0]  }
0x1b6: {  	v4 =	vld [tilespmem:s31+$0x900]  }
0x1b7: {  	v5 =	vld [tilespmem:s31+$0xA940]  }
0x1b8: {  	v6 =	vld [tilespmem:s31+$0x910]  }
0x1b9: {  	v7 =	vld [tilespmem:s31+$0xA950]  }
0x1ba: {  	v8 =	vld [tilespmem:s31+$0x920]  }
0x1bb: {  	v48 =	vld [tilespmem:s31+$0x880]  }
0x1bc: {  	v50 =	vld [tilespmem:s31+$0xA8C0]  }
0x1bd: {  	v51 =	vld [tilespmem:s31+$0x890]  }
0x1be: {  	v52 =	vld [tilespmem:s31+$0x8A0]  }
0x1bf: {  	v49 =	vld [tilespmem:s31+$0x800]  }
0x1c0: {  	v9 =	vld [tilespmem:s31+$0x780]  }
0x1c1: {  	v10 =	vld [tilespmem:s31+$0xA7C0]  }
0x1c2: {  	v11 =	vld [tilespmem:s31+$0x790]  }
0x1c3: {  	v33 =	vld [tilespmem:s31+$0xA7D0]  }
0x1c4: {  	v35 =	vld [tilespmem:s31+$0x7A0]  }
0x1c5: {  	v2 =	vld [tilespmem:s31+$0x710]  }
0x1c6: {  	v3 =	vld [tilespmem:s31+$0xA750]  }
0x1c7: {  	v39 =	vld [tilespmem:s31+$0x680]  }
0x1c8: {  	v12 =	vld [tilespmem:s31+$0x6A0]  }
0x1c9: {  	v13 =	vld [tilespmem:s31+$0xA6E0]  }
0x1ca: {  	v14 =	vld [tilespmem:s31+$0x6B0]  }
0x1cb: {  	v15 =	vld [tilespmem:s31+$0xA6F0]  }
0x1cc: {  	v47 =	vld [tilespmem:s31+$0x600]  }
0x1cd: {  	v46 =	vld [tilespmem:s31+$0xA640]  }
0x1ce: {  	v41 =	vld [tilespmem:s31+$0x610]  }
0x1cf: {  	v40 =	vld [tilespmem:s31+$0xA650]  }
0x1d0: {  	v16 =	vld [tilespmem:s31+$0x580]  }
0x1d1: {  	v17 =	vld [tilespmem:s31+$0xA5C0]  }
0x1d2: {  	v18 =	vld [tilespmem:s31+$0x590]  }
0x1d3: {  	v20 =	vld [tilespmem:s31+$0xA5D0]  }
0x1d4: {  	v19 =	vld [tilespmem:s31+$0x5A0]  }
0x1d5: {  	v21 =	vld [tilespmem:s31+$0xA5E0]  }
0x1d6: {  	[tilespmem:$0x1FC60] =	vst v0;
	v0 =	vld [tilespmem:s31+$0xA9F0]  }
0x1d7: {  	[tilespmem:$0x1FE40] =	vst v54;
	v54 =	vld [tilespmem:s31+$0xA8D0]  }
0x1d8: {  	[tilespmem:$0x1FE50] =	vst v55;
	v55 =	vld [tilespmem:s31+$0xA8E0]  }
0x1d9: {  	[tilespmem:$0x1FBF0] =	vst v56;
	v56 =	vld [tilespmem:s31+$0x8B0]  }
0x1da: {  	[tilespmem:$0x1FE60] =	vst v57;
	v57 =	vld [tilespmem:s31+$0xA8F0]  }
0x1db: {  	[tilespmem:$0x1FE30] =	vst v53;
	v53 =	vld [tilespmem:s31+$0xA840]  }
0x1dc: {  	[tilespmem:$0x1FE70] =	vst v58;
	v58 =	vld [tilespmem:s31+$0x810]  }
0x1dd: {  	[tilespmem:$0x1FE80] =	vst v59;
	v59 =	vld [tilespmem:s31+$0xA850]  }
0x1de: {  	[tilespmem:$0x1FE90] =	vst v60;
	v60 =	vld [tilespmem:s31+$0x820]  }
0x1df: {  	[tilespmem:$0x1FEA0] =	vst v61;
	v61 =	vld [tilespmem:s31+$0xA860]  }
0x1e0: {  	[tilespmem:$0x1FC00] =	vst v62;
	v62 =	vld [tilespmem:s31+$0x830]  }
0x1e1: {  	[tilespmem:$0x1FC10] =	vst v63;
	v63 =	vld [tilespmem:s31+$0xA870]  }
0x1e2: {  	[tilespmem:$0x1FC40] =	vst v33;
	v33 =	vld [tilespmem:s31+$0x700]  }
0x1e3: {  	[tilespmem:$0x1FF00] =	vst v35;
	v35 =	vld [tilespmem:s31+$0xA740]  }
0x1e4: {  	[tilespmem:$0x1FEB0] =	vst v4;
	v4 =	vld [tilespmem:s31+$0x720]  }
0x1e5: {  	[tilespmem:$0x1FEC0] =	vst v5;
	v5 =	vld [tilespmem:s31+$0xA760]  }
0x1e6: {  	[tilespmem:$0x1FED0] =	vst v6;
	v6 =	vld [tilespmem:s31+$0x730]  }
0x1e7: {  	[tilespmem:$0x1FEE0] =	vst v7;
	v7 =	vld [tilespmem:s31+$0xA770]  }
0x1e8: {  	[tilespmem:$0x1FEF0] =	vst v8;
	v8 =	vld [tilespmem:s31+$0xA6C0]  }
0x1e9: {  	[tilespmem:$0x1FC50] =	vst v10;
	v10 =	vld [tilespmem:s31+$0x690]  }
0x1ea: {  	[tilespmem:$0x1FC20] =	vst v11;
	v11 =	vld [tilespmem:s31+$0xA6D0]  }
0x1eb: {  	[tilespmem:$0x1FC30] =	vst v9;
	v9 =	vld [tilespmem:s31+$0x620]  }
0x1ec: {  	v25 =	vmul.f32 v25, v22;
	v26 =	vmul.f32 v28, v26;
	v22 =	vld [tilespmem:s31+$0x5B0]  }
0x1ed: {  	v28 =	vld [tilespmem:$0x1FBF0]  }
0x1ee: {  	v25 =	vadd.f32 v26, v25;
	v26 =	vmul.f32 v24, v29;
	v24 =	vld [tilespmem:s31+$0xA540]  }
0x1ef: {  	v29 =	vmul.f32 v38, v1;
	v38 =	vld [tilespmem:$0x1FC00]  }
0x1f0: {  	v1 =	vld [tilespmem:s31+$0xA550]  }
0x1f1: {  	v26 =	vadd.f32 v29, v26;
	v29 =	vmul.f32 v43, v36;
	v43 =	vld [tilespmem:s31+$0x520]  }
0x1f2: {  	v36 =	vld [tilespmem:s31+$0xA470];
	v32 =	vmul.f32 v0, v32  }
0x1f3: {  	v0 =	vld [tilespmem:s31+$0x530];
	v27 =	vmul.f32 v27, v28;
	v28 =	vmul.f32 v23, v30  }
0x1f4: {  	v35 =	vmul.f32 v35, v33;
	v33 =	vld [tilespmem:s31+$0xA460]  }
0x1f5: {  	v30 =	vld [tilespmem:s31+$0xA5F0];
	v27 =	vadd.f32 v28, v27  }
0x1f6: {  	v2 =	vmul.f32 v3, v2;
	v23 =	vld [tilespmem:s31+$0x500]  }
0x1f7: {  	v25 =	vadd.f32 v27, v25;
	v27 =	vld [tilespmem:$0x1FC10]  }
0x1f8: {  	v2 =	vadd.f32 v2, v35;
	v35 =	vld [tilespmem:s31+$0x480]  }
0x1f9: {  	v28 =	vmul.f32 v31, v38;
	v31 =	vmul.f32 v45, v42;
	v42 =	vld [tilespmem:s31+$0x510]  }
0x1fa: {  	v45 =	vmul.f32 v53, v49;
	v38 =	vld [tilespmem:s31+$0x490]  }
0x1fb: {  	v49 =	vmul.f32 v59, v58;
	v59 =	vmul.f32 v17, v16;
	v17 =	vld [tilespmem:$0x1FC30]  }
0x1fc: {  	v16 =	vld [tilespmem:$0x1FC40];
	v28 =	vadd.f32 v31, v28;
	v31 =	vmul.f32 v44, v34;
	v27 =	vmul.f32 v37, v27  }
0x1fd: {  	v55 =	vmul.f32 v55, v52;
	v44 =	vld [tilespmem:s31+$0xA560]  }
0x1fe: {  	v57 =	vmul.f32 v57, v56;
	v34 =	vld [tilespmem:s31+$0x430];
	(xrf2) =	vadd.scan.msk.f32 $0xffff, v25;
	v31 =	vadd.f32 v32, v31;
	v25 =	vadd.f32 v29, v27  }
0x1ff: {  	v26 =	vadd.f32 v28, v26;
	v28 =	vmul.f32 v50, v48;
	v48 =	vld [tilespmem:s31+$0xA570]  }
0x200: {  	v32 =	vadd.f32 v57, v55;
	v57 =	vmul.f32 v15, v14;
	v15 =	vld [tilespmem:$0x1FC20];
	v25 =	vadd.f32 v31, v25  }
0x201: {  	v50 =	vmul.f32 v61, v60;
	v60 =	vmul.f32 v20, v18;
	v18 =	vld [tilespmem:$0x1FC50];
	(xrf2) =	vadd.scan.msk.f32 $0xffff, v26  }
0x202: {  	v4 =	vmul.f32 v5, v4;
	v61 =	vmul.f32 v21, v19;
	v19 =	vld [tilespmem:$0x1FC60];
	(xrf2) =	vadd.scan.msk.f32 $0xffff, v25  }
0x203: {  	v53 =	vmul.f32 v7, v6;
	v21 =	vmov v41;
	v41 =	vld [tilespmem:s31+$0xA4E0];
	v29 =	vmul.f32 v54, v51  }
0x204: {  	v56 =	vmul.f32 v13, v12;
	v37 =	vld [tilespmem:s31+$0xA4C0];
	v51 =	vmul.f32 v63, v62  }
0x205: {  	v4 =	vadd.f32 v53, v4;
	v55 =	vmul.f32 v11, v10;
	v27 =	vld [tilespmem:s31+$0xA440];
	v26 =	vadd.f32 v29, v28  }
0x206: {  	v54 =	vmul.f32 v8, v39;
	v39 =	vld [tilespmem:s31+$0xA4D0];
	v52 =	vadd.f32 v51, v50;
	v25 =	vadd.f32 v49, v45  }
0x207: {  	p0 =	sne.s32 s0, $0x12000;
	v5 =	vadd.f32 v57, v56;
	v62 =	vmul.f32 v30, v22;
	v22 =	vmovc v40;
	v40 =	vld [tilespmem:s31+$0x4A0];
	v26 =	vadd.f32 v32, v26  }
.Ltmp0:
0x208: {  	v28 =	vld [tilespmem:s31+$0x400];
	v58 =	vadd.f32 v55, v54;
	v3 =	vadd.f32 v52, v25;
	(pc) =	sbr.rel @p0 .LBB2_3-.Ltmp0, $4  }
0x209: {  	v2 =	vadd.f32 v4, v2;
	v20 =	vmov v9;
	v29 =	vld [tilespmem:s31+$0x410];
	(xrf2) =	vadd.scan.msk.f32 $0xffff, v26  }
0x20a: {  	v43 =	vmul.f32 v44, v43;
	v30 =	vadd.f32 v60, v59;
	v31 =	vld [tilespmem:s31+$0xA450];
	v63 =	vadd.f32 v5, v58;
	v50, _, _ =	vpop (xrf2);
	(xrf2) =	vadd.scan.msk.f32 $0xffff, v3  }
0x20b: {  	v44 =	vmul.f32 v48, v0;
	v32 =	vld [tilespmem:s31+$0x420];
	v45 =	vmul.f32 v24, v23;
	v24 =	vmov v46;
	v25, _, _ =	vpop (xrf2);
	(xrf2) =	vadd.scan.msk.f32 $0xffff, v2  }
0x20c: {  	s0 =	sadd.s32 $0x2000, s0;
	v23 =	vmov v47;
	v47 =	vmul.f32 v1, v42;
	v46 =	vadd.f32 v62, v61;
	v42 =	vld [tilespmem:s31+$0x4B0];
	v26, _, _ =	vpop (xrf2);
	(xrf2) =	vadd.scan.msk.f32 $0xffff, v63  }
0x20d: {  	v0 =	vld [tilespmem:s31+$0xA4F0]  }
0x20e: {  	v1 =	vld [tilespmem:s31+$0xA660]  }
0x20f: {  	v5 =	vld [tilespmem:s31+$0x630]  }
0x210: {  	v9 =	vld [tilespmem:s31+$0xA670]  }
0x211: {  	v13 =	vld [tilespmem:s31+$0xA7E0]  }
0x212: {  	v14 =	vld [tilespmem:s31+$0x7B0]  }
0x213: {  	v60 =	vld [tilespmem:s31+$0xA7F0]  }
0x214: {  	v62 =	vld [tilespmem:s31+$0x930]  }
0x215: {  	v11 =	vmul.f32 v37, v35;
	v35 =	vld [tilespmem:s31+$0xAAE0]  }
0x216: {  	v8 =	vmul.f32 v36, v34;
	v36 =	vld [tilespmem:$0x1FF00]  }
0x217: {  	v12 =	vmul.f32 v39, v38;
	v38 =	vld [tilespmem:s31+$0xAB0]  }
0x218: {  	v58 =	vmul.f32 v41, v40;
	v40 =	vld [tilespmem:$0x1FEB0]  }
0x219: {  	v41 =	vld [tilespmem:$0x1FEC0]  }
0x21a: {  	v10 =	vadd.f32 v44, v43;
	v44 =	vld [tilespmem:$0x1FED0]  }
0x21b: {  	v48 =	vld [tilespmem:s31+$0xABE0]  }
0x21c: {  	v51 =	vld [tilespmem:$0x1FE60]  }
0x21d: {  	v11 =	vadd.f32 v12, v11;
	v12 =	vld [tilespmem:s31+$0xA960];
	v7 =	vmul.f32 v33, v32  }
0x21e: {  	v3 =	vmul.f32 v27, v28;
	v32 =	vld [tilespmem:s31+$0xA970]  }
0x21f: {  	v4 =	vmul.f32 v31, v29;
	v7 =	vadd.f32 v8, v7;
	v8 =	vmul.f32 v13, v36;
	v13 =	vld [tilespmem:$0x1FEF0]  }
0x220: {  	v59 =	vmul.f32 v24, v23;
	v52 =	vld [tilespmem:$0x1FE80];
	v2 =	vadd.f32 v47, v45;
	v0 =	vmul.f32 v0, v42  }
0x221: {  	v34 =	vmul.f32 v16, v15;
	v16 =	vld [tilespmem:$0x1FEA0];
	v6 =	vadd.f32 v46, v30;
	v3 =	vadd.f32 v4, v3  }
0x222: {  	v61 =	vmul.f32 v22, v21;
	v56 =	vld [tilespmem:$0x1FE30];
	v2 =	vadd.f32 v10, v2;
	v0 =	vadd.f32 v0, v58  }
0x223: {  	v45 =	vld [tilespmem:$0x1FEE0];
	(xrf2) =	vadd.scan.msk.f32 $0xffff, v6;
	v1 =	vmul.f32 v1, v20;
	v5 =	vmul.f32 v9, v5;
	v3 =	vadd.f32 v7, v3  }
0x224: {  	v57 =	vld [tilespmem:$0x1FE40];
	(xrf2) =	vadd.scan.msk.f32 $0xffff, v2;
	v6 =	vmul.f32 v32, v62;
	v0 =	vadd.f32 v0, v11;
	v12 =	vmul.f32 v12, v13  }
0x225: {  	v33 =	vadd.f32 v61, v59;
	v1 =	vadd.f32 v5, v1;
	(xrf2) =	vadd.scan.msk.f32 $0xffff, v3;
	v13 =	vld [tilespmem:$0x1FE70]  }
0x226: {  	v63 =	vmul.f32 v18, v17;
	v37 =	vmul.f32 v60, v14;
	(xrf2) =	vadd.scan.msk.f32 $0xffff, v0;
	v6 =	vadd.f32 v6, v12;
	v12 =	vld [tilespmem:$0x1FE90]  }
0x227: {  	v42 =	vld [tilespmem:s31+$0xAAF0];
	v39 =	vadd.f32 v1, v33  }
0x228: {  	v46 =	vld [tilespmem:s31+$0xBA0];
	v2 =	vadd.f32 v34, v63;
	v43 =	vadd.f32 v37, v8;
	v8 =	vmul.f32 v45, v44  }
0x229: {  	v47, _, _ =	vpop (xrf2);
	v5 =	vmul.f32 v35, v16;
	v16 =	vld [tilespmem:$0x1FE50];
	v1 =	vmul.f32 v41, v40;
	(xrf2) =	vadd.scan.msk.f32 $0xffff, v39  }
0x22a: {  	v49, _, _ =	vpop (xrf2);
	v2 =	vadd.f32 v43, v2;
	v4 =	vmul.f32 v13, v51;
	v13 =	vld [tilespmem:s31+$0xBB0]  }
0x22b: {  	v14, _, _ =	vpop (xrf2);
	v1 =	vadd.f32 v8, v1;
	v8 =	vmul.f32 v12, v52;
	v12 =	vld [tilespmem:s31+$0xABF0]  }
0x22c: {  	v15, _, _ =	vpop (xrf2);
	v3 =	vmul.f32 v42, v38;
	(xrf2) =	vadd.scan.msk.f32 $0xffff, v2  }
0x22d: {  	v53, _, _ =	vpop (xrf2);
	v1 =	vadd.f32 v6, v1  }
0x22e: {  	v3 =	vadd.f32 v3, v5;
	v54, _, _ =	vpop (xrf2);
	v4 =	vadd.f32 v8, v4  }
0x22f: {  	v59 =	vmul.f32 v48, v46;
	v10 =	vmul.f32 v16, v57;
	(xrf2) =	vadd.scan.msk.f32 $0xffff, v1;
	v55, _, _ =	vpop (xrf2)  }
0x230: {  	v8 =	vmul.f32 v56, v19;
	v58 =	vadd.f32 v3, v4;
	v61, _, _ =	vpop (xrf2);
	v60 =	vmul.f32 v12, v13  }
0x231: {  	v5 =	vbroadcast v55, $0xF;
	v7 =	vbroadcast v61, $0xF  }
0x232: {  	v6 =	vbroadcast v54, $0xF;
	v8 =	vadd.f32 v10, v8;
	(xrf2) =	vadd.scan.msk.f32 $0xffff, v58;
	v3 =	vadd.f32 v60, v59  }
0x233: {  	v2 =	vbroadcast v53, $0xF;
	v63, _, _ =	vpop (xrf2);
	v62 =	vsel vm0, v5, v7  }
0x234: {  	v4 =	vbroadcast v63, $0xF;
	v1 =	vsel vm1, v62, v6;
	v3 =	vadd.f32 v3, v8  }
0x235: {  	v1 =	vsel vm2, v1, v2;
	v8 =	vbroadcast v15, $0xF  }
0x236: {  	v9 =	vbroadcast v14, $0xF;
	v10, _, _ =	vpop (xrf2);
	v1 =	vsel vm3, v1, v4;
	(xrf2) =	vadd.scan.msk.f32 $0xffff, v3  }
0x237: {  	v32 =	vbroadcast v10, $0xF;
	v1 =	vsel vm4, v1, v8  }
0x238: {  	v0 =	vbroadcast v49, $0xF;
	v1 =	vsel vm5, v1, v9  }
0x239: {  	v33 =	vbroadcast v47, $0xF;
	v34, _, _ =	vpop (xrf2);
	v1 =	vsel vm6, v1, v32  }
0x23a: {  	v35 =	vbroadcast v34, $0xF;
	v0 =	vsel vm7, v1, v0  }
0x23b: {  	v36 =	vbroadcast v26, $0xF;
	v0 =	vsel vm8, v0, v33  }
0x23c: {  	v37 =	vbroadcast v25, $0xF;
	v0 =	vsel vm9, v0, v35;
	v38, _, _ =	vpop (xrf2)  }
0x23d: {  	v0 =	vsel vm10, v0, v36;
	v39 =	vbroadcast v38, $0xF  }
0x23e: {  	v40 =	vbroadcast v50, $0xF;
	v0 =	vsel vm11, v0, v37  }
0x23f: {  	v0 =	vsel vm12, v0, v39  }
0x240: {  	v0 =	vsel vm13, v0, v40;
	v41, _, _ =	vpop (xrf2)  }
0x241: {  	s0 =	sadd.s32 $0x10, s30;
	v0 =	vsel vm14, v0, v41  }
0x242: {  	s30 =	sadd.s32 s7, s29;
	p0 =	seq.s32 s25, $0x1F;
	[tilespmem:s0+$0x0] =	vst v0  }
0x243: {  	[hbm4b:s30+s3] =	stream.linear.scatter [tilespmem:s21], [sflag:$0x3], $0xA0, $0x38;
	[tilespmem:$0x14600] =	vst v63  }
0x244: {  	s0 =	sshrl.u32 @!p0 s28, $0x3;
	_ =	swait.ge [sflag:s11], $0xA0  }
0x245: {  	s0 =	sadd.s32 @!p0 $0x28, s0;
	[sflag:s11] =	ssyncset.done $0x0  }
0x246: {  	s29 =	simm.s32 @!p0 $0x0;
	s28 =	sadd.s32 @!p0 s2, s0;
	[sflag:s11] =	ssyncadd.s32 $0xFFFFFF60  }
0x247: {  	[tilespmem:s29], [sflag:$0x3] =	stream.linear.gather @!p0 [hbm4b:s28+s29], $0xA0, $0x38;
	[tilespmem:$0x14600] =	vst v63  }
0x248: {  	s28 =	simm.s32 @!p0 $0x3  }
0x249: {  	_ =	swait.ge @!p0 [sflag:s28], $0xA0  }
0x24a: {  	[sflag:s28] =	ssyncset.done @!p0 $0x0  }
0x24b: {  	s30 =	simm.s32 @!p0 $0x200;
	s0 =	sadd.s32 @!p0 s5, s0;
	[sflag:s28] =	ssyncadd.s32 @!p0 $0xFFFFFF60  }
0x24c: {  	[tilespmem:s30], [sflag:$0x3] =	stream.linear.gather @!p0 [hbm4b:s0+s29], $0xA0, $0x38;
	[tilespmem:$0x14600] =	vst v63  }
0x24d: {  	_ =	swait.ge @!p0 [sflag:s28], $0xA0  }
0x24e: {  	[sflag:s28] =	ssyncset.done @!p0 $0x0  }
0x24f: {  	s0 =	simm.s32 @!p0 $0xA0;
	[sflag:s28] =	ssyncadd.s32 @!p0 $0xFFFFFF60;
	s28 =	simm.s32 @!p0 $0x400  }
0x250: {  	[tilespmem:s28], [sflag:$0x1] =	stream.indirect.gather @!p0 [hbm4b:s6+s0], $0x80, s29, s0, $0xb8;
	[tilespmem:$0x14600] =	vst v63  }
0x251: {  	s28 =	simm.s32 @!p0 $0xA400  }
0x252: {  	[tilespmem:s28], [sflag:$0x1] =	stream.indirect.gather @!p0 [hbm4b:s6+s0], $0x80, s30, s0, $0xb8;
	[tilespmem:$0x14600] =	vst v63  }
0x253: {  	_ =	swait.ge [sflag:s22], $0x5000  }
0x254: {  	[sflag:s22] =	ssyncset.done $0x0  }
0x255: {  	[sflag:s22] =	ssyncadd.s32 $0xFFFFB000  }
0x256: {  	_ =	swait.ge [sflag:s22], $0x5000  }
0x257: {  	[sflag:s22] =	ssyncset.done $0x0  }
0x258: {  	s31 =	simm.s32 $0x0;
	[sflag:s22] =	ssyncadd.s32 $0xFFFFB000  }
0x259: {  	v42 =	vld [tilespmem:s31+$0x5B80]  }
0x25a: {  	v43 =	vld [tilespmem:s31+$0xFBC0]  }
0x25b: {  	v44 =	vld [tilespmem:s31+$0x5B90]  }
0x25c: {  	v45 =	vld [tilespmem:s31+$0xFBD0]  }
0x25d: {  	v1 =	vld [tilespmem:s31+$0x5B00]  }
0x25e: {  	v4 =	vld [tilespmem:s31+$0xFB40]  }
0x25f: {  	v8 =	vld [tilespmem:s31+$0x5B10]  }
0x260: {  	v23 =	vld [tilespmem:s31+$0xFB50]  }
0x261: {  	v46 =	vld [tilespmem:s31+$0x5B20]  }
0x262: {  	v47 =	vld [tilespmem:s31+$0xFB60]  }
0x263: {  	v48 =	vld [tilespmem:s31+$0x5B30]  }
0x264: {  	v26 =	vld [tilespmem:s31+$0xFB70]  }
0x265: {  	v49 =	vld [tilespmem:s31+$0x5A80]  }
0x266: {  	v50 =	vld [tilespmem:s31+$0xFAC0]  }
0x267: {  	v51 =	vld [tilespmem:s31+$0x5A90]  }
0x268: {  	v52 =	vld [tilespmem:s31+$0xFAD0]  }
0x269: {  	v53 =	vld [tilespmem:s31+$0x5AA0]  }
0x26a: {  	v31 =	vld [tilespmem:s31+$0x5A00]  }
0x26b: {  	v28 =	vld [tilespmem:s31+$0xFA40]  }
0x26c: {  	v29 =	vld [tilespmem:s31+$0x5A10]  }
0x26d: {  	v30 =	vld [tilespmem:s31+$0xFA50]  }
0x26e: {  	v35 =	vld [tilespmem:s31+$0x5A20]  }
0x26f: {  	v32 =	vld [tilespmem:s31+$0xFA60]  }
0x270: {  	v33 =	vld [tilespmem:s31+$0x5A30]  }
0x271: {  	v34 =	vld [tilespmem:s31+$0xFA70]  }
0x272: {  	v54 =	vld [tilespmem:s31+$0x5980]  }
0x273: {  	v36 =	vld [tilespmem:s31+$0xF9C0]  }
0x274: {  	v37 =	vld [tilespmem:s31+$0x5990]  }
0x275: {  	v38 =	vld [tilespmem:s31+$0xF9D0]  }
0x276: {  	v39 =	vld [tilespmem:s31+$0x59A0]  }
0x277: {  	v40 =	vld [tilespmem:s31+$0xF9E0]  }
0x278: {  	v41 =	vld [tilespmem:s31+$0x59B0]  }
0x279: {  	v55 =	vld [tilespmem:s31+$0x5900]  }
0x27a: {  	v56 =	vld [tilespmem:s31+$0xF940]  }
0x27b: {  	v57 =	vld [tilespmem:s31+$0x5910]  }
0x27c: {  	v58 =	vld [tilespmem:s31+$0xF950]  }
0x27d: {  	v59 =	vld [tilespmem:s31+$0x5920]  }
0x27e: {  	v60 =	vld [tilespmem:s31+$0x5780]  }
0x27f: {  	v61 =	vld [tilespmem:s31+$0xF7C0]  }
0x280: {  	v62 =	vld [tilespmem:s31+$0x5790]  }
0x281: {  	v63 =	vld [tilespmem:s31+$0xF7D0]  }
0x282: {  	v5 =	vld [tilespmem:s31+$0x57A0]  }
0x283: {  	v15 =	vld [tilespmem:s31+$0xF760]  }
0x284: {  	v19 =	vld [tilespmem:s31+$0x5730]  }
0x285: {  	v12 =	vld [tilespmem:s31+$0xF770]  }
0x286: {  	v25 =	vld [tilespmem:s31+$0x5680]  }
0x287: {  	v21 =	vld [tilespmem:s31+$0xF6C0]  }
0x288: {  	v20 =	vld [tilespmem:s31+$0x5690]  }
0x289: {  	v16 =	vld [tilespmem:s31+$0xF6D0]  }
0x28a: {  	v27 =	vld [tilespmem:s31+$0x56A0]  }
0x28b: {  	v22 =	vld [tilespmem:s31+$0xF6E0]  }
0x28c: {  	v24 =	vld [tilespmem:s31+$0x56B0]  }
0x28d: {  	v17 =	vld [tilespmem:s31+$0xF6F0]  }
0x28e: {  	v6 =	vld [tilespmem:s31+$0x5600]  }
0x28f: {  	v7 =	vld [tilespmem:s31+$0xF640]  }
0x290: {  	v9 =	vld [tilespmem:s31+$0x5610]  }
0x291: {  	v10 =	vld [tilespmem:s31+$0xF650]  }
0x292: {  	v11 =	vld [tilespmem:s31+$0x5620]  }
0x293: {  	v3 =	vld [tilespmem:s31+$0x5590]  }
0x294: {  	v2 =	vld [tilespmem:s31+$0xF5D0]  }
0x295: {  	v18 =	vld [tilespmem:s31+$0x5500]  }
0x296: {  	v13 =	vld [tilespmem:s31+$0xF540]  }
0x297: {  	v14 =	vld [tilespmem:s31+$0x5510]  }
0x298: {  	[tilespmem:$0x1F9E0] =	vst v42;
	v42 =	vld [tilespmem:s31+$0xF9F0]  }
0x299: {  	[tilespmem:$0x1F9F0] =	vst v43;
	v43 =	vld [tilespmem:s31+$0x5880]  }
0x29a: {  	[tilespmem:$0x1FA00] =	vst v44;
	v44 =	vld [tilespmem:s31+$0xF8C0]  }
0x29b: {  	[tilespmem:$0x1FA10] =	vst v45;
	v45 =	vld [tilespmem:s31+$0x5890]  }
0x29c: {  	[tilespmem:$0x1F860] =	vst v46;
	v46 =	vld [tilespmem:s31+$0xF8D0]  }
0x29d: {  	[tilespmem:$0x1F870] =	vst v47;
	v47 =	vld [tilespmem:s31+$0x58A0]  }
0x29e: {  	[tilespmem:$0x1F880] =	vst v48;
	v48 =	vld [tilespmem:s31+$0xF8E0]  }
0x29f: {  	[tilespmem:$0x1F990] =	vst v49;
	v49 =	vld [tilespmem:s31+$0x58B0]  }
0x2a0: {  	[tilespmem:$0x1F9A0] =	vst v50;
	v50 =	vld [tilespmem:s31+$0xF8F0]  }
0x2a1: {  	[tilespmem:$0x1F9B0] =	vst v51;
	v51 =	vld [tilespmem:s31+$0x5800]  }
0x2a2: {  	[tilespmem:$0x1F9C0] =	vst v52;
	v52 =	vld [tilespmem:s31+$0xF840]  }
0x2a3: {  	[tilespmem:$0x1F9D0] =	vst v53;
	v53 =	vld [tilespmem:s31+$0x5810]  }
0x2a4: {  	[tilespmem:$0x1F890] =	vst v54;
	v54 =	vld [tilespmem:s31+$0xF850]  }
0x2a5: {  	[tilespmem:$0x1F940] =	vst v55;
	v55 =	vld [tilespmem:s31+$0x5820]  }
0x2a6: {  	[tilespmem:$0x1F950] =	vst v56;
	v56 =	vld [tilespmem:s31+$0xF860]  }
0x2a7: {  	[tilespmem:$0x1F960] =	vst v57;
	v57 =	vld [tilespmem:s31+$0x5830]  }
0x2a8: {  	[tilespmem:$0x1F970] =	vst v58;
	v58 =	vld [tilespmem:s31+$0xF870]  }
0x2a9: {  	[tilespmem:$0x1F980] =	vst v59;
	v59 =	vld [tilespmem:s31+$0x5700]  }
0x2aa: {  	[tilespmem:$0x1F8F0] =	vst v60;
	v60 =	vld [tilespmem:s31+$0xF740]  }
0x2ab: {  	[tilespmem:$0x1F900] =	vst v61;
	v61 =	vld [tilespmem:s31+$0x5710]  }
0x2ac: {  	[tilespmem:$0x1F910] =	vst v62;
	v62 =	vld [tilespmem:s31+$0xF750]  }
0x2ad: {  	[tilespmem:$0x1F920] =	vst v63;
	v63 =	vld [tilespmem:s31+$0x5720]  }
0x2ae: {  	[tilespmem:$0x1F8B0] =	vst v7;
	v7 =	vld [tilespmem:s31+$0x5580]  }
0x2af: {  	[tilespmem:$0x1F930] =	vst v5;
	v5 =	vld [tilespmem:s31+$0xF5C0]  }
0x2b0: {  	[tilespmem:$0x1F8E0] =	vst v11;
	v11 =	vld [tilespmem:s31+$0x55A0]  }
0x2b1: {  	[tilespmem:$0x1F8D0] =	vst v10;
	v10 =	vld [tilespmem:s31+$0xF5E0]  }
0x2b2: {  	[tilespmem:$0x1F8C0] =	vst v9;
	v9 =	vld [tilespmem:s31+$0x55B0]  }
0x2b3: {  	[tilespmem:$0x1F8A0] =	vst v6;
	v6 =	vld [tilespmem:s31+$0xF5F0]  }
0x2b4: {  	v1 =	vmul.f32 v4, v1;
	v4 =	vld [tilespmem:s31+$0xF550]  }
0x2b5: {  	v29 =	vmul.f32 v30, v29;
	v30 =	vld [tilespmem:s31+$0xF560]  }
0x2b6: {  	v28 =	vmul.f32 v28, v31;
	v31 =	vmul.f32 v34, v33;
	v33 =	vld [tilespmem:s31+$0xF440]  }
0x2b7: {  	v38 =	vmul.f32 v38, v37;
	v37 =	vld [tilespmem:s31+$0x5410]  }
0x2b8: {  	v16 =	vmul.f32 v16, v20;
	v20 =	vld [tilespmem:s31+$0x5490]  }
0x2b9: {  	v23 =	vmul.f32 v23, v8;
	v0 =	vld [tilespmem:$0x1F860]  }
0x2ba: {  	v8 =	vld [tilespmem:$0x1F870]  }
0x2bb: {  	v1 =	vadd.f32 v23, v1;
	v23 =	vld [tilespmem:s31+$0x5530]  }
0x2bc: {  	v28 =	vadd.f32 v29, v28;
	v29 =	vld [tilespmem:s31+$0xF570]  }
0x2bd: {  	v4 =	vmul.f32 v4, v14;
	v14 =	vld [tilespmem:s31+$0x5630]  }
0x2be: {  	v46 =	vmul.f32 v46, v45;
	v45 =	vld [tilespmem:$0x1F8F0]  }
0x2bf: {  	v48 =	vmul.f32 v48, v47;
	v50 =	vmul.f32 v50, v49;
	v47 =	vld [tilespmem:s31+$0xF970]  }
0x2c0: {  	v12 =	vmul.f32 v12, v19;
	v0 =	vmul.f32 v8, v0;
	v8 =	vld [tilespmem:$0x1F880]  }
0x2c1: {  	v56 =	vmul.f32 v56, v55;
	v15 =	vmul.f32 v15, v63;
	v34 =	vadd.f32 v50, v48;
	v48 =	vld [tilespmem:s31+$0xF470]  }
0x2c2: {  	v60 =	vmul.f32 v60, v59;
	v62 =	vmul.f32 v62, v61;
	v50 =	vld [tilespmem:s31+$0x5480]  }
0x2c3: {  	v58 =	vmul.f32 v58, v57;
	v12 =	vadd.f32 v12, v15;
	v15 =	vmul.f32 v22, v27;
	v22 =	vld [tilespmem:s31+$0xF4D0]  }
0x2c4: {  	v17 =	vmul.f32 v17, v24;
	v19 =	vadd.f32 v62, v60;
	v60 =	vld [tilespmem:s31+$0xF660]  }
0x2c5: {  	v21 =	vmul.f32 v21, v25;
	v49 =	vadd.f32 v58, v56;
	v56 =	vmul.f32 v13, v18;
	v18 =	vld [tilespmem:s31+$0xF7E0]  }
0x2c6: {  	v54 =	vmul.f32 v54, v53;
	v53 =	vadd.f32 v12, v19;
	v12 =	vadd.f32 v17, v15;
	v15 =	vld [tilespmem:s31+$0xF4E0]  }
0x2c7: {  	v4 =	vadd.f32 v4, v56;
	v56 =	vld [tilespmem:$0x1F960]  }
0x2c8: {  	v16 =	vadd.f32 v16, v21;
	v19 =	vld [tilespmem:$0x1F9D0]  }
0x2c9: {  	v26 =	vmul.f32 v26, v8;
	v8 =	vld [tilespmem:s31+$0x5520]  }
0x2ca: {  	v55 =	vadd.f32 v12, v16;
	v12 =	vld [tilespmem:s31+$0xF4F0]  }
0x2cb: {  	v44 =	vmul.f32 v44, v43;
	v16 =	vld [tilespmem:s31+$0xF670]  }
0x2cc: {  	v0 =	vadd.f32 v26, v0;
	v26 =	vmul.f32 v32, v35;
	v35 =	vld [tilespmem:$0x1F890]  }
0x2cd: {  	v32 =	vadd.f32 v46, v44;
	v44 =	vld [tilespmem:s31+$0x5930]  }
0x2ce: {  	v2 =	vmul.f32 v2, v3;
	v46 =	vld [tilespmem:$0x1F900]  }
0x2cf: {  	v5 =	vmul.f32 v5, v7;
	v26 =	vadd.f32 v31, v26;
	v31 =	vmul.f32 v40, v39;
	v40 =	vld [tilespmem:s31+$0xF460]  }
0x2d0: {  	v10 =	vmul.f32 v10, v11;
	v6 =	vmul.f32 v6, v9;
	v32 =	vadd.f32 v34, v32;
	v34 =	vld [tilespmem:$0x1F8A0]  }
0x2d1: {  	v42 =	vmul.f32 v42, v41;
	v2 =	vadd.f32 v2, v5;
	v39 =	vld [tilespmem:$0x1F8D0]  }
0x2d2: {  	v57 =	vadd.f32 v6, v10;
	v0 =	vadd.f32 v0, v1;
	v43 =	vmul.f32 v16, v14;
	v16 =	vld [tilespmem:$0x1F980]  }
0x2d3: {  	v26 =	vadd.f32 v26, v28;
	v28 =	vadd.f32 v42, v31;
	v31 =	vld [tilespmem:s31+$0xF450]  }
0x2d4: {  	v42 =	vld [tilespmem:s31+$0x5430]  }
0x2d5: {  	v59 =	vmul.f32 v29, v23;
	(xrf2) =	vadd.scan.msk.f32 $0xffff, v0;
	v0 =	vadd.f32 v57, v2;
	v57 =	vld [tilespmem:$0x1F970]  }
0x2d6: {  	v58 =	vmul.f32 v30, v8;
	v1 =	vmul.f32 v36, v35;
	v35 =	vld [tilespmem:s31+$0x5400]  }
0x2d7: {  	v36 =	vld [tilespmem:s31+$0x5420]  }
0x2d8: {  	v6 =	vadd.f32 v59, v58;
	v58 =	vld [tilespmem:s31+$0x5BA0]  }
0x2d9: {  	v59 =	vld [tilespmem:s31+$0xFBE0];
	v1 =	vadd.f32 v38, v1  }
0x2da: {  	v38 =	vld [tilespmem:$0x1F8C0]  }
0x2db: {  	v1 =	vadd.f32 v28, v1;
	v28 =	vmul.f32 v52, v51;
	v51 =	vld [tilespmem:s31+$0xF4C0]  }
0x2dc: {  	v52 =	vld [tilespmem:s31+$0x54A0]  }
0x2dd: {  	v28 =	vadd.f32 v54, v28;
	v54 =	vld [tilespmem:s31+$0x54B0]  }
0x2de: {  	v13 =	vmul.f32 v31, v37;
	v63 =	vmul.f32 v48, v42;
	v42 =	vld [tilespmem:$0x1F8E0]  }
0x2df: {  	v61 =	vmul.f32 v33, v35;
	v62 =	vmul.f32 v40, v36;
	v35 =	vld [tilespmem:$0x1F8B0]  }
0x2e0: {  	(xrf2) =	vadd.scan.msk.f32 $0xffff, v26;
	v36 =	vld [tilespmem:s31+$0xF7F0]  }
0x2e1: {  	(xrf2) =	vadd.scan.msk.f32 $0xffff, v1;
	v11 =	vadd.f32 v13, v61;
	v1 =	vadd.f32 v63, v62;
	v13 =	vld [tilespmem:$0x1F950]  }
0x2e2: {  	v3 =	vmul.f32 v15, v52;
	v5 =	vmul.f32 v12, v54;
	v12 =	vld [tilespmem:s31+$0x57B0]  }
0x2e3: {  	v28 =	vadd.f32 v49, v28;
	v41 =	vadd.f32 v1, v11;
	v1 =	vmul.f32 v60, v42;
	v54 =	vld [tilespmem:$0x1F940]  }
0x2e4: {  	v40 =	vld [tilespmem:s31+$0xF960];
	(xrf2) =	vadd.scan.msk.f32 $0xffff, v32;
	v2 =	vmul.f32 v35, v34;
	v3 =	vadd.f32 v5, v3;
	v5 =	vmul.f32 v39, v38  }
0x2e5: {  	v49 =	vld [tilespmem:$0x1F910];
	(xrf2) =	vadd.scan.msk.f32 $0xffff, v28  }
0x2e6: {  	v33 =	vmul.f32 v51, v50;
	v51 =	vld [tilespmem:s31+$0xFAE0];
	(xrf2) =	vadd.scan.msk.f32 $0xffff, v53;
	v1 =	vadd.f32 v43, v1;
	v48 =	vadd.f32 v5, v2  }
0x2e7: {  	v4 =	vadd.f32 v6, v4;
	(xrf2) =	vadd.scan.msk.f32 $0xffff, v55;
	v6 =	vmul.f32 v36, v12;
	v12 =	vld [tilespmem:s31+$0x5AB0]  }
0x2e8: {  	(xrf2) =	vadd.scan.msk.f32 $0xffff, v0;
	v0 =	vadd.f32 v1, v48;
	v1 =	vmul.f32 v13, v54;
	v13 =	vld [tilespmem:s31+$0xFAF0]  }
0x2e9: {  	v17 =	vmul.f32 v22, v20;
	v50 =	vld [tilespmem:$0x1F920]  }
0x2ea: {  	v52 =	vld [tilespmem:$0x1F930]  }
0x2eb: {  	v61 =	vld [tilespmem:$0x1F990];
	v37 =	vadd.f32 v17, v33  }
0x2ec: {  	v63 =	vld [tilespmem:$0x1F9B0];
	v8 =	vmul.f32 v40, v16  }
0x2ed: {  	v16 =	vld [tilespmem:$0x1F9A0];
	(xrf2) =	vadd.scan.msk.f32 $0xffff, v4;
	v3 =	vadd.f32 v3, v37;
	v5 =	vmul.f32 v51, v19;
	v12 =	vmul.f32 v13, v12  }
0x2ee: {  	v4 =	vmul.f32 v46, v45;
	(xrf2) =	vadd.scan.msk.f32 $0xffff, v41;
	v13 =	vld [tilespmem:$0x1F9F0]  }
0x2ef: {  	v9, _, _ =	vpop (xrf2);
	v11 =	vmul.f32 v18, v52;
	v2 =	vmul.f32 v50, v49;
	(xrf2) =	vadd.scan.msk.f32 $0xffff, v3;
	v5 =	vadd.f32 v12, v5;
	v12 =	vld [tilespmem:$0x1F9E0]  }
0x2f0: {  	v32 =	vld [tilespmem:$0x1F9C0];
	v53, _, _ =	vpop (xrf2)  }
0x2f1: {  	v33 =	vld [tilespmem:s31+$0xFBF0];
	v14, _, _ =	vpop (xrf2);
	v2 =	vadd.f32 v2, v4;
	v55 =	vadd.f32 v6, v11  }
0x2f2: {  	v7 =	vmul.f32 v47, v44;
	v19 =	vld [tilespmem:$0x1FA10];
	v15, _, _ =	vpop (xrf2);
	v6 =	vmul.f32 v57, v56;
	(xrf2) =	vadd.scan.msk.f32 $0xffff, v0  }
0x2f3: {  	v4 =	vmul.f32 v16, v61;
	v16 =	vld [tilespmem:s31+$0x5BB0];
	v60, _, _ =	vpop (xrf2);
	v2 =	vadd.f32 v55, v2  }
0x2f4: {  	v62 =	vadd.f32 v7, v8;
	v1 =	vadd.f32 v6, v1;
	v17, _, _ =	vpop (xrf2);
	v12 =	vmul.f32 v13, v12;
	v13 =	vld [tilespmem:$0x1FA00]  }
0x2f5: {  	v7 =	vmul.f32 v32, v63;
	v18, _, _ =	vpop (xrf2);
	(xrf2) =	vadd.scan.msk.f32 $0xffff, v2  }
0x2f6: {  	v1 =	vadd.f32 v62, v1;
	v34, _, _ =	vpop (xrf2)  }
0x2f7: {  	v4 =	vadd.f32 v7, v4;
	v35, _, _ =	vpop (xrf2)  }
0x2f8: {  	v38 =	vmul.f32 v59, v58;
	(xrf2) =	vadd.scan.msk.f32 $0xffff, v1;
	v36, _, _ =	vpop (xrf2)  }
0x2f9: {  	v39 =	vmul.f32 v33, v16;
	v37 =	vadd.f32 v5, v4;
	v40, _, _ =	vpop (xrf2);
	v13 =	vmul.f32 v19, v13  }
0x2fa: {  	v7 =	vbroadcast v36, $0xF;
	v8 =	vbroadcast v40, $0xF  }
0x2fb: {  	v6 =	vbroadcast v35, $0xF;
	v4 =	vadd.f32 v39, v38;
	(xrf2) =	vadd.scan.msk.f32 $0xffff, v37;
	v41 =	vadd.f32 v13, v12  }
0x2fc: {  	v2 =	vbroadcast v34, $0xF;
	v43, _, _ =	vpop (xrf2);
	v42 =	vsel vm0, v7, v8  }
0x2fd: {  	v5 =	vbroadcast v43, $0xF;
	v1 =	vsel vm1, v42, v6;
	v4 =	vadd.f32 v4, v41  }
0x2fe: {  	v44 =	vbroadcast v18, $0xF;
	v1 =	vsel vm2, v1, v2  }
0x2ff: {  	v45 =	vbroadcast v17, $0xF;
	v46, _, _ =	vpop (xrf2);
	v1 =	vsel vm3, v1, v5;
	(xrf2) =	vadd.scan.msk.f32 $0xffff, v4  }
0x300: {  	v47 =	vbroadcast v46, $0xF;
	v1 =	vsel vm4, v1, v44  }
0x301: {  	v0 =	vbroadcast v60, $0xF;
	v1 =	vsel vm5, v1, v45  }
0x302: {  	v48 =	vbroadcast v15, $0xF;
	v49, _, _ =	vpop (xrf2);
	v1 =	vsel vm6, v1, v47  }
0x303: {  	v50 =	vbroadcast v49, $0xF;
	v0 =	vsel vm7, v1, v0  }
0x304: {  	v51 =	vbroadcast v14, $0xF;
	v0 =	vsel vm8, v0, v48  }
0x305: {  	v52 =	vbroadcast v53, $0xF;
	v53, _, _ =	vpop (xrf2);
	v0 =	vsel vm9, v0, v50  }
0x306: {  	v54 =	vbroadcast v53, $0xF;
	v0 =	vsel vm10, v0, v51  }
0x307: {  	v55 =	vbroadcast v9, $0xF;
	v0 =	vsel vm11, v0, v52  }
0x308: {  	v0 =	vsel vm12, v0, v54  }
0x309: {  	v0 =	vsel vm13, v0, v55;
	v56, _, _ =	vpop (xrf2)  }
0x30a: {  	s28 =	simm.s32 $0x14500;
	v0 =	vsel vm14, v0, v56  }
0x30b: {  	s29 =	simm.s32 $0x800;
	[tilespmem:s28+$0x0] =	vst v0  }
0x30c: {  	v19 =	vld [tilespmem:s29+$0x5B80]  }
0x30d: {  	v0 =	vld [tilespmem:s29+$0xFBC0]  }
0x30e: {  	v57 =	vld [tilespmem:s29+$0x5B90]  }
0x30f: {  	v58 =	vld [tilespmem:s29+$0xFBD0]  }
0x310: {  	v1 =	vld [tilespmem:s29+$0x5B00]  }
0x311: {  	v2 =	vld [tilespmem:s29+$0xFB40]  }
0x312: {  	v3 =	vld [tilespmem:s29+$0x5B10]  }
0x313: {  	v5 =	vld [tilespmem:s29+$0xFB50]  }
0x314: {  	v4 =	vld [tilespmem:s29+$0x5B20]  }
0x315: {  	v6 =	vld [tilespmem:s29+$0xFB60]  }
0x316: {  	v7 =	vld [tilespmem:s29+$0x5B30]  }
0x317: {  	v8 =	vld [tilespmem:s29+$0xFB70]  }
0x318: {  	v59 =	vld [tilespmem:s29+$0x5A80]  }
0x319: {  	v60 =	vld [tilespmem:s29+$0xFAC0]  }
0x31a: {  	v61 =	vld [tilespmem:s29+$0x5A90]  }
0x31b: {  	v62 =	vld [tilespmem:s29+$0xFAD0]  }
0x31c: {  	v63 =	vld [tilespmem:s29+$0x5AA0]  }
0x31d: {  	v28 =	vld [tilespmem:s29+$0xFA50]  }
0x31e: {  	v9 =	vld [tilespmem:s29+$0x5A20]  }
0x31f: {  	v29 =	vld [tilespmem:s29+$0xFA60]  }
0x320: {  	v31 =	vld [tilespmem:s29+$0x5A30]  }
0x321: {  	v39 =	vld [tilespmem:s29+$0xFA70]  }
0x322: {  	v10 =	vld [tilespmem:s29+$0x5980]  }
0x323: {  	v32 =	vld [tilespmem:s29+$0xF9C0]  }
0x324: {  	v52 =	vld [tilespmem:s29+$0x5990]  }
0x325: {  	v43 =	vld [tilespmem:s29+$0xF9D0]  }
0x326: {  	v46 =	vld [tilespmem:s29+$0x59B0]  }
0x327: {  	v47 =	vld [tilespmem:s29+$0xF9F0]  }
0x328: {  	v11 =	vld [tilespmem:s29+$0x5900]  }
0x329: {  	v33 =	vld [tilespmem:s29+$0xF940]  }
0x32a: {  	v34 =	vld [tilespmem:s29+$0x5910]  }
0x32b: {  	v35 =	vld [tilespmem:s29+$0xF950]  }
0x32c: {  	v36 =	vld [tilespmem:s29+$0x5920]  }
0x32d: {  	v37 =	vld [tilespmem:s29+$0x5880]  }
0x32e: {  	v38 =	vld [tilespmem:s29+$0xF8C0]  }
0x32f: {  	v40 =	vld [tilespmem:s29+$0x5890]  }
0x330: {  	v51 =	vld [tilespmem:s29+$0xF8D0]  }
0x331: {  	v41 =	vld [tilespmem:s29+$0x58A0]  }
0x332: {  	v42 =	vld [tilespmem:s29+$0xF8E0]  }
0x333: {  	v44 =	vld [tilespmem:s29+$0x58B0]  }
0x334: {  	v55 =	vld [tilespmem:s29+$0xF8F0]  }
0x335: {  	v12 =	vld [tilespmem:s29+$0xF840]  }
0x336: {  	v13 =	vld [tilespmem:s29+$0x5810]  }
0x337: {  	v45 =	vld [tilespmem:s29+$0xF850]  }
0x338: {  	v14 =	vld [tilespmem:s29+$0xF860]  }
0x339: {  	v48 =	vld [tilespmem:s29+$0x5830]  }
0x33a: {  	v49 =	vld [tilespmem:s29+$0xF870]  }
0x33b: {  	v17 =	vld [tilespmem:s29+$0x5780]  }
0x33c: {  	v18 =	vld [tilespmem:s29+$0xF7C0]  }
0x33d: {  	v15 =	vld [tilespmem:s29+$0x5790]  }
0x33e: {  	v16 =	vld [tilespmem:s29+$0xF7D0]  }
0x33f: {  	v50 =	vld [tilespmem:s29+$0x57A0]  }
0x340: {  	v56 =	vld [tilespmem:s29+$0x5680]  }
0x341: {  	v30 =	vld [tilespmem:s29+$0xF6F0]  }
0x342: {  	v23 =	vld [tilespmem:s29+$0x5600]  }
0x343: {  	v24 =	vld [tilespmem:s29+$0xF640]  }
0x344: {  	v21 =	vld [tilespmem:s29+$0x5610]  }
0x345: {  	v22 =	vld [tilespmem:s29+$0xF650]  }
0x346: {  	v20 =	vld [tilespmem:s29+$0x5620]  }
0x347: {  	v53 =	vld [tilespmem:s29+$0x5580]  }
0x348: {  	v54 =	vld [tilespmem:s29+$0x55A0]  }
0x349: {  	[tilespmem:$0x1FA60] =	vst v60;
	v60 =	vld [tilespmem:s29+$0x5A00]  }
0x34a: {  	[tilespmem:$0x1FA50] =	vst v59;
	v59 =	vld [tilespmem:s29+$0xFA40]  }
0x34b: {  	[tilespmem:$0x1FA40] =	vst v58;
	v58 =	vld [tilespmem:s29+$0x5A10]  }
0x34c: {  	[tilespmem:$0x1FA70] =	vst v61;
	v61 =	vld [tilespmem:s29+$0x59A0]  }
0x34d: {  	[tilespmem:$0x1FA30] =	vst v57;
	v57 =	vld [tilespmem:s29+$0xF9E0]  }
0x34e: {  	[tilespmem:$0x1FB10] =	vst v10;
	v10 =	vld [tilespmem:s29+$0x5800]  }
0x34f: {  	[tilespmem:$0x1FAA0] =	vst v11;
	v11 =	vld [tilespmem:s29+$0x5820]  }
0x350: {  	[tilespmem:$0x1FAF0] =	vst v50;
	v50 =	vld [tilespmem:s29+$0x5700]  }
0x351: {  	[tilespmem:$0x1FB30] =	vst v38;
	v38 =	vld [tilespmem:s29+$0xF740]  }
0x352: {  	[tilespmem:$0x1FB70] =	vst v44;
	v44 =	vld [tilespmem:s29+$0x5710]  }
0x353: {  	[tilespmem:$0x1FAB0] =	vst v33;
	v33 =	vld [tilespmem:s29+$0xF750]  }
0x354: {  	[tilespmem:$0x1FB90] =	vst v48;
	v48 =	vld [tilespmem:s29+$0x5720]  }
0x355: {  	[tilespmem:$0x1FB60] =	vst v42;
	v42 =	vld [tilespmem:s29+$0xF760]  }
0x356: {  	[tilespmem:$0x1FB80] =	vst v45;
	v45 =	vld [tilespmem:s29+$0x5730]  }
0x357: {  	[tilespmem:$0x1FAC0] =	vst v34;
	v34 =	vld [tilespmem:s29+$0xF770]  }
0x358: {  	[tilespmem:$0x1FAE0] =	vst v36;
	v36 =	vld [tilespmem:s29+$0xF6C0]  }
0x359: {  	[tilespmem:$0x1FB20] =	vst v37;
	v37 =	vld [tilespmem:s29+$0x5690]  }
0x35a: {  	[tilespmem:$0x1FAD0] =	vst v35;
	v35 =	vld [tilespmem:s29+$0xF6D0]  }
0x35b: {  	[tilespmem:$0x1FBA0] =	vst v49;
	v49 =	vld [tilespmem:s29+$0x56A0]  }
0x35c: {  	[tilespmem:$0x1FB40] =	vst v40;
	v40 =	vld [tilespmem:s29+$0xF6E0]  }
0x35d: {  	[tilespmem:$0x1FB50] =	vst v41;
	v41 =	vld [tilespmem:s29+$0x56B0]  }
0x35e: {  	[tilespmem:$0x1FA80] =	vst v62;
	v62 =	vld [tilespmem:s29+$0xF5C0]  }
0x35f: {  	[tilespmem:$0x1FA90] =	vst v63;
	v63 =	vld [tilespmem:s29+$0x5590]  }
0x360: {  	[tilespmem:$0x1FBB0] =	vst v53;
	v53 =	vld [tilespmem:s29+$0xF5D0]  }
0x361: {  	[tilespmem:$0x1FB00] =	vst v9;
	v9 =	vld [tilespmem:s29+$0xF5E0]  }
0x362: {  	[tilespmem:$0x1FBC0] =	vst v54;
	v54 =	vld [tilespmem:s29+$0x55B0]  }
0x363: {  	[tilespmem:$0x1FA20] =	vst v0;
	v0 =	vmul.f32 v5, v3;
	v3 =	vld [tilespmem:s29+$0xF540]  }
0x364: {  	v27 =	vmul.f32 v6, v4;
	v4 =	vld [tilespmem:s29+$0x5510]  }
0x365: {  	v25 =	vmul.f32 v2, v1;
	v26 =	vmul.f32 v8, v7;
	v8 =	vld [tilespmem:$0x1FB00]  }
0x366: {  	v6 =	vld [tilespmem:$0x1FB20]  }
0x367: {  	v7 =	vld [tilespmem:$0x1FB30];
	v0 =	vadd.f32 v0, v25;
	v26 =	vadd.f32 v26, v27  }
0x368: {  	v5 =	vmul.f32 v47, v46;
	v47 =	vld [tilespmem:$0x1FB40]  }
0x369: {  	v0 =	vadd.f32 v26, v0;
	v26 =	vld [tilespmem:s29+$0xF570]  }
0x36a: {  	[tilespmem:$0x1FBE0] =	vst v54;
	v54 =	vld [tilespmem:s29+$0xF5F0]  }
0x36b: {  	[tilespmem:$0x1FBD0] =	vst v9;
	v9 =	vld [tilespmem:s29+$0x5500]  }
0x36c: {  	v28 =	vmul.f32 v28, v58;
	v58 =	vld [tilespmem:s29+$0xF550]  }
0x36d: {  	v59 =	vmul.f32 v59, v60;
	v60 =	vld [tilespmem:s29+$0x5520]  }
0x36e: {  	v61 =	vmul.f32 v57, v61;
	v57 =	vld [tilespmem:$0x1FB50]  }
0x36f: {  	v44 =	vmul.f32 v33, v44;
	v33 =	vld [tilespmem:s29+$0xF460]  }
0x370: {  	v25 =	vmul.f32 v29, v8;
	v29 =	vmul.f32 v39, v31;
	v39 =	vld [tilespmem:$0x1FB10]  }
0x371: {  	v2 =	vmul.f32 v36, v56;
	v36 =	vld [tilespmem:s29+$0xF470]  }
0x372: {  	v56 =	vld [tilespmem:$0x1FBC0]  }
0x373: {  	v30 =	vmul.f32 v30, v41;
	v41 =	vld [tilespmem:s29+$0xF4E0]  }
0x374: {  	v31 =	vmul.f32 v43, v52;
	v43 =	vld [tilespmem:s29+$0xF560];
	v28 =	vadd.f32 v28, v59;
	v25 =	vadd.f32 v29, v25  }
0x375: {  	v52 =	vld [tilespmem:s29+$0x5530];
	v27 =	vmul.f32 v32, v39  }
0x376: {  	v38 =	vmul.f32 v38, v50;
	v8 =	vmul.f32 v7, v6;
	v59 =	vld [tilespmem:$0x1FB60];
	v25 =	vadd.f32 v25, v28  }
0x377: {  	v51 =	vmul.f32 v51, v47;
	v29 =	vadd.f32 v31, v27;
	v31 =	vadd.f32 v5, v61;
	v61 =	vld [tilespmem:$0x1FB70]  }
0x378: {  	(xrf2) =	vadd.scan.msk.f32 $0xffff, v0;
	v44 =	vadd.f32 v44, v38;
	v38 =	vld [tilespmem:s29+$0x5490]  }
0x379: {  	(xrf2) =	vadd.scan.msk.f32 $0xffff, v25;
	v25 =	vadd.f32 v51, v8;
	v8 =	vld [tilespmem:$0x1FB80]  }
0x37a: {  	v28 =	vld [tilespmem:s29+$0x5400]  }
0x37b: {  	v0 =	vmul.f32 v59, v57;
	v57 =	vld [tilespmem:$0x1FBA0]  }
0x37c: {  	v5 =	vmul.f32 v55, v61;
	v55 =	vld [tilespmem:$0x1FB90]  }
0x37d: {  	v32 =	vld [tilespmem:s29+$0x5420];
	v6 =	vadd.f32 v31, v29  }
0x37e: {  	v7 =	vmul.f32 v12, v10;
	v27 =	vld [tilespmem:s29+$0xF440];
	v10 =	vmul.f32 v8, v13;
	v0 =	vadd.f32 v5, v0  }
0x37f: {  	v29 =	vld [tilespmem:s29+$0x5410];
	(xrf2) =	vadd.scan.msk.f32 $0xffff, v6;
	v61 =	vmul.f32 v34, v45  }
0x380: {  	v39 =	vadd.f32 v10, v7;
	v10 =	vld [tilespmem:$0x1FBB0];
	v0 =	vadd.f32 v0, v25;
	v25 =	vmul.f32 v42, v48  }
0x381: {  	v11 =	vmul.f32 v14, v11;
	v59 =	vmul.f32 v57, v55;
	v57 =	vld [tilespmem:$0x1FBD0]  }
0x382: {  	v6 =	vmul.f32 v40, v49;
	v25 =	vadd.f32 v61, v25;
	v61 =	vld [tilespmem:$0x1FBE0]  }
0x383: {  	v31 =	vld [tilespmem:s29+$0xF450];
	v5 =	vmul.f32 v35, v37;
	v1 =	vadd.f32 v59, v11  }
0x384: {  	v40 =	vld [tilespmem:s29+$0x54A0];
	v30 =	vadd.f32 v30, v6;
	v25 =	vadd.f32 v25, v44  }
0x385: {  	v47 =	vmul.f32 v58, v4;
	v34 =	vld [tilespmem:s29+$0x5430];
	v8 =	vadd.f32 v5, v2;
	v7 =	vadd.f32 v1, v39  }
0x386: {  	v35 =	vld [tilespmem:s29+$0x5480];
	v55 =	vmul.f32 v53, v63;
	(xrf2) =	vadd.scan.msk.f32 $0xffff, v0;
	v11 =	vmul.f32 v62, v10  }
0x387: {  	v50, _, _ =	vpop (xrf2);
	v37 =	vld [tilespmem:s29+$0xF4C0];
	v63 =	vadd.f32 v30, v8;
	v59 =	vmul.f32 v57, v56;
	(xrf2) =	vadd.scan.msk.f32 $0xffff, v7;
	v62 =	vmul.f32 v54, v61  }
0x388: {  	v43 =	vmul.f32 v43, v60;
	v45 =	vmul.f32 v3, v9;
	v42 =	vld [tilespmem:s29+$0x54B0];
	(xrf2) =	vadd.scan.msk.f32 $0xffff, v25;
	v25, _, _ =	vpop (xrf2)  }
0x389: {  	s0 =	simm.s32 $0x4000;
	v44 =	vmul.f32 v26, v52;
	v39 =	vld [tilespmem:s29+$0xF4D0];
	v30 =	vadd.f32 v55, v11;
	v46 =	vadd.f32 v62, v59;
	v26, _, _ =	vpop (xrf2);
	(xrf2) =	vadd.scan.msk.f32 $0xffff, v63  }
.LBB2_5:
0x38a: {  	v48 =	vld [tilespmem:s29+$0xF4F0]  }
0x38b: {  	v4 =	vld [tilespmem:s29+$0x5630]  }
0x38c: {  	v7 =	vld [tilespmem:s29+$0xF7E0]  }
0x38d: {  	v10 =	vld [tilespmem:s29+$0x57B0]  }
0x38e: {  	v23 =	vmul.f32 v24, v23;
	v24 =	vld [tilespmem:s29+$0xF7F0]  }
0x38f: {  	v21 =	vmul.f32 v22, v21;
	v22 =	vld [tilespmem:s29+$0xF960]  }
0x390: {  	v1 =	vld [tilespmem:$0x1FAB0]  }
0x391: {  	v13 =	vld [tilespmem:s29+$0xFAF0]  }
0x392: {  	v49 =	vld [tilespmem:$0x1FA50]  }
0x393: {  	v51 =	vld [tilespmem:$0x1FA60]  }
0x394: {  	v53 =	vld [tilespmem:$0x1FA70]  }
0x395: {  	v54 =	vld [tilespmem:$0x1FA80]  }
0x396: {  	v55 =	vld [tilespmem:$0x1FA90]  }
0x397: {  	v58 =	vld [tilespmem:$0x1FA20]  }
0x398: {  	v59 =	vld [tilespmem:$0x1FA30];
	v45 =	vadd.f32 v47, v45  }
0x399: {  	v47 =	vld [tilespmem:$0x1FAD0];
	v27 =	vmul.f32 v27, v28;
	v28 =	vmul.f32 v31, v29;
	v29 =	vadd.f32 v44, v43  }
0x39a: {  	v46 =	vadd.f32 v46, v30;
	v31 =	vld [tilespmem:s29+$0xF660];
	v32 =	vmul.f32 v33, v32;
	v63 =	vmul.f32 v36, v34  }
0x39b: {  	v5 =	vmul.f32 v37, v35;
	v6 =	vmul.f32 v39, v38;
	v0 =	vadd.f32 v29, v45;
	v29 =	vld [tilespmem:s29+$0xF670]  }
0x39c: {  	v8 =	vmul.f32 v41, v40;
	v17 =	vmul.f32 v18, v17;
	v18 =	vld [tilespmem:s29+$0xF970];
	v30, _, _ =	vpop (xrf2);
	(xrf2) =	vadd.scan.msk.f32 $0xffff, v46  }
0x39d: {  	v43 =	vld [tilespmem:$0x1FAF0];
	v9 =	vmul.f32 v48, v42;
	v27 =	vadd.f32 v28, v27;
	v32 =	vadd.f32 v63, v32  }
0x39e: {  	v44 =	vld [tilespmem:$0x1FAA0];
	v11 =	vadd.f32 v6, v5  }
0x39f: {  	v48 =	vld [tilespmem:$0x1FAE0];
	v36, _, _ =	vpop (xrf2);
	v41 =	vadd.f32 v9, v8;
	(xrf2) =	vadd.scan.msk.f32 $0xffff, v0;
	v27 =	vadd.f32 v32, v27  }
0x3a0: {  	v46 =	vld [tilespmem:$0x1FAC0];
	v20 =	vmul.f32 v31, v20;
	v29 =	vmul.f32 v29, v4  }
0x3a1: {  	v28, _, _ =	vpop (xrf2);
	v31 =	vld [tilespmem:s29+$0x5930];
	(xrf2) =	vadd.scan.msk.f32 $0xffff, v27;
	v27 =	vadd.f32 v41, v11  }
0x3a2: {  	v60 =	vld [tilespmem:$0x1FA40];
	v2 =	vadd.f32 v21, v23;
	v14 =	vmul.f32 v16, v15;
	v20 =	vadd.f32 v29, v20  }
0x3a3: {  	v16 =	vld [tilespmem:s29+$0xFAE0];
	v23 =	vmul.f32 v24, v10;
	v42, _, _ =	vpop (xrf2);
	v15 =	vmul.f32 v7, v43;
	(xrf2) =	vadd.scan.msk.f32 $0xffff, v27  }
0x3a4: {  	v24 =	vld [tilespmem:s29+$0x5AB0];
	v14 =	vadd.f32 v14, v17;
	v20 =	vadd.f32 v20, v2  }
0x3a5: {  	v6 =	vld [tilespmem:s29+$0xFBF0];
	v12 =	vmul.f32 v1, v44;
	v10 =	vmul.f32 v22, v48;
	v45 =	vadd.f32 v23, v15  }
0x3a6: {  	v8 =	vld [tilespmem:s29+$0x5BB0];
	v9 =	vmul.f32 v47, v46;
	v17 =	vmul.f32 v18, v31;
	v21, _, _ =	vpop (xrf2);
	(xrf2) =	vadd.scan.msk.f32 $0xffff, v20  }
0x3a7: {  	v7 =	vmul.f32 v51, v49;
	v11 =	vld [tilespmem:s29+$0x5BA0];
	v14 =	vadd.f32 v45, v14  }
0x3a8: {  	v5 =	vmul.f32 v16, v55;
	v9 =	vadd.f32 v9, v12;
	v18 =	vld [tilespmem:s29+$0xFBE0];
	v52 =	vadd.f32 v17, v10  }
0x3a9: {  	v4 =	vmul.f32 v54, v53;
	v12 =	vmul.f32 v13, v24;
	v15, _, _ =	vpop (xrf2);
	(xrf2) =	vadd.scan.msk.f32 $0xffff, v14  }
0x3aa: {  	v9 =	vadd.f32 v52, v9  }
0x3ab: {  	v4 =	vadd.f32 v4, v7;
	v57 =	vadd.f32 v12, v5  }
0x3ac: {  	v0 =	vmul.f32 v58, v19;
	v1 =	vmul.f32 v60, v59;
	v56, _, _ =	vpop (xrf2);
	(xrf2) =	vadd.scan.msk.f32 $0xffff, v9  }
0x3ad: {  	v8 =	vmul.f32 v6, v8;
	v61 =	vadd.f32 v57, v4;
	v3 =	vmul.f32 v18, v11;
	v62, _, _ =	vpop (xrf2)  }
0x3ae: {  	v63 =	vbroadcast v56, $0xF;
	v5 =	vbroadcast v62, $0xF  }
0x3af: {  	v0 =	vadd.f32 v1, v0;
	v9 =	vbroadcast v15, $0xF;
	v10 =	vadd.f32 v8, v3;
	(xrf2) =	vadd.scan.msk.f32 $0xffff, v61  }
0x3b0: {  	v33 =	vbroadcast v21, $0xF;
	v11 =	vsel vm0, v63, v5;
	v34, _, _ =	vpop (xrf2)  }
0x3b1: {  	v0 =	vadd.f32 v10, v0;
	v2 =	vsel vm1, v11, v9;
	v35 =	vbroadcast v34, $0xF  }
0x3b2: {  	v38 =	vbroadcast v42, $0xF;
	v37 =	vsel vm2, v2, v33  }
0x3b3: {  	v39 =	vbroadcast v28, $0xF;
	v40, _, _ =	vpop (xrf2);
	(xrf2) =	vadd.scan.msk.f32 $0xffff, v0;
	v1 =	vsel vm3, v37, v35  }
0x3b4: {  	v42 =	vbroadcast v40, $0xF;
	v41 =	vsel vm4, v1, v38  }
0x3b5: {  	v43 =	vbroadcast v36, $0xF;
	v0 =	vsel vm5, v41, v39  }
0x3b6: {  	v44 =	vbroadcast v30, $0xF;
	v45, _, _ =	vpop (xrf2);
	v0 =	vsel vm6, v0, v42  }
0x3b7: {  	v46 =	vbroadcast v45, $0xF;
	v0 =	vsel vm7, v0, v43  }
0x3b8: {  	v47 =	vbroadcast v26, $0xF;
	v0 =	vsel vm8, v0, v44  }
0x3b9: {  	v48 =	vbroadcast v25, $0xF;
	v49, _, _ =	vpop (xrf2);
	v0 =	vsel vm9, v0, v46  }
0x3ba: {  	v3 =	vbroadcast v49, $0xF;
	v0 =	vsel vm10, v0, v47  }
0x3bb: {  	v51 =	vbroadcast v50, $0xF;
	v0 =	vsel vm11, v0, v48  }
0x3bc: {  	v0 =	vsel vm12, v0, v3  }
0x3bd: {  	v52, _, _ =	vpop (xrf2);
	v0 =	vsel vm13, v0, v51  }
0x3be: {  	s28 =	sadd.s32 $0x10, s28;
	v0 =	vsel vm14, v0, v52  }
0x3bf: {  	s29 =	sshra.s32 s0, $0x2;
	[tilespmem:s28+$0x0] =	vst v0  }
0x3c0: {  	v0 =	vld [tilespmem:s29+$0x5B80]  }
0x3c1: {  	v53 =	vld [tilespmem:s29+$0xFBC0]  }
0x3c2: {  	v54 =	vld [tilespmem:s29+$0x5B90]  }
0x3c3: {  	v55 =	vld [tilespmem:s29+$0xFBD0]  }
0x3c4: {  	v22 =	vld [tilespmem:s29+$0x5B00]  }
0x3c5: {  	v25 =	vld [tilespmem:s29+$0xFB40]  }
0x3c6: {  	v26 =	vld [tilespmem:s29+$0x5B10]  }
0x3c7: {  	v28 =	vld [tilespmem:s29+$0xFB50]  }
0x3c8: {  	v56 =	vld [tilespmem:s29+$0x5B20]  }
0x3c9: {  	v27 =	vld [tilespmem:s29+$0xFB60]  }
0x3ca: {  	v30 =	vld [tilespmem:s29+$0x5B30]  }
0x3cb: {  	v23 =	vld [tilespmem:s29+$0xFB70]  }
0x3cc: {  	v57 =	vld [tilespmem:s29+$0x5A80]  }
0x3cd: {  	v58 =	vld [tilespmem:s29+$0xFAC0]  }
0x3ce: {  	v59 =	vld [tilespmem:s29+$0x5A90]  }
0x3cf: {  	v60 =	vld [tilespmem:s29+$0xFAD0]  }
0x3d0: {  	v61 =	vld [tilespmem:s29+$0x5AA0]  }
0x3d1: {  	v29 =	vld [tilespmem:s29+$0x5A00]  }
0x3d2: {  	v24 =	vld [tilespmem:s29+$0xFA40]  }
0x3d3: {  	v1 =	vld [tilespmem:s29+$0x5A10]  }
0x3d4: {  	v38 =	vld [tilespmem:s29+$0xFA50]  }
0x3d5: {  	v62 =	vld [tilespmem:s29+$0x5A20]  }
0x3d6: {  	v31 =	vld [tilespmem:s29+$0xFA60]  }
0x3d7: {  	v42 =	vld [tilespmem:s29+$0x5A30]  }
0x3d8: {  	v45 =	vld [tilespmem:s29+$0xFA70]  }
0x3d9: {  	v63 =	vld [tilespmem:s29+$0x5980]  }
0x3da: {  	v37 =	vld [tilespmem:s29+$0xF9C0]  }
0x3db: {  	v36 =	vld [tilespmem:s29+$0x5990]  }
0x3dc: {  	v43 =	vld [tilespmem:s29+$0xF9D0]  }
0x3dd: {  	v34 =	vld [tilespmem:s29+$0x59A0]  }
0x3de: {  	v44 =	vld [tilespmem:s29+$0xF9E0]  }
0x3df: {  	v32 =	vld [tilespmem:s29+$0x59B0]  }
0x3e0: {  	v4 =	vld [tilespmem:s29+$0x5900]  }
0x3e1: {  	v5 =	vld [tilespmem:s29+$0xF940]  }
0x3e2: {  	v6 =	vld [tilespmem:s29+$0x5910]  }
0x3e3: {  	v7 =	vld [tilespmem:s29+$0xF950]  }
0x3e4: {  	v8 =	vld [tilespmem:s29+$0x5920]  }
0x3e5: {  	v48 =	vld [tilespmem:s29+$0x5880]  }
0x3e6: {  	v50 =	vld [tilespmem:s29+$0xF8C0]  }
0x3e7: {  	v51 =	vld [tilespmem:s29+$0x5890]  }
0x3e8: {  	v52 =	vld [tilespmem:s29+$0x58A0]  }
0x3e9: {  	v49 =	vld [tilespmem:s29+$0x5800]  }
0x3ea: {  	v9 =	vld [tilespmem:s29+$0x5780]  }
0x3eb: {  	v10 =	vld [tilespmem:s29+$0xF7C0]  }
0x3ec: {  	v11 =	vld [tilespmem:s29+$0x5790]  }
0x3ed: {  	v33 =	vld [tilespmem:s29+$0xF7D0]  }
0x3ee: {  	v35 =	vld [tilespmem:s29+$0x57A0]  }
0x3ef: {  	v2 =	vld [tilespmem:s29+$0x5710]  }
0x3f0: {  	v3 =	vld [tilespmem:s29+$0xF750]  }
0x3f1: {  	v39 =	vld [tilespmem:s29+$0x5680]  }
0x3f2: {  	v12 =	vld [tilespmem:s29+$0x56A0]  }
0x3f3: {  	v13 =	vld [tilespmem:s29+$0xF6E0]  }
0x3f4: {  	v14 =	vld [tilespmem:s29+$0x56B0]  }
0x3f5: {  	v15 =	vld [tilespmem:s29+$0xF6F0]  }
0x3f6: {  	v47 =	vld [tilespmem:s29+$0x5600]  }
0x3f7: {  	v46 =	vld [tilespmem:s29+$0xF640]  }
0x3f8: {  	v41 =	vld [tilespmem:s29+$0x5610]  }
0x3f9: {  	v40 =	vld [tilespmem:s29+$0xF650]  }
0x3fa: {  	v16 =	vld [tilespmem:s29+$0x5580]  }
0x3fb: {  	v17 =	vld [tilespmem:s29+$0xF5C0]  }
0x3fc: {  	v18 =	vld [tilespmem:s29+$0x5590]  }
0x3fd: {  	v20 =	vld [tilespmem:s29+$0xF5D0]  }
0x3fe: {  	v19 =	vld [tilespmem:s29+$0x55A0]  }
0x3ff: {  	v21 =	vld [tilespmem:s29+$0xF5E0]  }
0x400: {  	[tilespmem:$0x1F850] =	vst v0;
	v0 =	vld [tilespmem:s29+$0xF9F0]  }
0x401: {  	[tilespmem:$0x1FA30] =	vst v54;
	v54 =	vld [tilespmem:s29+$0xF8D0]  }
0x402: {  	[tilespmem:$0x1FA40] =	vst v55;
	v55 =	vld [tilespmem:s29+$0xF8E0]  }
0x403: {  	[tilespmem:$0x1F7E0] =	vst v56;
	v56 =	vld [tilespmem:s29+$0x58B0]  }
0x404: {  	[tilespmem:$0x1FA50] =	vst v57;
	v57 =	vld [tilespmem:s29+$0xF8F0]  }
0x405: {  	[tilespmem:$0x1FA20] =	vst v53;
	v53 =	vld [tilespmem:s29+$0xF840]  }
0x406: {  	[tilespmem:$0x1FA60] =	vst v58;
	v58 =	vld [tilespmem:s29+$0x5810]  }
0x407: {  	[tilespmem:$0x1FA70] =	vst v59;
	v59 =	vld [tilespmem:s29+$0xF850]  }
0x408: {  	[tilespmem:$0x1FA80] =	vst v60;
	v60 =	vld [tilespmem:s29+$0x5820]  }
0x409: {  	[tilespmem:$0x1FA90] =	vst v61;
	v61 =	vld [tilespmem:s29+$0xF860]  }
0x40a: {  	[tilespmem:$0x1F7F0] =	vst v62;
	v62 =	vld [tilespmem:s29+$0x5830]  }
0x40b: {  	[tilespmem:$0x1F800] =	vst v63;
	v63 =	vld [tilespmem:s29+$0xF870]  }
0x40c: {  	[tilespmem:$0x1F830] =	vst v33;
	v33 =	vld [tilespmem:s29+$0x5700]  }
0x40d: {  	[tilespmem:$0x1FAF0] =	vst v35;
	v35 =	vld [tilespmem:s29+$0xF740]  }
0x40e: {  	[tilespmem:$0x1FAA0] =	vst v4;
	v4 =	vld [tilespmem:s29+$0x5720]  }
0x40f: {  	[tilespmem:$0x1FAB0] =	vst v5;
	v5 =	vld [tilespmem:s29+$0xF760]  }
0x410: {  	[tilespmem:$0x1FAC0] =	vst v6;
	v6 =	vld [tilespmem:s29+$0x5730]  }
0x411: {  	[tilespmem:$0x1FAD0] =	vst v7;
	v7 =	vld [tilespmem:s29+$0xF770]  }
0x412: {  	[tilespmem:$0x1FAE0] =	vst v8;
	v8 =	vld [tilespmem:s29+$0xF6C0]  }
0x413: {  	[tilespmem:$0x1F840] =	vst v10;
	v10 =	vld [tilespmem:s29+$0x5690]  }
0x414: {  	[tilespmem:$0x1F810] =	vst v11;
	v11 =	vld [tilespmem:s29+$0xF6D0]  }
0x415: {  	[tilespmem:$0x1F820] =	vst v9;
	v9 =	vld [tilespmem:s29+$0x5620]  }
0x416: {  	v25 =	vmul.f32 v25, v22;
	v26 =	vmul.f32 v28, v26;
	v22 =	vld [tilespmem:s29+$0x55B0]  }
0x417: {  	v28 =	vld [tilespmem:$0x1F7E0]  }
0x418: {  	v25 =	vadd.f32 v26, v25;
	v26 =	vmul.f32 v24, v29;
	v24 =	vld [tilespmem:s29+$0xF540]  }
0x419: {  	v29 =	vmul.f32 v38, v1;
	v38 =	vld [tilespmem:$0x1F7F0]  }
0x41a: {  	v1 =	vld [tilespmem:s29+$0xF550]  }
0x41b: {  	v26 =	vadd.f32 v29, v26;
	v29 =	vmul.f32 v43, v36;
	v43 =	vld [tilespmem:s29+$0x5520]  }
0x41c: {  	v36 =	vld [tilespmem:s29+$0xF470];
	v32 =	vmul.f32 v0, v32  }
0x41d: {  	v0 =	vld [tilespmem:s29+$0x5530];
	v27 =	vmul.f32 v27, v28;
	v28 =	vmul.f32 v23, v30  }
0x41e: {  	v35 =	vmul.f32 v35, v33;
	v33 =	vld [tilespmem:s29+$0xF460]  }
0x41f: {  	v30 =	vld [tilespmem:s29+$0xF5F0];
	v27 =	vadd.f32 v28, v27  }
0x420: {  	v2 =	vmul.f32 v3, v2;
	v23 =	vld [tilespmem:s29+$0x5500]  }
0x421: {  	v25 =	vadd.f32 v27, v25;
	v27 =	vld [tilespmem:$0x1F800]  }
0x422: {  	v2 =	vadd.f32 v2, v35;
	v35 =	vld [tilespmem:s29+$0x5480]  }
0x423: {  	v28 =	vmul.f32 v31, v38;
	v31 =	vmul.f32 v45, v42;
	v42 =	vld [tilespmem:s29+$0x5510]  }
0x424: {  	v45 =	vmul.f32 v53, v49;
	v38 =	vld [tilespmem:s29+$0x5490]  }
0x425: {  	v49 =	vmul.f32 v59, v58;
	v59 =	vmul.f32 v17, v16;
	v17 =	vld [tilespmem:$0x1F820]  }
0x426: {  	v16 =	vld [tilespmem:$0x1F830];
	v28 =	vadd.f32 v31, v28;
	v31 =	vmul.f32 v44, v34;
	v27 =	vmul.f32 v37, v27  }
0x427: {  	v55 =	vmul.f32 v55, v52;
	v44 =	vld [tilespmem:s29+$0xF560]  }
0x428: {  	v57 =	vmul.f32 v57, v56;
	v34 =	vld [tilespmem:s29+$0x5430];
	(xrf2) =	vadd.scan.msk.f32 $0xffff, v25;
	v31 =	vadd.f32 v32, v31;
	v25 =	vadd.f32 v29, v27  }
0x429: {  	v26 =	vadd.f32 v28, v26;
	v28 =	vmul.f32 v50, v48;
	v48 =	vld [tilespmem:s29+$0xF570]  }
0x42a: {  	v32 =	vadd.f32 v57, v55;
	v57 =	vmul.f32 v15, v14;
	v15 =	vld [tilespmem:$0x1F810];
	v25 =	vadd.f32 v31, v25  }
0x42b: {  	v50 =	vmul.f32 v61, v60;
	v60 =	vmul.f32 v20, v18;
	v18 =	vld [tilespmem:$0x1F840];
	(xrf2) =	vadd.scan.msk.f32 $0xffff, v26  }
0x42c: {  	v4 =	vmul.f32 v5, v4;
	v61 =	vmul.f32 v21, v19;
	v19 =	vld [tilespmem:$0x1F850];
	(xrf2) =	vadd.scan.msk.f32 $0xffff, v25  }
0x42d: {  	v53 =	vmul.f32 v7, v6;
	v21 =	vmov v41;
	v41 =	vld [tilespmem:s29+$0xF4E0];
	v29 =	vmul.f32 v54, v51  }
0x42e: {  	v56 =	vmul.f32 v13, v12;
	v37 =	vld [tilespmem:s29+$0xF4C0];
	v51 =	vmul.f32 v63, v62  }
0x42f: {  	v4 =	vadd.f32 v53, v4;
	v55 =	vmul.f32 v11, v10;
	v27 =	vld [tilespmem:s29+$0xF440];
	v26 =	vadd.f32 v29, v28  }
0x430: {  	v54 =	vmul.f32 v8, v39;
	v39 =	vld [tilespmem:s29+$0xF4D0];
	v52 =	vadd.f32 v51, v50;
	v25 =	vadd.f32 v49, v45  }
0x431: {  	p0 =	sne.s32 s0, $0x12000;
	v5 =	vadd.f32 v57, v56;
	v62 =	vmul.f32 v30, v22;
	v22 =	vmovc v40;
	v40 =	vld [tilespmem:s29+$0x54A0];
	v26 =	vadd.f32 v32, v26  }
.Ltmp1:
0x432: {  	v28 =	vld [tilespmem:s29+$0x5400];
	v58 =	vadd.f32 v55, v54;
	v3 =	vadd.f32 v52, v25;
	(pc) =	sbr.rel @p0 .LBB2_5-.Ltmp1, $4  }
0x433: {  	v2 =	vadd.f32 v4, v2;
	v20 =	vmov v9;
	v29 =	vld [tilespmem:s29+$0x5410];
	(xrf2) =	vadd.scan.msk.f32 $0xffff, v26  }
0x434: {  	v43 =	vmul.f32 v44, v43;
	v30 =	vadd.f32 v60, v59;
	v31 =	vld [tilespmem:s29+$0xF450];
	v63 =	vadd.f32 v5, v58;
	v50, _, _ =	vpop (xrf2);
	(xrf2) =	vadd.scan.msk.f32 $0xffff, v3  }
0x435: {  	v44 =	vmul.f32 v48, v0;
	v32 =	vld [tilespmem:s29+$0x5420];
	v45 =	vmul.f32 v24, v23;
	v24 =	vmov v46;
	v25, _, _ =	vpop (xrf2);
	(xrf2) =	vadd.scan.msk.f32 $0xffff, v2  }
0x436: {  	s0 =	sadd.s32 $0x2000, s0;
	v23 =	vmov v47;
	v47 =	vmul.f32 v1, v42;
	v46 =	vadd.f32 v62, v61;
	v42 =	vld [tilespmem:s29+$0x54B0];
	v26, _, _ =	vpop (xrf2);
	(xrf2) =	vadd.scan.msk.f32 $0xffff, v63  }
0x437: {  	v0 =	vld [tilespmem:s29+$0xF4F0]  }
0x438: {  	v1 =	vld [tilespmem:s29+$0xF660]  }
0x439: {  	v5 =	vld [tilespmem:s29+$0x5630]  }
0x43a: {  	v9 =	vld [tilespmem:s29+$0xF670]  }
0x43b: {  	v13 =	vld [tilespmem:s29+$0xF7E0]  }
0x43c: {  	v14 =	vld [tilespmem:s29+$0x57B0]  }
0x43d: {  	v49 =	vld [tilespmem:s29+$0xF960]  }
0x43e: {  	v51 =	vld [tilespmem:s29+$0x5930]  }
0x43f: {  	v53 =	vld [tilespmem:s29+$0xF970]  }
0x440: {  	v56 =	vld [tilespmem:s29+$0xFAE0]  }
0x441: {  	v57 =	vld [tilespmem:$0x1FAF0]  }
0x442: {  	v59 =	vld [tilespmem:s29+$0x5AB0]  }
0x443: {  	v61 =	vld [tilespmem:$0x1FAA0]  }
0x444: {  	v62 =	vld [tilespmem:$0x1FAB0]  }
0x445: {  	v63 =	vld [tilespmem:s29+$0xFAF0]  }
0x446: {  	v48 =	vmul.f32 v22, v21;
	v21 =	vld [tilespmem:$0x1FAD0]  }
0x447: {  	v3 =	vmul.f32 v27, v28;
	v8 =	vmul.f32 v36, v34;
	v10 =	vadd.f32 v44, v43;
	v22 =	vld [tilespmem:s29+$0x5BA0]  }
0x448: {  	v11 =	vmul.f32 v37, v35;
	v12 =	vmul.f32 v39, v38;
	v27 =	vld [tilespmem:s29+$0xFBE0];
	v2 =	vadd.f32 v47, v45  }
0x449: {  	v34 =	vld [tilespmem:$0x1FA80];
	v6 =	vadd.f32 v46, v30;
	v4 =	vmul.f32 v31, v29;
	v7 =	vmul.f32 v33, v32  }
0x44a: {  	v35 =	vld [tilespmem:s29+$0xFBF0];
	v45 =	vmul.f32 v41, v40;
	v11 =	vadd.f32 v12, v11;
	v0 =	vmul.f32 v0, v42  }
0x44b: {  	v47 =	vld [tilespmem:s29+$0xF7F0];
	v3 =	vadd.f32 v4, v3;
	v7 =	vadd.f32 v8, v7  }
0x44c: {  	v46 =	vmul.f32 v24, v23;
	v24 =	vld [tilespmem:$0x1FAE0];
	v2 =	vadd.f32 v10, v2;
	v0 =	vadd.f32 v0, v45  }
0x44d: {  	v30 =	vld [tilespmem:$0x1FA60];
	(xrf2) =	vadd.scan.msk.f32 $0xffff, v6;
	v1 =	vmul.f32 v1, v20;
	v5 =	vmul.f32 v9, v5;
	v3 =	vadd.f32 v7, v3  }
0x44e: {  	v52 =	vmul.f32 v18, v17;
	(xrf2) =	vadd.scan.msk.f32 $0xffff, v2;
	v20 =	vld [tilespmem:$0x1FAC0];
	v0 =	vadd.f32 v0, v11  }
0x44f: {  	v55 =	vmul.f32 v16, v15;
	v29 =	vld [tilespmem:$0x1FA50];
	v54 =	vadd.f32 v48, v46;
	v1 =	vadd.f32 v5, v1;
	(xrf2) =	vadd.scan.msk.f32 $0xffff, v3  }
0x450: {  	v37 =	vld [tilespmem:$0x1FA90];
	v8 =	vmul.f32 v13, v57;
	v58 =	vmul.f32 v47, v14;
	(xrf2) =	vadd.scan.msk.f32 $0xffff, v0  }
0x451: {  	v33 =	vld [tilespmem:$0x1FA70];
	v2 =	vadd.f32 v55, v52;
	v60 =	vadd.f32 v1, v54  }
0x452: {  	v43 =	vld [tilespmem:$0x1FA40];
	v6 =	vmul.f32 v53, v51;
	v12 =	vmul.f32 v49, v24;
	v18 =	vadd.f32 v58, v8  }
0x453: {  	v41 =	vld [tilespmem:$0x1FA20];
	v23, _, _ =	vpop (xrf2);
	v1 =	vmul.f32 v62, v61;
	v8 =	vmul.f32 v21, v20;
	(xrf2) =	vadd.scan.msk.f32 $0xffff, v60  }
0x454: {  	v31 =	vld [tilespmem:s29+$0x5BB0];
	v28, _, _ =	vpop (xrf2);
	v4 =	vmul.f32 v30, v29;
	v2 =	vadd.f32 v18, v2  }
0x455: {  	v42 =	vld [tilespmem:$0x1FA30];
	v5 =	vmul.f32 v56, v37;
	v32, _, _ =	vpop (xrf2);
	v6 =	vadd.f32 v6, v12;
	v1 =	vadd.f32 v8, v1  }
0x456: {  	v36, _, _ =	vpop (xrf2);
	v3 =	vmul.f32 v63, v59;
	v8 =	vmul.f32 v34, v33;
	(xrf2) =	vadd.scan.msk.f32 $0xffff, v2  }
0x457: {  	v38, _, _ =	vpop (xrf2);
	v1 =	vadd.f32 v6, v1  }
0x458: {  	v3 =	vadd.f32 v3, v5;
	v4 =	vadd.f32 v8, v4;
	v39, _, _ =	vpop (xrf2)  }
0x459: {  	v45 =	vmul.f32 v27, v22;
	v46 =	vmul.f32 v35, v31;
	(xrf2) =	vadd.scan.msk.f32 $0xffff, v1;
	v40, _, _ =	vpop (xrf2)  }
0x45a: {  	v10 =	vmul.f32 v43, v42;
	v8 =	vmul.f32 v41, v19;
	v44 =	vadd.f32 v3, v4;
	v47, _, _ =	vpop (xrf2)  }
0x45b: {  	v5 =	vbroadcast v40, $0xF;
	v7 =	vbroadcast v47, $0xF  }
0x45c: {  	v6 =	vbroadcast v39, $0xF;
	v8 =	vadd.f32 v10, v8;
	v3 =	vadd.f32 v46, v45;
	(xrf2) =	vadd.scan.msk.f32 $0xffff, v44  }
0x45d: {  	v2 =	vbroadcast v38, $0xF;
	v49, _, _ =	vpop (xrf2);
	v48 =	vsel vm0, v5, v7  }
0x45e: {  	v3 =	vadd.f32 v3, v8;
	v4 =	vbroadcast v49, $0xF;
	v1 =	vsel vm1, v48, v6  }
0x45f: {  	v51 =	vbroadcast v36, $0xF;
	v1 =	vsel vm2, v1, v2  }
0x460: {  	v52 =	vbroadcast v32, $0xF;
	(xrf2) =	vadd.scan.msk.f32 $0xffff, v3;
	v53, _, _ =	vpop (xrf2);
	v1 =	vsel vm3, v1, v4  }
0x461: {  	v54 =	vbroadcast v53, $0xF;
	v1 =	vsel vm4, v1, v51  }
0x462: {  	v0 =	vbroadcast v28, $0xF;
	v1 =	vsel vm5, v1, v52  }
0x463: {  	v55 =	vbroadcast v23, $0xF;
	v56, _, _ =	vpop (xrf2);
	v1 =	vsel vm6, v1, v54  }
0x464: {  	v57 =	vbroadcast v56, $0xF;
	v0 =	vsel vm7, v1, v0  }
0x465: {  	v58 =	vbroadcast v26, $0xF;
	v0 =	vsel vm8, v0, v55  }
0x466: {  	v59 =	vbroadcast v25, $0xF;
	v60, _, _ =	vpop (xrf2);
	v0 =	vsel vm9, v0, v57  }
0x467: {  	v61 =	vbroadcast v60, $0xF;
	v0 =	vsel vm10, v0, v58  }
0x468: {  	v62 =	vbroadcast v50, $0xF;
	v0 =	vsel vm11, v0, v59  }
0x469: {  	v0 =	vsel vm12, v0, v61  }
0x46a: {  	s25 =	sadd.s32 $0x1, s25;
	v63, _, _ =	vpop (xrf2);
	v0 =	vsel vm13, v0, v62  }
0x46b: {  	s0 =	sadd.s32 $0x10, s28;
	p0 =	sne.s32 s25, $0x20;
	v0 =	vsel vm14, v0, v63  }
.Ltmp2:
0x46c: {  	s31 =	sadd.s32 s7, s26;
	[tilespmem:s0+$0x0] =	vst v0;
	(pc) =	sbr.rel @p0 .LBB2_2-.Ltmp2, $4  }
0x46d: {  	[hbm4b:s31+s3] =	stream.linear.scatter [tilespmem:s23], [sflag:$0x3], $0xA0, $0x38;
	[tilespmem:$0x14600] =	vst v63  }
0x46e: {  	_ =	swait.ge [sflag:s11], $0xA0  }
0x46f: {  	[sflag:s11] =	ssyncset.done $0x0  }
0x470: {  	[sflag:s11] =	ssyncadd.s32 $0xFFFFFF60  }
0x471: {  	s24 =	sadd.s32 $0x1, s24  }
0x472: {  	p0 =	sne.s32 s24, s10  }
.Ltmp3:
0x473: {  	_ = 	snop;
	(pc) =	sbr.rel @p0 .LBB2_1-.Ltmp3, $1  }
0x474: {  	_ =	sdelay $0x3  }
0x475: {  	_ =	sfence.sel $0x180000  }
0x476: {  	[bflag:$0x0] =	sbarrier.arrive $0xFFFF  }
0x477: {  	_ =	strace $0x90000047  }
0x478: {  	[bflag:$0x2] =	sbarrier.arrive $0xFFFF  }
0x479: {  	p0 =	sne.s32 s1, $0x0;
	s0 =	rddreg [dreg:$0x2]  }
0x47a: {  	s0 =	sadd.s32 @!p0 $0x100000, s0  }
0x47b: {  	[sflag:s0] =	ssyncadd.tile.s32 @!p0 $0x1;
	_ =	shalt  }
.Lfunc_end2:
_tile_overlayer_lowered:
.L_overlay_start_2:
0x47c: {  	(tag) =	ssettag $0x2  }
0x47d: {  	s0 =	rddreg [dreg:$0x0];
	s2 =	stileid.u32  }
0x47e: {  	s1 =	rddreg [dreg:$0x1];
	p0 =	sne.s32 s2, $0x0  }
0x47f: {  	s3 =	rddreg [dreg:$0x2];
	[bflag:$0x3] =	sbarrier.arrive $0xFFFF;
	s2 =	simm.s32 @!p0 $0x1C03  }
0x480: {  	[timem:s3], [sflag:s2] =	dma.local @!p0 [hbm:s0], s1  }
0x481: {  	s0 =	simm.s32 @!p0 $0x3  }
0x482: {  	_ =	swait.ge @!p0 [sflag:s0], s1  }
0x483: {  	s1 =	ssub.s32 @!p0 $0x0, s1;
	[sflag:s0] =	ssyncset.done @!p0 $0x0  }
0x484: {  	[sflag:s0] =	ssyncadd.s32 @!p0 s1  }
0x485: {  	[bflag:$0x3] =	sbarrier.arrive $0xFFFF  }
0x486: {  	_ =	shalt  }

</sc_bundles>
